<compile_context>
chip_gen: v7x
topology: tpu7x:2x2x1
jax: 0.10.2.dev20260603
libtpu: 0.0.44.dev20260713+nightly
codegen_flags: <defaults>
</compile_context>

<pallas_src>
import functools

import jax
import jax.numpy as jnp
from jax import lax
from jax.experimental import pallas as pl
from jax.experimental.pallas import tpu as pltpu
from jax.experimental.pallas import tpu_sc as plsc

N = 100000
G_GRAPHS = 128
H = 50

NC = 2
NS = 16
NW = NC * NS

LANE = 128
NROWS = 800
NP = NROWS * LANE
CPW = 392
GSZ = 56
NGRP = CPW // GSZ
GL = GSZ * LANE
EP = NW * CPW * LANE
MASKHI = -65536

@functools.lru_cache(maxsize=None)
def _mesh():
  return plsc.VectorSubcoreMesh(core_axis_name="c", subcore_axis_name="s")


def _sc_hist(dst_hbm, zeros_hbm):

  @functools.partial(
      pl.kernel,
      out_type=jax.ShapeDtypeStruct((NC, NP), jnp.float32),
      mesh=_mesh(),
      scratch_types=[
          pltpu.VMEM_SHARED((NP,), jnp.float32),
          pltpu.VMEM((GL,), jnp.int32),
          pltpu.VMEM((GL,), jnp.int32),
          pltpu.VMEM((GL,), jnp.int32),
          pltpu.VMEM((GL,), jnp.float32),
          pltpu.VMEM((NP // NS,), jnp.float32),
          pltpu.SemaphoreType.DMA,
          pltpu.SemaphoreType.DMA,
          pltpu.SemaphoreType.DMA,
      ],
  )
  def k(dst_h, z_h, out_h, acc, didx0, didx1, didx2, ones_v, zv,
        semI, semS0, semS1):
    didx = [didx0, didx1, didx2]
    semS = [semS0, semS1]
    c = lax.axis_index("c")
    s = lax.axis_index("s")
    wid = s * NC + c
    rpt = NP // NS

    def fill(i, carry):
      ones_v[pl.ds(i * 16, 16)] = jnp.full((16,), 1.0, jnp.float32)
      return carry

    lax.fori_loop(0, GL // 16, fill, 0)
    pltpu.sync_copy(z_h.at[pl.ds(s * rpt, rpt)], zv)
    pltpu.sync_copy(zv, acc.at[pl.ds(s * rpt, rpt)])
    plsc.subcore_barrier()
    e0 = wid * CPW * LANE

    idx_d = [None] * NGRP
    sc_d = [None] * NGRP
    idx_d[0] = pltpu.async_copy(dst_h.at[pl.ds(e0, GL)], didx[0], semI)
    for g in range(NGRP):
      p3 = g % 3
      idx_d[g].wait()
      if g >= 2:
        sc_d[g - 2].wait()
      if g + 1 < NGRP:
        r = e0 + (g + 1) * GL
        idx_d[g + 1] = pltpu.async_copy(
            dst_h.at[pl.ds(r, GL)], didx[(g + 1) % 3], semI)
      sc_d[g] = pltpu.async_copy(ones_v, acc.at[didx[p3]], semS[g % 2], add=True)
    sc_d[NGRP - 2].wait()
    sc_d[NGRP - 1].wait()
    plsc.subcore_barrier()
    pltpu.sync_copy(acc.at[pl.ds(s * rpt, rpt)], zv)
    pltpu.sync_copy(zv, out_h.at[c].at[pl.ds(s * rpt, rpt)])

  return k(dst_hbm, zeros_hbm)


def _sc_scatter1(src_hbm, dst_hbm, tab_hbm, zeros_hbm):

  @functools.partial(
      pl.kernel,
      out_type=jax.ShapeDtypeStruct((NC, NP), jnp.float32),
      mesh=_mesh(),
      scratch_types=[
          pltpu.VMEM_SHARED((NP,), jnp.float32),
          pltpu.VMEM_SHARED((NP,), jnp.float32),
          pltpu.VMEM((GL,), jnp.int32),
          pltpu.VMEM((GL,), jnp.int32),
          pltpu.VMEM((GL,), jnp.int32),
          pltpu.VMEM((GL,), jnp.int32),
          pltpu.VMEM((GL,), jnp.int32),
          pltpu.VMEM((GL,), jnp.float32),
          pltpu.VMEM((GL,), jnp.float32),
          pltpu.SemaphoreType.DMA,
          pltpu.SemaphoreType.DMA,
          pltpu.SemaphoreType.DMA,
          pltpu.SemaphoreType.DMA,
      ],
  )
  def k(src_h, dst_h, tab_h, z_h, out_h, acc, tabs, si0, si1, di0, di1, di2,
        va0, va1, semI, semG, semS0, semS1):
    sidx = [si0, si1]
    didx = [di0, di1, di2]
    vals = [va0, va1]
    semS = [semS0, semS1]
    c = lax.axis_index("c")
    s = lax.axis_index("s")
    wid = s * NC + c
    rpt = NP // NS
    sl = pl.ds(s * rpt, rpt)
    pltpu.sync_copy(tab_h.at[sl], tabs.at[sl])
    pltpu.sync_copy(z_h.at[sl], acc.at[sl])
    plsc.subcore_barrier()
    e0 = wid * CPW * LANE

    si_d = [None] * NGRP
    di_d = [None] * NGRP
    sc_d = [None] * NGRP
    si_d[0] = pltpu.async_copy(src_h.at[pl.ds(e0, GL)], sidx[0], semI)
    di_d[0] = pltpu.async_copy(dst_h.at[pl.ds(e0, GL)], didx[0], semI)
    for g in range(NGRP):
      p3 = g % 3
      p2 = g % 2
      si_d[g].wait()
      di_d[g].wait()
      if g >= 2:
        sc_d[g - 2].wait()
      gd = pltpu.async_copy(tabs.at[sidx[p2]], vals[p2], semG)
      if g + 1 < NGRP:
        r = e0 + (g + 1) * GL
        si_d[g + 1] = pltpu.async_copy(src_h.at[pl.ds(r, GL)],
                                       sidx[(g + 1) % 2], semI)
        di_d[g + 1] = pltpu.async_copy(dst_h.at[pl.ds(r, GL)],
                                       didx[(g + 1) % 3], semI)
      gd.wait()
      sc_d[g] = pltpu.async_copy(vals[p2], acc.at[didx[p3]],
                                 semS[p2], add=True)
    sc_d[NGRP - 2].wait()
    sc_d[NGRP - 1].wait()
    plsc.subcore_barrier()
    pltpu.sync_copy(acc.at[sl], out_h.at[c].at[sl])

  return k(src_hbm, dst_hbm, tab_hbm, zeros_hbm)


def _sc_scatter_dual(src_hbm, dst_hbm, tabpq_hbm, zeros_hbm):

  @functools.partial(
      pl.kernel,
      out_type=jax.ShapeDtypeStruct((NC, 2, NP), jnp.float32),
      mesh=_mesh(),
      scratch_types=[
          pltpu.VMEM_SHARED((NP,), jnp.float32),
          pltpu.VMEM_SHARED((NP,), jnp.float32),
          pltpu.VMEM_SHARED((NP,), jnp.int32),
          pltpu.VMEM((GL,), jnp.int32),
          pltpu.VMEM((GL,), jnp.int32),
          pltpu.VMEM((GL,), jnp.int32),
          pltpu.VMEM((GL,), jnp.int32),
          pltpu.VMEM((GL,), jnp.int32),
          pltpu.VMEM((GL,), jnp.int32),
          pltpu.VMEM((GL,), jnp.int32),
          pltpu.VMEM((GL,), jnp.float32),
          pltpu.VMEM((GL,), jnp.float32),
          pltpu.VMEM((GL,), jnp.float32),
          pltpu.VMEM((GL,), jnp.float32),
          pltpu.SemaphoreType.DMA,
          pltpu.SemaphoreType.DMA,
          pltpu.SemaphoreType.DMA,
          pltpu.SemaphoreType.DMA,
          pltpu.SemaphoreType.DMA,
          pltpu.SemaphoreType.DMA,
      ],
  )
  def k(src_h, dst_h, tab_h, z_h, out_h, accp, accq, tabs,
        si0, si1, di0, di1, di2, vk0, vk1, vp0, vp1, vq0, vq1,
        semI, semG, semSp0, semSp1, semSq0, semSq1):
    sidx = [si0, si1]
    didx = [di0, di1, di2]
    vpk = [vk0, vk1]
    valsp = [vp0, vp1]
    valsq = [vq0, vq1]
    semSp = [semSp0, semSp1]
    semSq = [semSq0, semSq1]
    c = lax.axis_index("c")
    s = lax.axis_index("s")
    wid = s * NC + c
    rpt = NP // NS
    sl = pl.ds(s * rpt, rpt)
    pltpu.sync_copy(tab_h.at[sl], tabs.at[sl])
    pltpu.sync_copy(z_h.at[sl], accp.at[sl])
    pltpu.sync_copy(z_h.at[sl], accq.at[sl])
    plsc.subcore_barrier()
    e0 = wid * CPW * LANE

    si_d = [None] * NGRP
    di_d = [None] * NGRP
    scp_d = [None] * NGRP
    scq_d = [None] * NGRP
    si_d[0] = pltpu.async_copy(src_h.at[pl.ds(e0, GL)], sidx[0], semI)
    di_d[0] = pltpu.async_copy(dst_h.at[pl.ds(e0, GL)], didx[0], semI)
    for g in range(NGRP):
      p3 = g % 3
      p2 = g % 2
      si_d[g].wait()
      di_d[g].wait()
      if g >= 2:
        scp_d[g - 2].wait()
        scq_d[g - 2].wait()
      gd = pltpu.async_copy(tabs.at[sidx[p2]], vpk[p2], semG)
      if g + 1 < NGRP:
        r = e0 + (g + 1) * GL
        si_d[g + 1] = pltpu.async_copy(src_h.at[pl.ds(r, GL)],
                                       sidx[(g + 1) % 2], semI)
        di_d[g + 1] = pltpu.async_copy(dst_h.at[pl.ds(r, GL)],
                                       didx[(g + 1) % 3], semI)
      gd.wait()

      def unpack(i, carry, _p2=p2):
        v = vpk[_p2][pl.ds(i * 16, 16)]
        valsp[_p2][pl.ds(i * 16, 16)] = lax.bitcast_convert_type(
            v & jnp.int32(MASKHI), jnp.float32)
        valsq[_p2][pl.ds(i * 16, 16)] = lax.bitcast_convert_type(
            lax.shift_left(v, 16), jnp.float32)
        return carry

      lax.fori_loop(0, GL // 16, unpack, 0)
      scp_d[g] = pltpu.async_copy(valsp[p2], accp.at[didx[p3]],
                                  semSp[p2], add=True)
      scq_d[g] = pltpu.async_copy(valsq[p2], accq.at[didx[p3]],
                                  semSq[p2], add=True)
    scp_d[NGRP - 2].wait()
    scq_d[NGRP - 2].wait()
    scp_d[NGRP - 1].wait()
    scq_d[NGRP - 1].wait()
    plsc.subcore_barrier()
    pltpu.sync_copy(accp.at[sl], out_h.at[c].at[0].at[sl])
    pltpu.sync_copy(accq.at[sl], out_h.at[c].at[1].at[sl])

  return k(src_hbm, dst_hbm, tabpq_hbm, zeros_hbm)


def _tc_stage_b(degp, xp):

  def body(degp_ref, xp_ref, dinv_ref, t_ref):
    deg = degp_ref[0] + degp_ref[1] + 1.0
    dinv = lax.rsqrt(deg)
    dinv_ref[...] = dinv
    t_ref[...] = dinv * xp_ref[...]

  return pl.pallas_call(
      body,
      out_shape=(
          jax.ShapeDtypeStruct((NROWS, LANE), jnp.float32),
          jax.ShapeDtypeStruct((NROWS, LANE), jnp.float32),
      ),
  )(degp, xp)


def _tc_stage_d(sp, dinv, xp):

  def body(sp_ref, dinv_ref, xp_ref, tp_ref, tq_ref, pk_ref):
    dinv = dinv_ref[...]
    s1 = dinv * (sp_ref[0] + sp_ref[1] + dinv * xp_ref[...])
    tp = dinv * jnp.maximum(s1, 0.0)
    tq = dinv * jnp.maximum(-s1, 0.0)
    tp_ref[...] = tp
    tq_ref[...] = tq
    pbits = lax.bitcast_convert_type(
        tp.astype(jnp.bfloat16).astype(jnp.float32), jnp.uint32)
    qbits = lax.bitcast_convert_type(
        tq.astype(jnp.bfloat16).astype(jnp.float32), jnp.uint32)
    packed = (pbits & jnp.uint32(0xFFFF0000)) | (qbits >> 16)
    pk_ref[...] = lax.bitcast_convert_type(packed, jnp.int32)

  return pl.pallas_call(
      body,
      out_shape=(
          jax.ShapeDtypeStruct((NROWS, LANE), jnp.float32),
          jax.ShapeDtypeStruct((NROWS, LANE), jnp.float32),
          jax.ShapeDtypeStruct((NROWS, LANE), jnp.int32),
      ),
  )(sp, dinv, xp)


_BN = 4096
_NSTEPS = NP // _BN


def _tc_stage_f(pq4, tp, tq, dinv, batchp, W1T, W2T, b2T, WcT, bc):

  def body(pq, tpr, tqr, dv, bt, w1t, w2t, bb2, wct, bvc, out, accz, accc):
    step = pl.program_id(0)

    @pl.when(step == 0)
    def _init():
      accz[...] = jnp.zeros_like(accz)
      accc[...] = jnp.zeros_like(accc)

    dinv = dv[...]
    pq4b = pq[...]
    P = dinv * (pq4b[0:1] + pq4b[2:3]) + dinv * tpr[...]
    Q = dinv * (pq4b[1:2] + pq4b[3:4]) + dinv * tqr[...]
    w1t_col = w1t[...]
    aT = jnp.dot(w2t[...], jnp.maximum(w1t_col, 0.0),
                 preferred_element_type=jnp.float32)
    bT = jnp.dot(w2t[...], jnp.maximum(-w1t_col, 0.0),
                 preferred_element_type=jnp.float32)
    h2 = jnp.maximum(aT * P + bT * Q + bb2[...], 0.0)
    contrib = jnp.dot(wct[...], h2,
                      preferred_element_type=jnp.float32)
    gids = lax.broadcasted_iota(jnp.int32, (G_GRAPHS, 1), 0)
    oh = (gids == bt[...]).astype(jnp.float32)
    zblk = lax.dot_general(oh, contrib, (((1,), (1,)), ((), ())),
                           preferred_element_type=jnp.float32)
    cblk = lax.dot_general(oh, jnp.ones((1, _BN), jnp.float32),
                           (((1,), (1,)), ((), ())),
                           preferred_element_type=jnp.float32)
    accz[...] += zblk
    accc[...] += cblk

    @pl.when(step == _NSTEPS - 1)
    def _fin():
      out[...] = accz[...] / jnp.maximum(accc[...], 1.0) + bvc[...]

  blk = pl.BlockSpec((1, _BN), lambda i: (0, i))
  blk4 = pl.BlockSpec((4, _BN), lambda i: (0, i))
  full = lambda shape: pl.BlockSpec(shape, lambda i: tuple(0 for _ in shape))
  return pl.pallas_call(
      body,
      grid=(_NSTEPS,),
      in_specs=[blk4, blk, blk, blk, blk,
                full((H, 1)), full((H, H)), full((H, 1)),
                full((2, H)), full((1, 2))],
      out_specs=full((G_GRAPHS, 2)),
      out_shape=jax.ShapeDtypeStruct((G_GRAPHS, 2), jnp.float32),
      scratch_shapes=[
          pltpu.VMEM((G_GRAPHS, 2), jnp.float32),
          pltpu.VMEM((G_GRAPHS, 1), jnp.float32),
      ],
  )(pq4, tp, tq, dinv, batchp, W1T, W2T, b2T, WcT, bc)


def kernel(x, edge_index, batch, W1, b1, W2, b2, Wc, bc):
  src = jnp.pad(edge_index[0], (0, EP - edge_index.shape[1]),
                constant_values=N)
  dst = jnp.pad(edge_index[1], (0, EP - edge_index.shape[1]),
                constant_values=N)
  xp = jnp.pad(x[:, 0], (0, NP - N)).reshape(NROWS, LANE)
  batchp = jnp.pad(batch, (0, NP - N),
                   constant_values=G_GRAPHS).reshape(NROWS, LANE)
  z1 = jnp.zeros((NP,), jnp.float32)

  degp = _sc_hist(dst, z1)
  dinv, t = _tc_stage_b(degp.reshape(NC, NROWS, LANE), xp)
  sp = _sc_scatter1(src, dst, t.reshape(NP), z1)
  tp, tq, tabpq = _tc_stage_d(sp.reshape(NC, NROWS, LANE), dinv, xp)
  pqp = _sc_scatter_dual(src, dst, tabpq.reshape(NP), z1)
  return _tc_stage_f(pqp.reshape(4, NP), tp.reshape(1, NP), tq.reshape(1, NP),
                     dinv.reshape(1, NP), batchp.reshape(1, NP),
                     W1.T, W2.T, b2.reshape(H, 1), Wc.T, bc.reshape(1, 2))

# --- scband reference (transcript-rebuilt; emitter-appended) ---
"""Pipeline reference for scband-gnn-1185410974040 (READ-ONLY COPY).

The authoritative reference and input builder live on the scoring server;
editing this copy changes nothing except your own understanding.
"""

import jax, jax.numpy as jnp
import numpy as np

N = 100000
E = 1600000
G = 128
H = 50
NUM_LABELS = 2


def gcn_conv(x, edge_index, W, b):
    n = x.shape[0]
    loops = jnp.arange(n, dtype=edge_index.dtype)
    src = jnp.concatenate([edge_index[0], loops])
    dst = jnp.concatenate([edge_index[1], loops])
    h = x @ W
    deg = jnp.zeros((n,), x.dtype).at[dst].add(1.0)
    dinv = jnp.where(deg > 0, 1.0 / jnp.sqrt(deg), 0.0)
    norm = dinv[src] * dinv[dst]
    out = jnp.zeros((n, W.shape[1]), x.dtype).at[dst].add(norm[:, None] * jnp.take(h, src, axis=0))
    return out + b


def global_mean_pool(x, batch, num_graphs):
    counts = jnp.zeros((num_graphs,), x.dtype).at[batch].add(1.0)
    sums = jnp.zeros((num_graphs, x.shape[1]), x.dtype).at[batch].add(x)
    return sums / jnp.maximum(counts, 1.0)[:, None]


def setup_inputs(seed: int = 0) -> dict:
    key = jax.random.key(seed)
    ks = jax.random.split(key, 9)
    x = jax.random.normal(ks[0], (N, 1), dtype=jnp.float32)
    edge_index = jax.random.randint(ks[1], (2, E), 0, N, dtype=jnp.int32)
    batch = jnp.sort(jax.random.randint(ks[2], (N,), 0, G, dtype=jnp.int32))
    W1 = jax.random.normal(ks[3], (1, H), dtype=jnp.float32) * 0.5
    b1 = jnp.zeros((H,), dtype=jnp.float32)
    W2 = jax.random.normal(ks[4], (H, H), dtype=jnp.float32) * (1.0 / np.sqrt(H))
    b2 = jnp.zeros((H,), dtype=jnp.float32)
    Wc = jax.random.normal(ks[5], (H, NUM_LABELS), dtype=jnp.float32) * (1.0 / np.sqrt(H))
    bc = jnp.zeros((NUM_LABELS,), dtype=jnp.float32)
    return {"x": x, "edge_index": edge_index, "batch": batch, "W1": W1, "b1": b1, "W2": W2, "b2": b2, "Wc": Wc, "bc": bc}


def reference(x, edge_index, batch, W1, b1, W2, b2, Wc, bc):
    h = jax.nn.relu(gcn_conv(x, edge_index, W1, b1))
    h = jax.nn.relu(gcn_conv(h, edge_index, W2, b2))
    pooled = global_mean_pool(h, batch, G)
    return pooled @ Wc + bc

if __name__ == "__main__":
    import jax
    _d = setup_inputs()
    print(jax.jit(kernel)(*tuple(_d.values())))

</pallas_src>

<mosaic_0001>
#map = affine_map<(d0, d1) -> (0)>
#map1 = affine_map<(d0, d1) -> (0, 0, 0)>
module attributes {stable_mosaic.version = 14 : i64} {
  func.func @k(%arg0: i32, %arg1: i32, %arg2: memref<1605632xi32, #tpu.memory_space<hbm>>, %arg3: memref<1605632xi32, #tpu.memory_space<hbm>>, %arg4: memref<102400xi32, #tpu.memory_space<hbm>>, %arg5: memref<102400xf32, #tpu.memory_space<hbm>>, %arg6: memref<2x2x102400xf32, #tpu.memory_space<hbm>>, %arg7: memref<102400xf32, #tpu.memory_space<vmem_shared>>, %arg8: memref<102400xf32, #tpu.memory_space<vmem_shared>>, %arg9: memref<102400xi32, #tpu.memory_space<vmem_shared>>, %arg10: memref<7168xi32, #tpu.memory_space<vmem>>, %arg11: memref<7168xi32, #tpu.memory_space<vmem>>, %arg12: memref<7168xi32, #tpu.memory_space<vmem>>, %arg13: memref<7168xi32, #tpu.memory_space<vmem>>, %arg14: memref<7168xi32, #tpu.memory_space<vmem>>, %arg15: memref<7168xi32, #tpu.memory_space<vmem>>, %arg16: memref<7168xi32, #tpu.memory_space<vmem>>, %arg17: memref<7168xf32, #tpu.memory_space<vmem>>, %arg18: memref<7168xf32, #tpu.memory_space<vmem>>, %arg19: memref<7168xf32, #tpu.memory_space<vmem>>, %arg20: memref<7168xf32, #tpu.memory_space<vmem>>, %arg21: memref<!tpu.dma_semaphore, #tpu.memory_space<semaphore_mem>>, %arg22: memref<!tpu.dma_semaphore, #tpu.memory_space<semaphore_mem>>, %arg23: memref<!tpu.dma_semaphore, #tpu.memory_space<semaphore_mem>>, %arg24: memref<!tpu.dma_semaphore, #tpu.memory_space<semaphore_mem>>, %arg25: memref<!tpu.dma_semaphore, #tpu.memory_space<semaphore_mem>>, %arg26: memref<!tpu.dma_semaphore, #tpu.memory_space<semaphore_mem>>) attributes {dimension_semantics = [#tpu.dimension_semantics<core_parallel>, #tpu.dimension_semantics<subcore_parallel>], iteration_bounds = array<i64: 2, 16>, scalar_prefetch = 0 : i64, scratch_operands = 20 : i64, tpu.core_type = #tpu.core_type<sc_vector_subcore>, window_params = [{transform_indices = #map}, {transform_indices = #map}, {transform_indices = #map}, {transform_indices = #map}, {transform_indices = #map1}]} {
    %mul3A = arith.constant 2 : i32
    %mul3A_0 = arith.muli %arg1, %mul3A : i32
    %add3A = arith.addi %mul3A_0, %arg0 : i32
    %mul3A_1 = arith.constant 6400 : i32
    %mul3A_2 = arith.muli %arg1, %mul3A_1 : i32
    "tpu.region"() ({
      %run_scoped3A_200 = tpu.sem_alloc : memref<!tpu.dma_semaphore, #tpu.memory_space<semaphore_mem>>
      %dma_start3A_201 = tpu.memref_slice %arg9[%mul3A_2] : memref<102400xi32, #tpu.memory_space<vmem_shared>> -> memref<6400xi32, #tpu.memory_space<vmem_shared>>
      %dma_start3A_202 = tpu.memref_slice %arg4[%mul3A_2] : memref<102400xi32, #tpu.memory_space<hbm>> -> memref<6400xi32, #tpu.memory_space<hbm>>
      tpu.enqueue_dma source(%dma_start3A_202 : memref<6400xi32, #tpu.memory_space<hbm>>) target(%dma_start3A_201 : memref<6400xi32, #tpu.memory_space<vmem_shared>>) target_semaphore(%run_scoped3A_200 : memref<!tpu.dma_semaphore, #tpu.memory_space<semaphore_mem>>)
      %dma_wait3A_203 = tpu.memref_slice %arg9[%mul3A_2] : memref<102400xi32, #tpu.memory_space<vmem_shared>> -> memref<6400xi32, #tpu.memory_space<vmem_shared>>
      %dma_wait3A_204 = tpu.memref_slice %arg4[%mul3A_2] : memref<102400xi32, #tpu.memory_space<hbm>> -> memref<6400xi32, #tpu.memory_space<hbm>>
      tpu.wait_dma2 semaphore(%run_scoped3A_200 : memref<!tpu.dma_semaphore, #tpu.memory_space<semaphore_mem>>) src(%dma_wait3A_204 : memref<6400xi32, #tpu.memory_space<hbm>>) dst(%dma_wait3A_203 : memref<6400xi32, #tpu.memory_space<vmem_shared>>)
      tpu.yield
    }) : () -> ()
    "tpu.region"() ({
      %run_scoped3A_200 = tpu.sem_alloc : memref<!tpu.dma_semaphore, #tpu.memory_space<semaphore_mem>>
      %dma_start3A_201 = tpu.memref_slice %arg7[%mul3A_2] : memref<102400xf32, #tpu.memory_space<vmem_shared>> -> memref<6400xf32, #tpu.memory_space<vmem_shared>>
      %dma_start3A_202 = tpu.memref_slice %arg5[%mul3A_2] : memref<102400xf32, #tpu.memory_space<hbm>> -> memref<6400xf32, #tpu.memory_space<hbm>>
      tpu.enqueue_dma source(%dma_start3A_202 : memref<6400xf32, #tpu.memory_space<hbm>>) target(%dma_start3A_201 : memref<6400xf32, #tpu.memory_space<vmem_shared>>) target_semaphore(%run_scoped3A_200 : memref<!tpu.dma_semaphore, #tpu.memory_space<semaphore_mem>>)
      %dma_wait3A_203 = tpu.memref_slice %arg7[%mul3A_2] : memref<102400xf32, #tpu.memory_space<vmem_shared>> -> memref<6400xf32, #tpu.memory_space<vmem_shared>>
      %dma_wait3A_204 = tpu.memref_slice %arg5[%mul3A_2] : memref<102400xf32, #tpu.memory_space<hbm>> -> memref<6400xf32, #tpu.memory_space<hbm>>
      tpu.wait_dma2 semaphore(%run_scoped3A_200 : memref<!tpu.dma_semaphore, #tpu.memory_space<semaphore_mem>>) src(%dma_wait3A_204 : memref<6400xf32, #tpu.memory_space<hbm>>) dst(%dma_wait3A_203 : memref<6400xf32, #tpu.memory_space<vmem_shared>>)
      tpu.yield
    }) : () -> ()
    "tpu.region"() ({
      %run_scoped3A_200 = tpu.sem_alloc : memref<!tpu.dma_semaphore, #tpu.memory_space<semaphore_mem>>
      %dma_start3A_201 = tpu.memref_slice %arg8[%mul3A_2] : memref<102400xf32, #tpu.memory_space<vmem_shared>> -> memref<6400xf32, #tpu.memory_space<vmem_shared>>
      %dma_start3A_202 = tpu.memref_slice %arg5[%mul3A_2] : memref<102400xf32, #tpu.memory_space<hbm>> -> memref<6400xf32, #tpu.memory_space<hbm>>
      tpu.enqueue_dma source(%dma_start3A_202 : memref<6400xf32, #tpu.memory_space<hbm>>) target(%dma_start3A_201 : memref<6400xf32, #tpu.memory_space<vmem_shared>>) target_semaphore(%run_scoped3A_200 : memref<!tpu.dma_semaphore, #tpu.memory_space<semaphore_mem>>)
      %dma_wait3A_203 = tpu.memref_slice %arg8[%mul3A_2] : memref<102400xf32, #tpu.memory_space<vmem_shared>> -> memref<6400xf32, #tpu.memory_space<vmem_shared>>
      %dma_wait3A_204 = tpu.memref_slice %arg5[%mul3A_2] : memref<102400xf32, #tpu.memory_space<hbm>> -> memref<6400xf32, #tpu.memory_space<hbm>>
      tpu.wait_dma2 semaphore(%run_scoped3A_200 : memref<!tpu.dma_semaphore, #tpu.memory_space<semaphore_mem>>) src(%dma_wait3A_204 : memref<6400xf32, #tpu.memory_space<hbm>>) dst(%dma_wait3A_203 : memref<6400xf32, #tpu.memory_space<vmem_shared>>)
      tpu.yield
    }) : () -> ()
    %barrier3A = arith.constant 0 : index
    tpu.barrier barrier_id(%barrier3A)
    %mul3A_3 = arith.constant 392 : i32
    %mul3A_4 = arith.muli %add3A, %mul3A_3 : i32
    %mul3A_5 = arith.constant 128 : i32
    %mul3A_6 = arith.muli %mul3A_4, %mul3A_5 : i32
    %dma_start3A = tpu.memref_slice %arg2[%mul3A_6] : memref<1605632xi32, #tpu.memory_space<hbm>> -> memref<7168xi32, #tpu.memory_space<hbm>>
    %dma_start3A_7 = tpu.memref_slice %arg2[%mul3A_6] : memref<1605632xi32, #tpu.memory_space<hbm>> -> memref<7168xi32, #tpu.memory_space<hbm>>
    tpu.enqueue_dma source(%dma_start3A_7 : memref<7168xi32, #tpu.memory_space<hbm>>) target(%arg10 : memref<7168xi32, #tpu.memory_space<vmem>>) target_semaphore(%arg21 : memref<!tpu.dma_semaphore, #tpu.memory_space<semaphore_mem>>)
    %dma_start3A_8 = tpu.memref_slice %arg3[%mul3A_6] : memref<1605632xi32, #tpu.memory_space<hbm>> -> memref<7168xi32, #tpu.memory_space<hbm>>
    %dma_start3A_9 = tpu.memref_slice %arg3[%mul3A_6] : memref<1605632xi32, #tpu.memory_space<hbm>> -> memref<7168xi32, #tpu.memory_space<hbm>>
    tpu.enqueue_dma source(%dma_start3A_9 : memref<7168xi32, #tpu.memory_space<hbm>>) target(%arg12 : memref<7168xi32, #tpu.memory_space<vmem>>) target_semaphore(%arg21 : memref<!tpu.dma_semaphore, #tpu.memory_space<semaphore_mem>>)
    %dma_wait3A = tpu.memref_slice %arg2[%mul3A_6] : memref<1605632xi32, #tpu.memory_space<hbm>> -> memref<7168xi32, #tpu.memory_space<hbm>>
    %dma_wait3A_10 = tpu.memref_slice %arg2[%mul3A_6] : memref<1605632xi32, #tpu.memory_space<hbm>> -> memref<7168xi32, #tpu.memory_space<hbm>>
    tpu.wait_dma2 semaphore(%arg21 : memref<!tpu.dma_semaphore, #tpu.memory_space<semaphore_mem>>) src(%dma_wait3A_10 : memref<7168xi32, #tpu.memory_space<hbm>>) dst(%arg10 : memref<7168xi32, #tpu.memory_space<vmem>>)
    %dma_wait3A_11 = tpu.memref_slice %arg3[%mul3A_6] : memref<1605632xi32, #tpu.memory_space<hbm>> -> memref<7168xi32, #tpu.memory_space<hbm>>
    %dma_wait3A_12 = tpu.memref_slice %arg3[%mul3A_6] : memref<1605632xi32, #tpu.memory_space<hbm>> -> memref<7168xi32, #tpu.memory_space<hbm>>
    tpu.wait_dma2 semaphore(%arg21 : memref<!tpu.dma_semaphore, #tpu.memory_space<semaphore_mem>>) src(%dma_wait3A_12 : memref<7168xi32, #tpu.memory_space<hbm>>) dst(%arg12 : memref<7168xi32, #tpu.memory_space<vmem>>)
    %dma_start3A_13 = arith.constant 0 : i32
    %dma_start3A_14 = tpu.memref_slice %arg9[%dma_start3A_13] : memref<102400xi32, #tpu.memory_space<vmem_shared>> -> memref<102400xi32, #tpu.memory_space<vmem_shared>>
    tpu.enqueue_indirect_dma source(%dma_start3A_14 : memref<102400xi32, #tpu.memory_space<vmem_shared>>) target(%arg15 : memref<7168xi32, #tpu.memory_space<vmem>>) offsets(%arg10 : memref<7168xi32, #tpu.memory_space<vmem>>) semaphore(%arg22 : memref<!tpu.dma_semaphore, #tpu.memory_space<semaphore_mem>>)
    %add3A_15 = arith.constant 7168 : i32
    %add3A_16 = arith.addi %mul3A_6, %add3A_15 : i32
    %dma_start3A_17 = tpu.memref_slice %arg2[%add3A_16] : memref<1605632xi32, #tpu.memory_space<hbm>> -> memref<7168xi32, #tpu.memory_space<hbm>>
    %dma_start3A_18 = tpu.memref_slice %arg2[%add3A_16] : memref<1605632xi32, #tpu.memory_space<hbm>> -> memref<7168xi32, #tpu.memory_space<hbm>>
    tpu.enqueue_dma source(%dma_start3A_18 : memref<7168xi32, #tpu.memory_space<hbm>>) target(%arg11 : memref<7168xi32, #tpu.memory_space<vmem>>) target_semaphore(%arg21 : memref<!tpu.dma_semaphore, #tpu.memory_space<semaphore_mem>>)
    %dma_start3A_19 = tpu.memref_slice %arg3[%add3A_16] : memref<1605632xi32, #tpu.memory_space<hbm>> -> memref<7168xi32, #tpu.memory_space<hbm>>
    %dma_start3A_20 = tpu.memref_slice %arg3[%add3A_16] : memref<1605632xi32, #tpu.memory_space<hbm>> -> memref<7168xi32, #tpu.memory_space<hbm>>
    tpu.enqueue_dma source(%dma_start3A_20 : memref<7168xi32, #tpu.memory_space<hbm>>) target(%arg13 : memref<7168xi32, #tpu.memory_space<vmem>>) target_semaphore(%arg21 : memref<!tpu.dma_semaphore, #tpu.memory_space<semaphore_mem>>)
    %dma_wait3A_21 = arith.constant 0 : i32
    %dma_wait3A_22 = tpu.memref_slice %arg9[%dma_wait3A_21] : memref<102400xi32, #tpu.memory_space<vmem_shared>> -> memref<102400xi32, #tpu.memory_space<vmem_shared>>
    tpu.wait_indirect_dma semaphore(%arg22 : memref<!tpu.dma_semaphore, #tpu.memory_space<semaphore_mem>>) src(%dma_wait3A_22 : memref<102400xi32, #tpu.memory_space<vmem_shared>>) dst(%arg15 : memref<7168xi32, #tpu.memory_space<vmem>>)
    %scan3A = arith.constant 0 : i32
    %scan3A_23 = arith.constant 0 : i32
    %scan3A_24 = arith.constant 448 : i32
    %scan3A_25 = arith.addi %scan3A_23, %scan3A_24 : i32
    %scan3A_26 = arith.constant 1 : i32
    scf.for %scan3A_200 = %scan3A_23 to %scan3A_25 step %scan3A_26  : i32 {
      %mul3A_201 = arith.constant 16 : i32
      %mul3A_202 = arith.muli %scan3A_200, %mul3A_201 : i32
      %get3A = arith.index_cast %mul3A_202 : i32 to index
      %get3A_203 = tpu.vector_load %arg15[%get3A] {strides = array<i32>} : memref<7168xi32, #tpu.memory_space<vmem>>, vector<16xi32>,
      %get3A_204 = vector.shape_cast %get3A_203 : vector<16xi32> to vector<16xi32>
      %and3A = arith.constant -65536 : i32
      %and3A_205 = vector.broadcast %and3A : i32 to vector<16xi32>
      %and3A_206 = arith.andi %get3A_204, %and3A_205 : vector<16xi32>
      %bitcast_convert_type3A = tpu.bitcast %and3A_206 : vector<16xi32> -> vector<16xf32>
      %mul3A_207 = arith.constant 16 : i32
      %mul3A_208 = arith.muli %scan3A_200, %mul3A_207 : i32
      %swap3A = arith.index_cast %mul3A_208 : i32 to index
      %swap3A_209 = tpu.vector_load %arg17[%swap3A] {strides = array<i32>} : memref<7168xf32, #tpu.memory_space<vmem>>, vector<16xf32>,
      %swap3A_210 = vector.shape_cast %swap3A_209 : vector<16xf32> to vector<16xf32>
      %swap3A_211 = vector.shape_cast %bitcast_convert_type3A : vector<16xf32> to vector<16xf32>
      tpu.vector_store %arg17[%swap3A], %swap3A_211 {strides = array<i32>} : memref<7168xf32, #tpu.memory_space<vmem>>, vector<16xf32>,
      %shift_left3A = arith.constant 16 : i32
      %shift_left3A_212 = vector.broadcast %shift_left3A : i32 to vector<16xi32>
      %shift_left3A_213 = arith.shli %get3A_204, %shift_left3A_212 : vector<16xi32>
      %bitcast_convert_type3A_214 = tpu.bitcast %shift_left3A_213 : vector<16xi32> -> vector<16xf32>
      %mul3A_215 = arith.constant 16 : i32
      %mul3A_216 = arith.muli %scan3A_200, %mul3A_215 : i32
      %swap3A_217 = arith.index_cast %mul3A_216 : i32 to index
      %swap3A_218 = tpu.vector_load %arg19[%swap3A_217] {strides = array<i32>} : memref<7168xf32, #tpu.memory_space<vmem>>, vector<16xf32>,
      %swap3A_219 = vector.shape_cast %swap3A_218 : vector<16xf32> to vector<16xf32>
      %swap3A_220 = vector.shape_cast %bitcast_convert_type3A_214 : vector<16xf32> to vector<16xf32>
      tpu.vector_store %arg19[%swap3A_217], %swap3A_220 {strides = array<i32>} : memref<7168xf32, #tpu.memory_space<vmem>>, vector<16xf32>,
    }
    %scan3A_27 = arith.constant 448 : i32
    %dma_start3A_28 = arith.constant 0 : i32
    %dma_start3A_29 = tpu.memref_slice %arg7[%dma_start3A_28] : memref<102400xf32, #tpu.memory_space<vmem_shared>> -> memref<102400xf32, #tpu.memory_space<vmem_shared>>
    tpu.enqueue_indirect_dma source(%arg17 : memref<7168xf32, #tpu.memory_space<vmem>>) target(%dma_start3A_29 : memref<102400xf32, #tpu.memory_space<vmem_shared>>) offsets(%arg12 : memref<7168xi32, #tpu.memory_space<vmem>>) semaphore(%arg23 : memref<!tpu.dma_semaphore, #tpu.memory_space<semaphore_mem>>) {add = true}
    %dma_start3A_30 = arith.constant 0 : i32
    %dma_start3A_31 = tpu.memref_slice %arg8[%dma_start3A_30] : memref<102400xf32, #tpu.memory_space<vmem_shared>> -> memref<102400xf32, #tpu.memory_space<vmem_shared>>
    tpu.enqueue_indirect_dma source(%arg19 : memref<7168xf32, #tpu.memory_space<vmem>>) target(%dma_start3A_31 : memref<102400xf32, #tpu.memory_space<vmem_shared>>) offsets(%arg12 : memref<7168xi32, #tpu.memory_space<vmem>>) semaphore(%arg25 : memref<!tpu.dma_semaphore, #tpu.memory_space<semaphore_mem>>) {add = true}
    %dma_wait3A_32 = tpu.memref_slice %arg2[%add3A_16] : memref<1605632xi32, #tpu.memory_space<hbm>> -> memref<7168xi32, #tpu.memory_space<hbm>>
    %dma_wait3A_33 = tpu.memref_slice %arg2[%add3A_16] : memref<1605632xi32, #tpu.memory_space<hbm>> -> memref<7168xi32, #tpu.memory_space<hbm>>
    tpu.wait_dma2 semaphore(%arg21 : memref<!tpu.dma_semaphore, #tpu.memory_space<semaphore_mem>>) src(%dma_wait3A_33 : memref<7168xi32, #tpu.memory_space<hbm>>) dst(%arg11 : memref<7168xi32, #tpu.memory_space<vmem>>)
    %dma_wait3A_34 = tpu.memref_slice %arg3[%add3A_16] : memref<1605632xi32, #tpu.memory_space<hbm>> -> memref<7168xi32, #tpu.memory_space<hbm>>
    %dma_wait3A_35 = tpu.memref_slice %arg3[%add3A_16] : memref<1605632xi32, #tpu.memory_space<hbm>> -> memref<7168xi32, #tpu.memory_space<hbm>>
    tpu.wait_dma2 semaphore(%arg21 : memref<!tpu.dma_semaphore, #tpu.memory_space<semaphore_mem>>) src(%dma_wait3A_35 : memref<7168xi32, #tpu.memory_space<hbm>>) dst(%arg13 : memref<7168xi32, #tpu.memory_space<vmem>>)
    %dma_start3A_36 = arith.constant 0 : i32
    %dma_start3A_37 = tpu.memref_slice %arg9[%dma_start3A_36] : memref<102400xi32, #tpu.memory_space<vmem_shared>> -> memref<102400xi32, #tpu.memory_space<vmem_shared>>
    tpu.enqueue_indirect_dma source(%dma_start3A_37 : memref<102400xi32, #tpu.memory_space<vmem_shared>>) target(%arg16 : memref<7168xi32, #tpu.memory_space<vmem>>) offsets(%arg11 : memref<7168xi32, #tpu.memory_space<vmem>>) semaphore(%arg22 : memref<!tpu.dma_semaphore, #tpu.memory_space<semaphore_mem>>)
    %add3A_38 = arith.constant 14336 : i32
    %add3A_39 = arith.addi %mul3A_6, %add3A_38 : i32
    %dma_start3A_40 = tpu.memref_slice %arg2[%add3A_39] : memref<1605632xi32, #tpu.memory_space<hbm>> -> memref<7168xi32, #tpu.memory_space<hbm>>
    %dma_start3A_41 = tpu.memref_slice %arg2[%add3A_39] : memref<1605632xi32, #tpu.memory_space<hbm>> -> memref<7168xi32, #tpu.memory_space<hbm>>
    tpu.enqueue_dma source(%dma_start3A_41 : memref<7168xi32, #tpu.memory_space<hbm>>) target(%arg10 : memref<7168xi32, #tpu.memory_space<vmem>>) target_semaphore(%arg21 : memref<!tpu.dma_semaphore, #tpu.memory_space<semaphore_mem>>)
    %dma_start3A_42 = tpu.memref_slice %arg3[%add3A_39] : memref<1605632xi32, #tpu.memory_space<hbm>> -> memref<7168xi32, #tpu.memory_space<hbm>>
    %dma_start3A_43 = tpu.memref_slice %arg3[%add3A_39] : memref<1605632xi32, #tpu.memory_space<hbm>> -> memref<7168xi32, #tpu.memory_space<hbm>>
    tpu.enqueue_dma source(%dma_start3A_43 : memref<7168xi32, #tpu.memory_space<hbm>>) target(%arg14 : memref<7168xi32, #tpu.memory_space<vmem>>) target_semaphore(%arg21 : memref<!tpu.dma_semaphore, #tpu.memory_space<semaphore_mem>>)
    %dma_wait3A_44 = arith.constant 0 : i32
    %dma_wait3A_45 = tpu.memref_slice %arg9[%dma_wait3A_44] : memref<102400xi32, #tpu.memory_space<vmem_shared>> -> memref<102400xi32, #tpu.memory_space<vmem_shared>>
    tpu.wait_indirect_dma semaphore(%arg22 : memref<!tpu.dma_semaphore, #tpu.memory_space<semaphore_mem>>) src(%dma_wait3A_45 : memref<102400xi32, #tpu.memory_space<vmem_shared>>) dst(%arg16 : memref<7168xi32, #tpu.memory_space<vmem>>)
    %scan3A_46 = arith.constant 0 : i32
    %scan3A_47 = arith.constant 0 : i32
    %scan3A_48 = arith.constant 448 : i32
    %scan3A_49 = arith.addi %scan3A_47, %scan3A_48 : i32
    %scan3A_50 = arith.constant 1 : i32
    scf.for %scan3A_200 = %scan3A_47 to %scan3A_49 step %scan3A_50  : i32 {
      %mul3A_201 = arith.constant 16 : i32
      %mul3A_202 = arith.muli %scan3A_200, %mul3A_201 : i32
      %get3A = arith.index_cast %mul3A_202 : i32 to index
      %get3A_203 = tpu.vector_load %arg16[%get3A] {strides = array<i32>} : memref<7168xi32, #tpu.memory_space<vmem>>, vector<16xi32>,
      %get3A_204 = vector.shape_cast %get3A_203 : vector<16xi32> to vector<16xi32>
      %and3A = arith.constant -65536 : i32
      %and3A_205 = vector.broadcast %and3A : i32 to vector<16xi32>
      %and3A_206 = arith.andi %get3A_204, %and3A_205 : vector<16xi32>
      %bitcast_convert_type3A = tpu.bitcast %and3A_206 : vector<16xi32> -> vector<16xf32>
      %mul3A_207 = arith.constant 16 : i32
      %mul3A_208 = arith.muli %scan3A_200, %mul3A_207 : i32
      %swap3A = arith.index_cast %mul3A_208 : i32 to index
      %swap3A_209 = tpu.vector_load %arg18[%swap3A] {strides = array<i32>} : memref<7168xf32, #tpu.memory_space<vmem>>, vector<16xf32>,
      %swap3A_210 = vector.shape_cast %swap3A_209 : vector<16xf32> to vector<16xf32>
      %swap3A_211 = vector.shape_cast %bitcast_convert_type3A : vector<16xf32> to vector<16xf32>
      tpu.vector_store %arg18[%swap3A], %swap3A_211 {strides = array<i32>} : memref<7168xf32, #tpu.memory_space<vmem>>, vector<16xf32>,
      %shift_left3A = arith.constant 16 : i32
      %shift_left3A_212 = vector.broadcast %shift_left3A : i32 to vector<16xi32>
      %shift_left3A_213 = arith.shli %get3A_204, %shift_left3A_212 : vector<16xi32>
      %bitcast_convert_type3A_214 = tpu.bitcast %shift_left3A_213 : vector<16xi32> -> vector<16xf32>
      %mul3A_215 = arith.constant 16 : i32
      %mul3A_216 = arith.muli %scan3A_200, %mul3A_215 : i32
      %swap3A_217 = arith.index_cast %mul3A_216 : i32 to index
      %swap3A_218 = tpu.vector_load %arg20[%swap3A_217] {strides = array<i32>} : memref<7168xf32, #tpu.memory_space<vmem>>, vector<16xf32>,
      %swap3A_219 = vector.shape_cast %swap3A_218 : vector<16xf32> to vector<16xf32>
      %swap3A_220 = vector.shape_cast %bitcast_convert_type3A_214 : vector<16xf32> to vector<16xf32>
      tpu.vector_store %arg20[%swap3A_217], %swap3A_220 {strides = array<i32>} : memref<7168xf32, #tpu.memory_space<vmem>>, vector<16xf32>,
    }
    %scan3A_51 = arith.constant 448 : i32
    %dma_start3A_52 = arith.constant 0 : i32
    %dma_start3A_53 = tpu.memref_slice %arg7[%dma_start3A_52] : memref<102400xf32, #tpu.memory_space<vmem_shared>> -> memref<102400xf32, #tpu.memory_space<vmem_shared>>
    tpu.enqueue_indirect_dma source(%arg18 : memref<7168xf32, #tpu.memory_space<vmem>>) target(%dma_start3A_53 : memref<102400xf32, #tpu.memory_space<vmem_shared>>) offsets(%arg13 : memref<7168xi32, #tpu.memory_space<vmem>>) semaphore(%arg24 : memref<!tpu.dma_semaphore, #tpu.memory_space<semaphore_mem>>) {add = true}
    %dma_start3A_54 = arith.constant 0 : i32
    %dma_start3A_55 = tpu.memref_slice %arg8[%dma_start3A_54] : memref<102400xf32, #tpu.memory_space<vmem_shared>> -> memref<102400xf32, #tpu.memory_space<vmem_shared>>
    tpu.enqueue_indirect_dma source(%arg20 : memref<7168xf32, #tpu.memory_space<vmem>>) target(%dma_start3A_55 : memref<102400xf32, #tpu.memory_space<vmem_shared>>) offsets(%arg13 : memref<7168xi32, #tpu.memory_space<vmem>>) semaphore(%arg26 : memref<!tpu.dma_semaphore, #tpu.memory_space<semaphore_mem>>) {add = true}
    %dma_wait3A_56 = tpu.memref_slice %arg2[%add3A_39] : memref<1605632xi32, #tpu.memory_space<hbm>> -> memref<7168xi32, #tpu.memory_space<hbm>>
    %dma_wait3A_57 = tpu.memref_slice %arg2[%add3A_39] : memref<1605632xi32, #tpu.memory_space<hbm>> -> memref<7168xi32, #tpu.memory_space<hbm>>
    tpu.wait_dma2 semaphore(%arg21 : memref<!tpu.dma_semaphore, #tpu.memory_space<semaphore_mem>>) src(%dma_wait3A_57 : memref<7168xi32, #tpu.memory_space<hbm>>) dst(%arg10 : memref<7168xi32, #tpu.memory_space<vmem>>)
    %dma_wait3A_58 = tpu.memref_slice %arg3[%add3A_39] : memref<1605632xi32, #tpu.memory_space<hbm>> -> memref<7168xi32, #tpu.memory_space<hbm>>
    %dma_wait3A_59 = tpu.memref_slice %arg3[%add3A_39] : memref<1605632xi32, #tpu.memory_space<hbm>> -> memref<7168xi32, #tpu.memory_space<hbm>>
    tpu.wait_dma2 semaphore(%arg21 : memref<!tpu.dma_semaphore, #tpu.memory_space<semaphore_mem>>) src(%dma_wait3A_59 : memref<7168xi32, #tpu.memory_space<hbm>>) dst(%arg14 : memref<7168xi32, #tpu.memory_space<vmem>>)
    %dma_wait3A_60 = arith.constant 0 : i32
    %dma_wait3A_61 = tpu.memref_slice %arg7[%dma_wait3A_60] : memref<102400xf32, #tpu.memory_space<vmem_shared>> -> memref<102400xf32, #tpu.memory_space<vmem_shared>>
    tpu.wait_indirect_dma semaphore(%arg23 : memref<!tpu.dma_semaphore, #tpu.memory_space<semaphore_mem>>) src(%arg17 : memref<7168xf32, #tpu.memory_space<vmem>>) dst(%dma_wait3A_61 : memref<102400xf32, #tpu.memory_space<vmem_shared>>)
    %dma_wait3A_62 = arith.constant 0 : i32
    %dma_wait3A_63 = tpu.memref_slice %arg8[%dma_wait3A_62] : memref<102400xf32, #tpu.memory_space<vmem_shared>> -> memref<102400xf32, #tpu.memory_space<vmem_shared>>
    tpu.wait_indirect_dma semaphore(%arg25 : memref<!tpu.dma_semaphore, #tpu.memory_space<semaphore_mem>>) src(%arg19 : memref<7168xf32, #tpu.memory_space<vmem>>) dst(%dma_wait3A_63 : memref<102400xf32, #tpu.memory_space<vmem_shared>>)
    %dma_start3A_64 = arith.constant 0 : i32
    %dma_start3A_65 = tpu.memref_slice %arg9[%dma_start3A_64] : memref<102400xi32, #tpu.memory_space<vmem_shared>> -> memref<102400xi32, #tpu.memory_space<vmem_shared>>
    tpu.enqueue_indirect_dma source(%dma_start3A_65 : memref<102400xi32, #tpu.memory_space<vmem_shared>>) target(%arg15 : memref<7168xi32, #tpu.memory_space<vmem>>) offsets(%arg10 : memref<7168xi32, #tpu.memory_space<vmem>>) semaphore(%arg22 : memref<!tpu.dma_semaphore, #tpu.memory_space<semaphore_mem>>)
    %add3A_66 = arith.constant 21504 : i32
    %add3A_67 = arith.addi %mul3A_6, %add3A_66 : i32
    %dma_start3A_68 = tpu.memref_slice %arg2[%add3A_67] : memref<1605632xi32, #tpu.memory_space<hbm>> -> memref<7168xi32, #tpu.memory_space<hbm>>
    %dma_start3A_69 = tpu.memref_slice %arg2[%add3A_67] : memref<1605632xi32, #tpu.memory_space<hbm>> -> memref<7168xi32, #tpu.memory_space<hbm>>
    tpu.enqueue_dma source(%dma_start3A_69 : memref<7168xi32, #tpu.memory_space<hbm>>) target(%arg11 : memref<7168xi32, #tpu.memory_space<vmem>>) target_semaphore(%arg21 : memref<!tpu.dma_semaphore, #tpu.memory_space<semaphore_mem>>)
    %dma_start3A_70 = tpu.memref_slice %arg3[%add3A_67] : memref<1605632xi32, #tpu.memory_space<hbm>> -> memref<7168xi32, #tpu.memory_space<hbm>>
    %dma_start3A_71 = tpu.memref_slice %arg3[%add3A_67] : memref<1605632xi32, #tpu.memory_space<hbm>> -> memref<7168xi32, #tpu.memory_space<hbm>>
    tpu.enqueue_dma source(%dma_start3A_71 : memref<7168xi32, #tpu.memory_space<hbm>>) target(%arg12 : memref<7168xi32, #tpu.memory_space<vmem>>) target_semaphore(%arg21 : memref<!tpu.dma_semaphore, #tpu.memory_space<semaphore_mem>>)
    %dma_wait3A_72 = arith.constant 0 : i32
    %dma_wait3A_73 = tpu.memref_slice %arg9[%dma_wait3A_72] : memref<102400xi32, #tpu.memory_space<vmem_shared>> -> memref<102400xi32, #tpu.memory_space<vmem_shared>>
    tpu.wait_indirect_dma semaphore(%arg22 : memref<!tpu.dma_semaphore, #tpu.memory_space<semaphore_mem>>) src(%dma_wait3A_73 : memref<102400xi32, #tpu.memory_space<vmem_shared>>) dst(%arg15 : memref<7168xi32, #tpu.memory_space<vmem>>)
    %scan3A_74 = arith.constant 0 : i32
    %scan3A_75 = arith.constant 0 : i32
    %scan3A_76 = arith.constant 448 : i32
    %scan3A_77 = arith.addi %scan3A_75, %scan3A_76 : i32
    %scan3A_78 = arith.constant 1 : i32
    scf.for %scan3A_200 = %scan3A_75 to %scan3A_77 step %scan3A_78  : i32 {
      %mul3A_201 = arith.constant 16 : i32
      %mul3A_202 = arith.muli %scan3A_200, %mul3A_201 : i32
      %get3A = arith.index_cast %mul3A_202 : i32 to index
      %get3A_203 = tpu.vector_load %arg15[%get3A] {strides = array<i32>} : memref<7168xi32, #tpu.memory_space<vmem>>, vector<16xi32>,
      %get3A_204 = vector.shape_cast %get3A_203 : vector<16xi32> to vector<16xi32>
      %and3A = arith.constant -65536 : i32
      %and3A_205 = vector.broadcast %and3A : i32 to vector<16xi32>
      %and3A_206 = arith.andi %get3A_204, %and3A_205 : vector<16xi32>
      %bitcast_convert_type3A = tpu.bitcast %and3A_206 : vector<16xi32> -> vector<16xf32>
      %mul3A_207 = arith.constant 16 : i32
      %mul3A_208 = arith.muli %scan3A_200, %mul3A_207 : i32
      %swap3A = arith.index_cast %mul3A_208 : i32 to index
      %swap3A_209 = tpu.vector_load %arg17[%swap3A] {strides = array<i32>} : memref<7168xf32, #tpu.memory_space<vmem>>, vector<16xf32>,
      %swap3A_210 = vector.shape_cast %swap3A_209 : vector<16xf32> to vector<16xf32>
      %swap3A_211 = vector.shape_cast %bitcast_convert_type3A : vector<16xf32> to vector<16xf32>
      tpu.vector_store %arg17[%swap3A], %swap3A_211 {strides = array<i32>} : memref<7168xf32, #tpu.memory_space<vmem>>, vector<16xf32>,
      %shift_left3A = arith.constant 16 : i32
      %shift_left3A_212 = vector.broadcast %shift_left3A : i32 to vector<16xi32>
      %shift_left3A_213 = arith.shli %get3A_204, %shift_left3A_212 : vector<16xi32>
      %bitcast_convert_type3A_214 = tpu.bitcast %shift_left3A_213 : vector<16xi32> -> vector<16xf32>
      %mul3A_215 = arith.constant 16 : i32
      %mul3A_216 = arith.muli %scan3A_200, %mul3A_215 : i32
      %swap3A_217 = arith.index_cast %mul3A_216 : i32 to index
      %swap3A_218 = tpu.vector_load %arg19[%swap3A_217] {strides = array<i32>} : memref<7168xf32, #tpu.memory_space<vmem>>, vector<16xf32>,
      %swap3A_219 = vector.shape_cast %swap3A_218 : vector<16xf32> to vector<16xf32>
      %swap3A_220 = vector.shape_cast %bitcast_convert_type3A_214 : vector<16xf32> to vector<16xf32>
      tpu.vector_store %arg19[%swap3A_217], %swap3A_220 {strides = array<i32>} : memref<7168xf32, #tpu.memory_space<vmem>>, vector<16xf32>,
    }
    %scan3A_79 = arith.constant 448 : i32
    %dma_start3A_80 = arith.constant 0 : i32
    %dma_start3A_81 = tpu.memref_slice %arg7[%dma_start3A_80] : memref<102400xf32, #tpu.memory_space<vmem_shared>> -> memref<102400xf32, #tpu.memory_space<vmem_shared>>
    tpu.enqueue_indirect_dma source(%arg17 : memref<7168xf32, #tpu.memory_space<vmem>>) target(%dma_start3A_81 : memref<102400xf32, #tpu.memory_space<vmem_shared>>) offsets(%arg14 : memref<7168xi32, #tpu.memory_space<vmem>>) semaphore(%arg23 : memref<!tpu.dma_semaphore, #tpu.memory_space<semaphore_mem>>) {add = true}
    %dma_start3A_82 = arith.constant 0 : i32
    %dma_start3A_83 = tpu.memref_slice %arg8[%dma_start3A_82] : memref<102400xf32, #tpu.memory_space<vmem_shared>> -> memref<102400xf32, #tpu.memory_space<vmem_shared>>
    tpu.enqueue_indirect_dma source(%arg19 : memref<7168xf32, #tpu.memory_space<vmem>>) target(%dma_start3A_83 : memref<102400xf32, #tpu.memory_space<vmem_shared>>) offsets(%arg14 : memref<7168xi32, #tpu.memory_space<vmem>>) semaphore(%arg25 : memref<!tpu.dma_semaphore, #tpu.memory_space<semaphore_mem>>) {add = true}
    %dma_wait3A_84 = tpu.memref_slice %arg2[%add3A_67] : memref<1605632xi32, #tpu.memory_space<hbm>> -> memref<7168xi32, #tpu.memory_space<hbm>>
    %dma_wait3A_85 = tpu.memref_slice %arg2[%add3A_67] : memref<1605632xi32, #tpu.memory_space<hbm>> -> memref<7168xi32, #tpu.memory_space<hbm>>
    tpu.wait_dma2 semaphore(%arg21 : memref<!tpu.dma_semaphore, #tpu.memory_space<semaphore_mem>>) src(%dma_wait3A_85 : memref<7168xi32, #tpu.memory_space<hbm>>) dst(%arg11 : memref<7168xi32, #tpu.memory_space<vmem>>)
    %dma_wait3A_86 = tpu.memref_slice %arg3[%add3A_67] : memref<1605632xi32, #tpu.memory_space<hbm>> -> memref<7168xi32, #tpu.memory_space<hbm>>
    %dma_wait3A_87 = tpu.memref_slice %arg3[%add3A_67] : memref<1605632xi32, #tpu.memory_space<hbm>> -> memref<7168xi32, #tpu.memory_space<hbm>>
    tpu.wait_dma2 semaphore(%arg21 : memref<!tpu.dma_semaphore, #tpu.memory_space<semaphore_mem>>) src(%dma_wait3A_87 : memref<7168xi32, #tpu.memory_space<hbm>>) dst(%arg12 : memref<7168xi32, #tpu.memory_space<vmem>>)
    %dma_wait3A_88 = arith.constant 0 : i32
    %dma_wait3A_89 = tpu.memref_slice %arg7[%dma_wait3A_88] : memref<102400xf32, #tpu.memory_space<vmem_shared>> -> memref<102400xf32, #tpu.memory_space<vmem_shared>>
    tpu.wait_indirect_dma semaphore(%arg24 : memref<!tpu.dma_semaphore, #tpu.memory_space<semaphore_mem>>) src(%arg18 : memref<7168xf32, #tpu.memory_space<vmem>>) dst(%dma_wait3A_89 : memref<102400xf32, #tpu.memory_space<vmem_shared>>)
    %dma_wait3A_90 = arith.constant 0 : i32
    %dma_wait3A_91 = tpu.memref_slice %arg8[%dma_wait3A_90] : memref<102400xf32, #tpu.memory_space<vmem_shared>> -> memref<102400xf32, #tpu.memory_space<vmem_shared>>
    tpu.wait_indirect_dma semaphore(%arg26 : memref<!tpu.dma_semaphore, #tpu.memory_space<semaphore_mem>>) src(%arg20 : memref<7168xf32, #tpu.memory_space<vmem>>) dst(%dma_wait3A_91 : memref<102400xf32, #tpu.memory_space<vmem_shared>>)
    %dma_start3A_92 = arith.constant 0 : i32
    %dma_start3A_93 = tpu.memref_slice %arg9[%dma_start3A_92] : memref<102400xi32, #tpu.memory_space<vmem_shared>> -> memref<102400xi32, #tpu.memory_space<vmem_shared>>
    tpu.enqueue_indirect_dma source(%dma_start3A_93 : memref<102400xi32, #tpu.memory_space<vmem_shared>>) target(%arg16 : memref<7168xi32, #tpu.memory_space<vmem>>) offsets(%arg11 : memref<7168xi32, #tpu.memory_space<vmem>>) semaphore(%arg22 : memref<!tpu.dma_semaphore, #tpu.memory_space<semaphore_mem>>)
    %add3A_94 = arith.constant 28672 : i32
    %add3A_95 = arith.addi %mul3A_6, %add3A_94 : i32
    %dma_start3A_96 = tpu.memref_slice %arg2[%add3A_95] : memref<1605632xi32, #tpu.memory_space<hbm>> -> memref<7168xi32, #tpu.memory_space<hbm>>
    %dma_start3A_97 = tpu.memref_slice %arg2[%add3A_95] : memref<1605632xi32, #tpu.memory_space<hbm>> -> memref<7168xi32, #tpu.memory_space<hbm>>
    tpu.enqueue_dma source(%dma_start3A_97 : memref<7168xi32, #tpu.memory_space<hbm>>) target(%arg10 : memref<7168xi32, #tpu.memory_space<vmem>>) target_semaphore(%arg21 : memref<!tpu.dma_semaphore, #tpu.memory_space<semaphore_mem>>)
    %dma_start3A_98 = tpu.memref_slice %arg3[%add3A_95] : memref<1605632xi32, #tpu.memory_space<hbm>> -> memref<7168xi32, #tpu.memory_space<hbm>>
    %dma_start3A_99 = tpu.memref_slice %arg3[%add3A_95] : memref<1605632xi32, #tpu.memory_space<hbm>> -> memref<7168xi32, #tpu.memory_space<hbm>>
    tpu.enqueue_dma source(%dma_start3A_99 : memref<7168xi32, #tpu.memory_space<hbm>>) target(%arg13 : memref<7168xi32, #tpu.memory_space<vmem>>) target_semaphore(%arg21 : memref<!tpu.dma_semaphore, #tpu.memory_space<semaphore_mem>>)
    %dma_wait3A_100 = arith.constant 0 : i32
    %dma_wait3A_101 = tpu.memref_slice %arg9[%dma_wait3A_100] : memref<102400xi32, #tpu.memory_space<vmem_shared>> -> memref<102400xi32, #tpu.memory_space<vmem_shared>>
    tpu.wait_indirect_dma semaphore(%arg22 : memref<!tpu.dma_semaphore, #tpu.memory_space<semaphore_mem>>) src(%dma_wait3A_101 : memref<102400xi32, #tpu.memory_space<vmem_shared>>) dst(%arg16 : memref<7168xi32, #tpu.memory_space<vmem>>)
    %scan3A_102 = arith.constant 0 : i32
    %scan3A_103 = arith.constant 0 : i32
    %scan3A_104 = arith.constant 448 : i32
    %scan3A_105 = arith.addi %scan3A_103, %scan3A_104 : i32
    %scan3A_106 = arith.constant 1 : i32
    scf.for %scan3A_200 = %scan3A_103 to %scan3A_105 step %scan3A_106  : i32 {
      %mul3A_201 = arith.constant 16 : i32
      %mul3A_202 = arith.muli %scan3A_200, %mul3A_201 : i32
      %get3A = arith.index_cast %mul3A_202 : i32 to index
      %get3A_203 = tpu.vector_load %arg16[%get3A] {strides = array<i32>} : memref<7168xi32, #tpu.memory_space<vmem>>, vector<16xi32>,
      %get3A_204 = vector.shape_cast %get3A_203 : vector<16xi32> to vector<16xi32>
      %and3A = arith.constant -65536 : i32
      %and3A_205 = vector.broadcast %and3A : i32 to vector<16xi32>
      %and3A_206 = arith.andi %get3A_204, %and3A_205 : vector<16xi32>
      %bitcast_convert_type3A = tpu.bitcast %and3A_206 : vector<16xi32> -> vector<16xf32>
      %mul3A_207 = arith.constant 16 : i32
      %mul3A_208 = arith.muli %scan3A_200, %mul3A_207 : i32
      %swap3A = arith.index_cast %mul3A_208 : i32 to index
      %swap3A_209 = tpu.vector_load %arg18[%swap3A] {strides = array<i32>} : memref<7168xf32, #tpu.memory_space<vmem>>, vector<16xf32>,
      %swap3A_210 = vector.shape_cast %swap3A_209 : vector<16xf32> to vector<16xf32>
      %swap3A_211 = vector.shape_cast %bitcast_convert_type3A : vector<16xf32> to vector<16xf32>
      tpu.vector_store %arg18[%swap3A], %swap3A_211 {strides = array<i32>} : memref<7168xf32, #tpu.memory_space<vmem>>, vector<16xf32>,
      %shift_left3A = arith.constant 16 : i32
      %shift_left3A_212 = vector.broadcast %shift_left3A : i32 to vector<16xi32>
      %shift_left3A_213 = arith.shli %get3A_204, %shift_left3A_212 : vector<16xi32>
      %bitcast_convert_type3A_214 = tpu.bitcast %shift_left3A_213 : vector<16xi32> -> vector<16xf32>
      %mul3A_215 = arith.constant 16 : i32
      %mul3A_216 = arith.muli %scan3A_200, %mul3A_215 : i32
      %swap3A_217 = arith.index_cast %mul3A_216 : i32 to index
      %swap3A_218 = tpu.vector_load %arg20[%swap3A_217] {strides = array<i32>} : memref<7168xf32, #tpu.memory_space<vmem>>, vector<16xf32>,
      %swap3A_219 = vector.shape_cast %swap3A_218 : vector<16xf32> to vector<16xf32>
      %swap3A_220 = vector.shape_cast %bitcast_convert_type3A_214 : vector<16xf32> to vector<16xf32>
      tpu.vector_store %arg20[%swap3A_217], %swap3A_220 {strides = array<i32>} : memref<7168xf32, #tpu.memory_space<vmem>>, vector<16xf32>,
    }
    %scan3A_107 = arith.constant 448 : i32
    %dma_start3A_108 = arith.constant 0 : i32
    %dma_start3A_109 = tpu.memref_slice %arg7[%dma_start3A_108] : memref<102400xf32, #tpu.memory_space<vmem_shared>> -> memref<102400xf32, #tpu.memory_space<vmem_shared>>
    tpu.enqueue_indirect_dma source(%arg18 : memref<7168xf32, #tpu.memory_space<vmem>>) target(%dma_start3A_109 : memref<102400xf32, #tpu.memory_space<vmem_shared>>) offsets(%arg12 : memref<7168xi32, #tpu.memory_space<vmem>>) semaphore(%arg24 : memref<!tpu.dma_semaphore, #tpu.memory_space<semaphore_mem>>) {add = true}
    %dma_start3A_110 = arith.constant 0 : i32
    %dma_start3A_111 = tpu.memref_slice %arg8[%dma_start3A_110] : memref<102400xf32, #tpu.memory_space<vmem_shared>> -> memref<102400xf32, #tpu.memory_space<vmem_shared>>
    tpu.enqueue_indirect_dma source(%arg20 : memref<7168xf32, #tpu.memory_space<vmem>>) target(%dma_start3A_111 : memref<102400xf32, #tpu.memory_space<vmem_shared>>) offsets(%arg12 : memref<7168xi32, #tpu.memory_space<vmem>>) semaphore(%arg26 : memref<!tpu.dma_semaphore, #tpu.memory_space<semaphore_mem>>) {add = true}
    %dma_wait3A_112 = tpu.memref_slice %arg2[%add3A_95] : memref<1605632xi32, #tpu.memory_space<hbm>> -> memref<7168xi32, #tpu.memory_space<hbm>>
    %dma_wait3A_113 = tpu.memref_slice %arg2[%add3A_95] : memref<1605632xi32, #tpu.memory_space<hbm>> -> memref<7168xi32, #tpu.memory_space<hbm>>
    tpu.wait_dma2 semaphore(%arg21 : memref<!tpu.dma_semaphore, #tpu.memory_space<semaphore_mem>>) src(%dma_wait3A_113 : memref<7168xi32, #tpu.memory_space<hbm>>) dst(%arg10 : memref<7168xi32, #tpu.memory_space<vmem>>)
    %dma_wait3A_114 = tpu.memref_slice %arg3[%add3A_95] : memref<1605632xi32, #tpu.memory_space<hbm>> -> memref<7168xi32, #tpu.memory_space<hbm>>
    %dma_wait3A_115 = tpu.memref_slice %arg3[%add3A_95] : memref<1605632xi32, #tpu.memory_space<hbm>> -> memref<7168xi32, #tpu.memory_space<hbm>>
    tpu.wait_dma2 semaphore(%arg21 : memref<!tpu.dma_semaphore, #tpu.memory_space<semaphore_mem>>) src(%dma_wait3A_115 : memref<7168xi32, #tpu.memory_space<hbm>>) dst(%arg13 : memref<7168xi32, #tpu.memory_space<vmem>>)
    %dma_wait3A_116 = arith.constant 0 : i32
    %dma_wait3A_117 = tpu.memref_slice %arg7[%dma_wait3A_116] : memref<102400xf32, #tpu.memory_space<vmem_shared>> -> memref<102400xf32, #tpu.memory_space<vmem_shared>>
    tpu.wait_indirect_dma semaphore(%arg23 : memref<!tpu.dma_semaphore, #tpu.memory_space<semaphore_mem>>) src(%arg17 : memref<7168xf32, #tpu.memory_space<vmem>>) dst(%dma_wait3A_117 : memref<102400xf32, #tpu.memory_space<vmem_shared>>)
    %dma_wait3A_118 = arith.constant 0 : i32
    %dma_wait3A_119 = tpu.memref_slice %arg8[%dma_wait3A_118] : memref<102400xf32, #tpu.memory_space<vmem_shared>> -> memref<102400xf32, #tpu.memory_space<vmem_shared>>
    tpu.wait_indirect_dma semaphore(%arg25 : memref<!tpu.dma_semaphore, #tpu.memory_space<semaphore_mem>>) src(%arg19 : memref<7168xf32, #tpu.memory_space<vmem>>) dst(%dma_wait3A_119 : memref<102400xf32, #tpu.memory_space<vmem_shared>>)
    %dma_start3A_120 = arith.constant 0 : i32
    %dma_start3A_121 = tpu.memref_slice %arg9[%dma_start3A_120] : memref<102400xi32, #tpu.memory_space<vmem_shared>> -> memref<102400xi32, #tpu.memory_space<vmem_shared>>
    tpu.enqueue_indirect_dma source(%dma_start3A_121 : memref<102400xi32, #tpu.memory_space<vmem_shared>>) target(%arg15 : memref<7168xi32, #tpu.memory_space<vmem>>) offsets(%arg10 : memref<7168xi32, #tpu.memory_space<vmem>>) semaphore(%arg22 : memref<!tpu.dma_semaphore, #tpu.memory_space<semaphore_mem>>)
    %add3A_122 = arith.constant 35840 : i32
    %add3A_123 = arith.addi %mul3A_6, %add3A_122 : i32
    %dma_start3A_124 = tpu.memref_slice %arg2[%add3A_123] : memref<1605632xi32, #tpu.memory_space<hbm>> -> memref<7168xi32, #tpu.memory_space<hbm>>
    %dma_start3A_125 = tpu.memref_slice %arg2[%add3A_123] : memref<1605632xi32, #tpu.memory_space<hbm>> -> memref<7168xi32, #tpu.memory_space<hbm>>
    tpu.enqueue_dma source(%dma_start3A_125 : memref<7168xi32, #tpu.memory_space<hbm>>) target(%arg11 : memref<7168xi32, #tpu.memory_space<vmem>>) target_semaphore(%arg21 : memref<!tpu.dma_semaphore, #tpu.memory_space<semaphore_mem>>)
    %dma_start3A_126 = tpu.memref_slice %arg3[%add3A_123] : memref<1605632xi32, #tpu.memory_space<hbm>> -> memref<7168xi32, #tpu.memory_space<hbm>>
    %dma_start3A_127 = tpu.memref_slice %arg3[%add3A_123] : memref<1605632xi32, #tpu.memory_space<hbm>> -> memref<7168xi32, #tpu.memory_space<hbm>>
    tpu.enqueue_dma source(%dma_start3A_127 : memref<7168xi32, #tpu.memory_space<hbm>>) target(%arg14 : memref<7168xi32, #tpu.memory_space<vmem>>) target_semaphore(%arg21 : memref<!tpu.dma_semaphore, #tpu.memory_space<semaphore_mem>>)
    %dma_wait3A_128 = arith.constant 0 : i32
    %dma_wait3A_129 = tpu.memref_slice %arg9[%dma_wait3A_128] : memref<102400xi32, #tpu.memory_space<vmem_shared>> -> memref<102400xi32, #tpu.memory_space<vmem_shared>>
    tpu.wait_indirect_dma semaphore(%arg22 : memref<!tpu.dma_semaphore, #tpu.memory_space<semaphore_mem>>) src(%dma_wait3A_129 : memref<102400xi32, #tpu.memory_space<vmem_shared>>) dst(%arg15 : memref<7168xi32, #tpu.memory_space<vmem>>)
    %scan3A_130 = arith.constant 0 : i32
    %scan3A_131 = arith.constant 0 : i32
    %scan3A_132 = arith.constant 448 : i32
    %scan3A_133 = arith.addi %scan3A_131, %scan3A_132 : i32
    %scan3A_134 = arith.constant 1 : i32
    scf.for %scan3A_200 = %scan3A_131 to %scan3A_133 step %scan3A_134  : i32 {
      %mul3A_201 = arith.constant 16 : i32
      %mul3A_202 = arith.muli %scan3A_200, %mul3A_201 : i32
      %get3A = arith.index_cast %mul3A_202 : i32 to index
      %get3A_203 = tpu.vector_load %arg15[%get3A] {strides = array<i32>} : memref<7168xi32, #tpu.memory_space<vmem>>, vector<16xi32>,
      %get3A_204 = vector.shape_cast %get3A_203 : vector<16xi32> to vector<16xi32>
      %and3A = arith.constant -65536 : i32
      %and3A_205 = vector.broadcast %and3A : i32 to vector<16xi32>
      %and3A_206 = arith.andi %get3A_204, %and3A_205 : vector<16xi32>
      %bitcast_convert_type3A = tpu.bitcast %and3A_206 : vector<16xi32> -> vector<16xf32>
      %mul3A_207 = arith.constant 16 : i32
      %mul3A_208 = arith.muli %scan3A_200, %mul3A_207 : i32
      %swap3A = arith.index_cast %mul3A_208 : i32 to index
      %swap3A_209 = tpu.vector_load %arg17[%swap3A] {strides = array<i32>} : memref<7168xf32, #tpu.memory_space<vmem>>, vector<16xf32>,
      %swap3A_210 = vector.shape_cast %swap3A_209 : vector<16xf32> to vector<16xf32>
      %swap3A_211 = vector.shape_cast %bitcast_convert_type3A : vector<16xf32> to vector<16xf32>
      tpu.vector_store %arg17[%swap3A], %swap3A_211 {strides = array<i32>} : memref<7168xf32, #tpu.memory_space<vmem>>, vector<16xf32>,
      %shift_left3A = arith.constant 16 : i32
      %shift_left3A_212 = vector.broadcast %shift_left3A : i32 to vector<16xi32>
      %shift_left3A_213 = arith.shli %get3A_204, %shift_left3A_212 : vector<16xi32>
      %bitcast_convert_type3A_214 = tpu.bitcast %shift_left3A_213 : vector<16xi32> -> vector<16xf32>
      %mul3A_215 = arith.constant 16 : i32
      %mul3A_216 = arith.muli %scan3A_200, %mul3A_215 : i32
      %swap3A_217 = arith.index_cast %mul3A_216 : i32 to index
      %swap3A_218 = tpu.vector_load %arg19[%swap3A_217] {strides = array<i32>} : memref<7168xf32, #tpu.memory_space<vmem>>, vector<16xf32>,
      %swap3A_219 = vector.shape_cast %swap3A_218 : vector<16xf32> to vector<16xf32>
      %swap3A_220 = vector.shape_cast %bitcast_convert_type3A_214 : vector<16xf32> to vector<16xf32>
      tpu.vector_store %arg19[%swap3A_217], %swap3A_220 {strides = array<i32>} : memref<7168xf32, #tpu.memory_space<vmem>>, vector<16xf32>,
    }
    %scan3A_135 = arith.constant 448 : i32
    %dma_start3A_136 = arith.constant 0 : i32
    %dma_start3A_137 = tpu.memref_slice %arg7[%dma_start3A_136] : memref<102400xf32, #tpu.memory_space<vmem_shared>> -> memref<102400xf32, #tpu.memory_space<vmem_shared>>
    tpu.enqueue_indirect_dma source(%arg17 : memref<7168xf32, #tpu.memory_space<vmem>>) target(%dma_start3A_137 : memref<102400xf32, #tpu.memory_space<vmem_shared>>) offsets(%arg13 : memref<7168xi32, #tpu.memory_space<vmem>>) semaphore(%arg23 : memref<!tpu.dma_semaphore, #tpu.memory_space<semaphore_mem>>) {add = true}
    %dma_start3A_138 = arith.constant 0 : i32
    %dma_start3A_139 = tpu.memref_slice %arg8[%dma_start3A_138] : memref<102400xf32, #tpu.memory_space<vmem_shared>> -> memref<102400xf32, #tpu.memory_space<vmem_shared>>
    tpu.enqueue_indirect_dma source(%arg19 : memref<7168xf32, #tpu.memory_space<vmem>>) target(%dma_start3A_139 : memref<102400xf32, #tpu.memory_space<vmem_shared>>) offsets(%arg13 : memref<7168xi32, #tpu.memory_space<vmem>>) semaphore(%arg25 : memref<!tpu.dma_semaphore, #tpu.memory_space<semaphore_mem>>) {add = true}
    %dma_wait3A_140 = tpu.memref_slice %arg2[%add3A_123] : memref<1605632xi32, #tpu.memory_space<hbm>> -> memref<7168xi32, #tpu.memory_space<hbm>>
    %dma_wait3A_141 = tpu.memref_slice %arg2[%add3A_123] : memref<1605632xi32, #tpu.memory_space<hbm>> -> memref<7168xi32, #tpu.memory_space<hbm>>
    tpu.wait_dma2 semaphore(%arg21 : memref<!tpu.dma_semaphore, #tpu.memory_space<semaphore_mem>>) src(%dma_wait3A_141 : memref<7168xi32, #tpu.memory_space<hbm>>) dst(%arg11 : memref<7168xi32, #tpu.memory_space<vmem>>)
    %dma_wait3A_142 = tpu.memref_slice %arg3[%add3A_123] : memref<1605632xi32, #tpu.memory_space<hbm>> -> memref<7168xi32, #tpu.memory_space<hbm>>
    %dma_wait3A_143 = tpu.memref_slice %arg3[%add3A_123] : memref<1605632xi32, #tpu.memory_space<hbm>> -> memref<7168xi32, #tpu.memory_space<hbm>>
    tpu.wait_dma2 semaphore(%arg21 : memref<!tpu.dma_semaphore, #tpu.memory_space<semaphore_mem>>) src(%dma_wait3A_143 : memref<7168xi32, #tpu.memory_space<hbm>>) dst(%arg14 : memref<7168xi32, #tpu.memory_space<vmem>>)
    %dma_wait3A_144 = arith.constant 0 : i32
    %dma_wait3A_145 = tpu.memref_slice %arg7[%dma_wait3A_144] : memref<102400xf32, #tpu.memory_space<vmem_shared>> -> memref<102400xf32, #tpu.memory_space<vmem_shared>>
    tpu.wait_indirect_dma semaphore(%arg24 : memref<!tpu.dma_semaphore, #tpu.memory_space<semaphore_mem>>) src(%arg18 : memref<7168xf32, #tpu.memory_space<vmem>>) dst(%dma_wait3A_145 : memref<102400xf32, #tpu.memory_space<vmem_shared>>)
    %dma_wait3A_146 = arith.constant 0 : i32
    %dma_wait3A_147 = tpu.memref_slice %arg8[%dma_wait3A_146] : memref<102400xf32, #tpu.memory_space<vmem_shared>> -> memref<102400xf32, #tpu.memory_space<vmem_shared>>
    tpu.wait_indirect_dma semaphore(%arg26 : memref<!tpu.dma_semaphore, #tpu.memory_space<semaphore_mem>>) src(%arg20 : memref<7168xf32, #tpu.memory_space<vmem>>) dst(%dma_wait3A_147 : memref<102400xf32, #tpu.memory_space<vmem_shared>>)
    %dma_start3A_148 = arith.constant 0 : i32
    %dma_start3A_149 = tpu.memref_slice %arg9[%dma_start3A_148] : memref<102400xi32, #tpu.memory_space<vmem_shared>> -> memref<102400xi32, #tpu.memory_space<vmem_shared>>
    tpu.enqueue_indirect_dma source(%dma_start3A_149 : memref<102400xi32, #tpu.memory_space<vmem_shared>>) target(%arg16 : memref<7168xi32, #tpu.memory_space<vmem>>) offsets(%arg11 : memref<7168xi32, #tpu.memory_space<vmem>>) semaphore(%arg22 : memref<!tpu.dma_semaphore, #tpu.memory_space<semaphore_mem>>)
    %add3A_150 = arith.constant 43008 : i32
    %add3A_151 = arith.addi %mul3A_6, %add3A_150 : i32
    %dma_start3A_152 = tpu.memref_slice %arg2[%add3A_151] : memref<1605632xi32, #tpu.memory_space<hbm>> -> memref<7168xi32, #tpu.memory_space<hbm>>
    %dma_start3A_153 = tpu.memref_slice %arg2[%add3A_151] : memref<1605632xi32, #tpu.memory_space<hbm>> -> memref<7168xi32, #tpu.memory_space<hbm>>
    tpu.enqueue_dma source(%dma_start3A_153 : memref<7168xi32, #tpu.memory_space<hbm>>) target(%arg10 : memref<7168xi32, #tpu.memory_space<vmem>>) target_semaphore(%arg21 : memref<!tpu.dma_semaphore, #tpu.memory_space<semaphore_mem>>)
    %dma_start3A_154 = tpu.memref_slice %arg3[%add3A_151] : memref<1605632xi32, #tpu.memory_space<hbm>> -> memref<7168xi32, #tpu.memory_space<hbm>>
    %dma_start3A_155 = tpu.memref_slice %arg3[%add3A_151] : memref<1605632xi32, #tpu.memory_space<hbm>> -> memref<7168xi32, #tpu.memory_space<hbm>>
    tpu.enqueue_dma source(%dma_start3A_155 : memref<7168xi32, #tpu.memory_space<hbm>>) target(%arg12 : memref<7168xi32, #tpu.memory_space<vmem>>) target_semaphore(%arg21 : memref<!tpu.dma_semaphore, #tpu.memory_space<semaphore_mem>>)
    %dma_wait3A_156 = arith.constant 0 : i32
    %dma_wait3A_157 = tpu.memref_slice %arg9[%dma_wait3A_156] : memref<102400xi32, #tpu.memory_space<vmem_shared>> -> memref<102400xi32, #tpu.memory_space<vmem_shared>>
    tpu.wait_indirect_dma semaphore(%arg22 : memref<!tpu.dma_semaphore, #tpu.memory_space<semaphore_mem>>) src(%dma_wait3A_157 : memref<102400xi32, #tpu.memory_space<vmem_shared>>) dst(%arg16 : memref<7168xi32, #tpu.memory_space<vmem>>)
    %scan3A_158 = arith.constant 0 : i32
    %scan3A_159 = arith.constant 0 : i32
    %scan3A_160 = arith.constant 448 : i32
    %scan3A_161 = arith.addi %scan3A_159, %scan3A_160 : i32
    %scan3A_162 = arith.constant 1 : i32
    scf.for %scan3A_200 = %scan3A_159 to %scan3A_161 step %scan3A_162  : i32 {
      %mul3A_201 = arith.constant 16 : i32
      %mul3A_202 = arith.muli %scan3A_200, %mul3A_201 : i32
      %get3A = arith.index_cast %mul3A_202 : i32 to index
      %get3A_203 = tpu.vector_load %arg16[%get3A] {strides = array<i32>} : memref<7168xi32, #tpu.memory_space<vmem>>, vector<16xi32>,
      %get3A_204 = vector.shape_cast %get3A_203 : vector<16xi32> to vector<16xi32>
      %and3A = arith.constant -65536 : i32
      %and3A_205 = vector.broadcast %and3A : i32 to vector<16xi32>
      %and3A_206 = arith.andi %get3A_204, %and3A_205 : vector<16xi32>
      %bitcast_convert_type3A = tpu.bitcast %and3A_206 : vector<16xi32> -> vector<16xf32>
      %mul3A_207 = arith.constant 16 : i32
      %mul3A_208 = arith.muli %scan3A_200, %mul3A_207 : i32
      %swap3A = arith.index_cast %mul3A_208 : i32 to index
      %swap3A_209 = tpu.vector_load %arg18[%swap3A] {strides = array<i32>} : memref<7168xf32, #tpu.memory_space<vmem>>, vector<16xf32>,
      %swap3A_210 = vector.shape_cast %swap3A_209 : vector<16xf32> to vector<16xf32>
      %swap3A_211 = vector.shape_cast %bitcast_convert_type3A : vector<16xf32> to vector<16xf32>
      tpu.vector_store %arg18[%swap3A], %swap3A_211 {strides = array<i32>} : memref<7168xf32, #tpu.memory_space<vmem>>, vector<16xf32>,
      %shift_left3A = arith.constant 16 : i32
      %shift_left3A_212 = vector.broadcast %shift_left3A : i32 to vector<16xi32>
      %shift_left3A_213 = arith.shli %get3A_204, %shift_left3A_212 : vector<16xi32>
      %bitcast_convert_type3A_214 = tpu.bitcast %shift_left3A_213 : vector<16xi32> -> vector<16xf32>
      %mul3A_215 = arith.constant 16 : i32
      %mul3A_216 = arith.muli %scan3A_200, %mul3A_215 : i32
      %swap3A_217 = arith.index_cast %mul3A_216 : i32 to index
      %swap3A_218 = tpu.vector_load %arg20[%swap3A_217] {strides = array<i32>} : memref<7168xf32, #tpu.memory_space<vmem>>, vector<16xf32>,
      %swap3A_219 = vector.shape_cast %swap3A_218 : vector<16xf32> to vector<16xf32>
      %swap3A_220 = vector.shape_cast %bitcast_convert_type3A_214 : vector<16xf32> to vector<16xf32>
      tpu.vector_store %arg20[%swap3A_217], %swap3A_220 {strides = array<i32>} : memref<7168xf32, #tpu.memory_space<vmem>>, vector<16xf32>,
    }
    %scan3A_163 = arith.constant 448 : i32
    %dma_start3A_164 = arith.constant 0 : i32
    %dma_start3A_165 = tpu.memref_slice %arg7[%dma_start3A_164] : memref<102400xf32, #tpu.memory_space<vmem_shared>> -> memref<102400xf32, #tpu.memory_space<vmem_shared>>
    tpu.enqueue_indirect_dma source(%arg18 : memref<7168xf32, #tpu.memory_space<vmem>>) target(%dma_start3A_165 : memref<102400xf32, #tpu.memory_space<vmem_shared>>) offsets(%arg14 : memref<7168xi32, #tpu.memory_space<vmem>>) semaphore(%arg24 : memref<!tpu.dma_semaphore, #tpu.memory_space<semaphore_mem>>) {add = true}
    %dma_start3A_166 = arith.constant 0 : i32
    %dma_start3A_167 = tpu.memref_slice %arg8[%dma_start3A_166] : memref<102400xf32, #tpu.memory_space<vmem_shared>> -> memref<102400xf32, #tpu.memory_space<vmem_shared>>
    tpu.enqueue_indirect_dma source(%arg20 : memref<7168xf32, #tpu.memory_space<vmem>>) target(%dma_start3A_167 : memref<102400xf32, #tpu.memory_space<vmem_shared>>) offsets(%arg14 : memref<7168xi32, #tpu.memory_space<vmem>>) semaphore(%arg26 : memref<!tpu.dma_semaphore, #tpu.memory_space<semaphore_mem>>) {add = true}
    %dma_wait3A_168 = tpu.memref_slice %arg2[%add3A_151] : memref<1605632xi32, #tpu.memory_space<hbm>> -> memref<7168xi32, #tpu.memory_space<hbm>>
    %dma_wait3A_169 = tpu.memref_slice %arg2[%add3A_151] : memref<1605632xi32, #tpu.memory_space<hbm>> -> memref<7168xi32, #tpu.memory_space<hbm>>
    tpu.wait_dma2 semaphore(%arg21 : memref<!tpu.dma_semaphore, #tpu.memory_space<semaphore_mem>>) src(%dma_wait3A_169 : memref<7168xi32, #tpu.memory_space<hbm>>) dst(%arg10 : memref<7168xi32, #tpu.memory_space<vmem>>)
    %dma_wait3A_170 = tpu.memref_slice %arg3[%add3A_151] : memref<1605632xi32, #tpu.memory_space<hbm>> -> memref<7168xi32, #tpu.memory_space<hbm>>
    %dma_wait3A_171 = tpu.memref_slice %arg3[%add3A_151] : memref<1605632xi32, #tpu.memory_space<hbm>> -> memref<7168xi32, #tpu.memory_space<hbm>>
    tpu.wait_dma2 semaphore(%arg21 : memref<!tpu.dma_semaphore, #tpu.memory_space<semaphore_mem>>) src(%dma_wait3A_171 : memref<7168xi32, #tpu.memory_space<hbm>>) dst(%arg12 : memref<7168xi32, #tpu.memory_space<vmem>>)
    %dma_wait3A_172 = arith.constant 0 : i32
    %dma_wait3A_173 = tpu.memref_slice %arg7[%dma_wait3A_172] : memref<102400xf32, #tpu.memory_space<vmem_shared>> -> memref<102400xf32, #tpu.memory_space<vmem_shared>>
    tpu.wait_indirect_dma semaphore(%arg23 : memref<!tpu.dma_semaphore, #tpu.memory_space<semaphore_mem>>) src(%arg17 : memref<7168xf32, #tpu.memory_space<vmem>>) dst(%dma_wait3A_173 : memref<102400xf32, #tpu.memory_space<vmem_shared>>)
    %dma_wait3A_174 = arith.constant 0 : i32
    %dma_wait3A_175 = tpu.memref_slice %arg8[%dma_wait3A_174] : memref<102400xf32, #tpu.memory_space<vmem_shared>> -> memref<102400xf32, #tpu.memory_space<vmem_shared>>
    tpu.wait_indirect_dma semaphore(%arg25 : memref<!tpu.dma_semaphore, #tpu.memory_space<semaphore_mem>>) src(%arg19 : memref<7168xf32, #tpu.memory_space<vmem>>) dst(%dma_wait3A_175 : memref<102400xf32, #tpu.memory_space<vmem_shared>>)
    %dma_start3A_176 = arith.constant 0 : i32
    %dma_start3A_177 = tpu.memref_slice %arg9[%dma_start3A_176] : memref<102400xi32, #tpu.memory_space<vmem_shared>> -> memref<102400xi32, #tpu.memory_space<vmem_shared>>
    tpu.enqueue_indirect_dma source(%dma_start3A_177 : memref<102400xi32, #tpu.memory_space<vmem_shared>>) target(%arg15 : memref<7168xi32, #tpu.memory_space<vmem>>) offsets(%arg10 : memref<7168xi32, #tpu.memory_space<vmem>>) semaphore(%arg22 : memref<!tpu.dma_semaphore, #tpu.memory_space<semaphore_mem>>)
    %dma_wait3A_178 = arith.constant 0 : i32
    %dma_wait3A_179 = tpu.memref_slice %arg9[%dma_wait3A_178] : memref<102400xi32, #tpu.memory_space<vmem_shared>> -> memref<102400xi32, #tpu.memory_space<vmem_shared>>
    tpu.wait_indirect_dma semaphore(%arg22 : memref<!tpu.dma_semaphore, #tpu.memory_space<semaphore_mem>>) src(%dma_wait3A_179 : memref<102400xi32, #tpu.memory_space<vmem_shared>>) dst(%arg15 : memref<7168xi32, #tpu.memory_space<vmem>>)
    %scan3A_180 = arith.constant 0 : i32
    %scan3A_181 = arith.constant 0 : i32
    %scan3A_182 = arith.constant 448 : i32
    %scan3A_183 = arith.addi %scan3A_181, %scan3A_182 : i32
    %scan3A_184 = arith.constant 1 : i32
    scf.for %scan3A_200 = %scan3A_181 to %scan3A_183 step %scan3A_184  : i32 {
      %mul3A_201 = arith.constant 16 : i32
      %mul3A_202 = arith.muli %scan3A_200, %mul3A_201 : i32
      %get3A = arith.index_cast %mul3A_202 : i32 to index
      %get3A_203 = tpu.vector_load %arg15[%get3A] {strides = array<i32>} : memref<7168xi32, #tpu.memory_space<vmem>>, vector<16xi32>,
      %get3A_204 = vector.shape_cast %get3A_203 : vector<16xi32> to vector<16xi32>
      %and3A = arith.constant -65536 : i32
      %and3A_205 = vector.broadcast %and3A : i32 to vector<16xi32>
      %and3A_206 = arith.andi %get3A_204, %and3A_205 : vector<16xi32>
      %bitcast_convert_type3A = tpu.bitcast %and3A_206 : vector<16xi32> -> vector<16xf32>
      %mul3A_207 = arith.constant 16 : i32
      %mul3A_208 = arith.muli %scan3A_200, %mul3A_207 : i32
      %swap3A = arith.index_cast %mul3A_208 : i32 to index
      %swap3A_209 = tpu.vector_load %arg17[%swap3A] {strides = array<i32>} : memref<7168xf32, #tpu.memory_space<vmem>>, vector<16xf32>,
      %swap3A_210 = vector.shape_cast %swap3A_209 : vector<16xf32> to vector<16xf32>
      %swap3A_211 = vector.shape_cast %bitcast_convert_type3A : vector<16xf32> to vector<16xf32>
      tpu.vector_store %arg17[%swap3A], %swap3A_211 {strides = array<i32>} : memref<7168xf32, #tpu.memory_space<vmem>>, vector<16xf32>,
      %shift_left3A = arith.constant 16 : i32
      %shift_left3A_212 = vector.broadcast %shift_left3A : i32 to vector<16xi32>
      %shift_left3A_213 = arith.shli %get3A_204, %shift_left3A_212 : vector<16xi32>
      %bitcast_convert_type3A_214 = tpu.bitcast %shift_left3A_213 : vector<16xi32> -> vector<16xf32>
      %mul3A_215 = arith.constant 16 : i32
      %mul3A_216 = arith.muli %scan3A_200, %mul3A_215 : i32
      %swap3A_217 = arith.index_cast %mul3A_216 : i32 to index
      %swap3A_218 = tpu.vector_load %arg19[%swap3A_217] {strides = array<i32>} : memref<7168xf32, #tpu.memory_space<vmem>>, vector<16xf32>,
      %swap3A_219 = vector.shape_cast %swap3A_218 : vector<16xf32> to vector<16xf32>
      %swap3A_220 = vector.shape_cast %bitcast_convert_type3A_214 : vector<16xf32> to vector<16xf32>
      tpu.vector_store %arg19[%swap3A_217], %swap3A_220 {strides = array<i32>} : memref<7168xf32, #tpu.memory_space<vmem>>, vector<16xf32>,
    }
    %scan3A_185 = arith.constant 448 : i32
    %dma_start3A_186 = arith.constant 0 : i32
    %dma_start3A_187 = tpu.memref_slice %arg7[%dma_start3A_186] : memref<102400xf32, #tpu.memory_space<vmem_shared>> -> memref<102400xf32, #tpu.memory_space<vmem_shared>>
    tpu.enqueue_indirect_dma source(%arg17 : memref<7168xf32, #tpu.memory_space<vmem>>) target(%dma_start3A_187 : memref<102400xf32, #tpu.memory_space<vmem_shared>>) offsets(%arg12 : memref<7168xi32, #tpu.memory_space<vmem>>) semaphore(%arg23 : memref<!tpu.dma_semaphore, #tpu.memory_space<semaphore_mem>>) {add = true}
    %dma_start3A_188 = arith.constant 0 : i32
    %dma_start3A_189 = tpu.memref_slice %arg8[%dma_start3A_188] : memref<102400xf32, #tpu.memory_space<vmem_shared>> -> memref<102400xf32, #tpu.memory_space<vmem_shared>>
    tpu.enqueue_indirect_dma source(%arg19 : memref<7168xf32, #tpu.memory_space<vmem>>) target(%dma_start3A_189 : memref<102400xf32, #tpu.memory_space<vmem_shared>>) offsets(%arg12 : memref<7168xi32, #tpu.memory_space<vmem>>) semaphore(%arg25 : memref<!tpu.dma_semaphore, #tpu.memory_space<semaphore_mem>>) {add = true}
    %dma_wait3A_190 = arith.constant 0 : i32
    %dma_wait3A_191 = tpu.memref_slice %arg7[%dma_wait3A_190] : memref<102400xf32, #tpu.memory_space<vmem_shared>> -> memref<102400xf32, #tpu.memory_space<vmem_shared>>
    tpu.wait_indirect_dma semaphore(%arg24 : memref<!tpu.dma_semaphore, #tpu.memory_space<semaphore_mem>>) src(%arg18 : memref<7168xf32, #tpu.memory_space<vmem>>) dst(%dma_wait3A_191 : memref<102400xf32, #tpu.memory_space<vmem_shared>>)
    %dma_wait3A_192 = arith.constant 0 : i32
    %dma_wait3A_193 = tpu.memref_slice %arg8[%dma_wait3A_192] : memref<102400xf32, #tpu.memory_space<vmem_shared>> -> memref<102400xf32, #tpu.memory_space<vmem_shared>>
    tpu.wait_indirect_dma semaphore(%arg26 : memref<!tpu.dma_semaphore, #tpu.memory_space<semaphore_mem>>) src(%arg20 : memref<7168xf32, #tpu.memory_space<vmem>>) dst(%dma_wait3A_193 : memref<102400xf32, #tpu.memory_space<vmem_shared>>)
    %dma_wait3A_194 = arith.constant 0 : i32
    %dma_wait3A_195 = tpu.memref_slice %arg7[%dma_wait3A_194] : memref<102400xf32, #tpu.memory_space<vmem_shared>> -> memref<102400xf32, #tpu.memory_space<vmem_shared>>
    tpu.wait_indirect_dma semaphore(%arg23 : memref<!tpu.dma_semaphore, #tpu.memory_space<semaphore_mem>>) src(%arg17 : memref<7168xf32, #tpu.memory_space<vmem>>) dst(%dma_wait3A_195 : memref<102400xf32, #tpu.memory_space<vmem_shared>>)
    %dma_wait3A_196 = arith.constant 0 : i32
    %dma_wait3A_197 = tpu.memref_slice %arg8[%dma_wait3A_196] : memref<102400xf32, #tpu.memory_space<vmem_shared>> -> memref<102400xf32, #tpu.memory_space<vmem_shared>>
    tpu.wait_indirect_dma semaphore(%arg25 : memref<!tpu.dma_semaphore, #tpu.memory_space<semaphore_mem>>) src(%arg19 : memref<7168xf32, #tpu.memory_space<vmem>>) dst(%dma_wait3A_197 : memref<102400xf32, #tpu.memory_space<vmem_shared>>)
    %barrier3A_198 = arith.constant 0 : index
    tpu.barrier barrier_id(%barrier3A_198)
    %run_scoped3A = arith.constant 0 : i32
    "tpu.region"() ({
      %run_scoped3A_200 = tpu.sem_alloc : memref<!tpu.dma_semaphore, #tpu.memory_space<semaphore_mem>>
      %dma_start3A_201 = arith.constant 0 : i32
      %dma_start3A_202 = arith.constant 0 : i32
      %dma_start3A_203 = tpu.memref_slice %arg6[%arg0, %dma_start3A_201, %dma_start3A_202] : memref<2x2x102400xf32, #tpu.memory_space<hbm>> -> memref<1x2x102400xf32, #tpu.memory_space<hbm>>
      %dma_start3A_204 = tpu.memref_squeeze %dma_start3A_203 : memref<1x2x102400xf32, #tpu.memory_space<hbm>> -> memref<2x102400xf32, #tpu.memory_space<hbm>>
      %dma_start3A_205 = arith.constant 0 : i32
      %dma_start3A_206 = tpu.memref_slice %dma_start3A_204[%run_scoped3A, %dma_start3A_205] : memref<2x102400xf32, #tpu.memory_space<hbm>> -> memref<1x102400xf32, #tpu.memory_space<hbm>>
      %dma_start3A_207 = tpu.memref_squeeze %dma_start3A_206 : memref<1x102400xf32, #tpu.memory_space<hbm>> -> memref<102400xf32, #tpu.memory_space<hbm>>
      %dma_start3A_208 = tpu.memref_slice %dma_start3A_207[%mul3A_2] : memref<102400xf32, #tpu.memory_space<hbm>> -> memref<6400xf32, #tpu.memory_space<hbm>>
      %dma_start3A_209 = tpu.memref_slice %arg7[%mul3A_2] : memref<102400xf32, #tpu.memory_space<vmem_shared>> -> memref<6400xf32, #tpu.memory_space<vmem_shared>>
      tpu.enqueue_dma source(%dma_start3A_209 : memref<6400xf32, #tpu.memory_space<vmem_shared>>) target(%dma_start3A_208 : memref<6400xf32, #tpu.memory_space<hbm>>) target_semaphore(%run_scoped3A_200 : memref<!tpu.dma_semaphore, #tpu.memory_space<semaphore_mem>>)
      %dma_wait3A_210 = arith.constant 0 : i32
      %dma_wait3A_211 = arith.constant 0 : i32
      %dma_wait3A_212 = tpu.memref_slice %arg6[%arg0, %dma_wait3A_210, %dma_wait3A_211] : memref<2x2x102400xf32, #tpu.memory_space<hbm>> -> memref<1x2x102400xf32, #tpu.memory_space<hbm>>
      %dma_wait3A_213 = tpu.memref_squeeze %dma_wait3A_212 : memref<1x2x102400xf32, #tpu.memory_space<hbm>> -> memref<2x102400xf32, #tpu.memory_space<hbm>>
      %dma_wait3A_214 = arith.constant 0 : i32
      %dma_wait3A_215 = tpu.memref_slice %dma_wait3A_213[%run_scoped3A, %dma_wait3A_214] : memref<2x102400xf32, #tpu.memory_space<hbm>> -> memref<1x102400xf32, #tpu.memory_space<hbm>>
      %dma_wait3A_216 = tpu.memref_squeeze %dma_wait3A_215 : memref<1x102400xf32, #tpu.memory_space<hbm>> -> memref<102400xf32, #tpu.memory_space<hbm>>
      %dma_wait3A_217 = tpu.memref_slice %dma_wait3A_216[%mul3A_2] : memref<102400xf32, #tpu.memory_space<hbm>> -> memref<6400xf32, #tpu.memory_space<hbm>>
      %dma_wait3A_218 = tpu.memref_slice %arg7[%mul3A_2] : memref<102400xf32, #tpu.memory_space<vmem_shared>> -> memref<6400xf32, #tpu.memory_space<vmem_shared>>
      tpu.wait_dma2 semaphore(%run_scoped3A_200 : memref<!tpu.dma_semaphore, #tpu.memory_space<semaphore_mem>>) src(%dma_wait3A_218 : memref<6400xf32, #tpu.memory_space<vmem_shared>>) dst(%dma_wait3A_217 : memref<6400xf32, #tpu.memory_space<hbm>>)
      tpu.yield
    }) : () -> ()
    %run_scoped3A_199 = arith.constant 1 : i32
    "tpu.region"() ({
      %run_scoped3A_200 = tpu.sem_alloc : memref<!tpu.dma_semaphore, #tpu.memory_space<semaphore_mem>>
      %dma_start3A_201 = arith.constant 0 : i32
      %dma_start3A_202 = arith.constant 0 : i32
      %dma_start3A_203 = tpu.memref_slice %arg6[%arg0, %dma_start3A_201, %dma_start3A_202] : memref<2x2x102400xf32, #tpu.memory_space<hbm>> -> memref<1x2x102400xf32, #tpu.memory_space<hbm>>
      %dma_start3A_204 = tpu.memref_squeeze %dma_start3A_203 : memref<1x2x102400xf32, #tpu.memory_space<hbm>> -> memref<2x102400xf32, #tpu.memory_space<hbm>>
      %dma_start3A_205 = arith.constant 0 : i32
      %dma_start3A_206 = tpu.memref_slice %dma_start3A_204[%run_scoped3A_199, %dma_start3A_205] : memref<2x102400xf32, #tpu.memory_space<hbm>> -> memref<1x102400xf32, #tpu.memory_space<hbm>>
      %dma_start3A_207 = tpu.memref_squeeze %dma_start3A_206 : memref<1x102400xf32, #tpu.memory_space<hbm>> -> memref<102400xf32, #tpu.memory_space<hbm>>
      %dma_start3A_208 = tpu.memref_slice %dma_start3A_207[%mul3A_2] : memref<102400xf32, #tpu.memory_space<hbm>> -> memref<6400xf32, #tpu.memory_space<hbm>>
      %dma_start3A_209 = tpu.memref_slice %arg8[%mul3A_2] : memref<102400xf32, #tpu.memory_space<vmem_shared>> -> memref<6400xf32, #tpu.memory_space<vmem_shared>>
      tpu.enqueue_dma source(%dma_start3A_209 : memref<6400xf32, #tpu.memory_space<vmem_shared>>) target(%dma_start3A_208 : memref<6400xf32, #tpu.memory_space<hbm>>) target_semaphore(%run_scoped3A_200 : memref<!tpu.dma_semaphore, #tpu.memory_space<semaphore_mem>>)
      %dma_wait3A_210 = arith.constant 0 : i32
      %dma_wait3A_211 = arith.constant 0 : i32
      %dma_wait3A_212 = tpu.memref_slice %arg6[%arg0, %dma_wait3A_210, %dma_wait3A_211] : memref<2x2x102400xf32, #tpu.memory_space<hbm>> -> memref<1x2x102400xf32, #tpu.memory_space<hbm>>
      %dma_wait3A_213 = tpu.memref_squeeze %dma_wait3A_212 : memref<1x2x102400xf32, #tpu.memory_space<hbm>> -> memref<2x102400xf32, #tpu.memory_space<hbm>>
      %dma_wait3A_214 = arith.constant 0 : i32
      %dma_wait3A_215 = tpu.memref_slice %dma_wait3A_213[%run_scoped3A_199, %dma_wait3A_214] : memref<2x102400xf32, #tpu.memory_space<hbm>> -> memref<1x102400xf32, #tpu.memory_space<hbm>>
      %dma_wait3A_216 = tpu.memref_squeeze %dma_wait3A_215 : memref<1x102400xf32, #tpu.memory_space<hbm>> -> memref<102400xf32, #tpu.memory_space<hbm>>
      %dma_wait3A_217 = tpu.memref_slice %dma_wait3A_216[%mul3A_2] : memref<102400xf32, #tpu.memory_space<hbm>> -> memref<6400xf32, #tpu.memory_space<hbm>>
      %dma_wait3A_218 = tpu.memref_slice %arg8[%mul3A_2] : memref<102400xf32, #tpu.memory_space<vmem_shared>> -> memref<6400xf32, #tpu.memory_space<vmem_shared>>
      tpu.wait_dma2 semaphore(%run_scoped3A_200 : memref<!tpu.dma_semaphore, #tpu.memory_space<semaphore_mem>>) src(%dma_wait3A_218 : memref<6400xf32, #tpu.memory_space<vmem_shared>>) dst(%dma_wait3A_217 : memref<6400xf32, #tpu.memory_space<hbm>>)
      tpu.yield
    }) : () -> ()
    return
  }
}

#map = affine_map<(d0, d1) -> (0)>
#map1 = affine_map<(d0, d1) -> (0, 0)>
module attributes {stable_mosaic.version = 14 : i64} {
  func.func @k(%arg0: i32, %arg1: i32, %arg2: memref<1605632xi32, #tpu.memory_space<hbm>>, %arg3: memref<1605632xi32, #tpu.memory_space<hbm>>, %arg4: memref<102400xf32, #tpu.memory_space<hbm>>, %arg5: memref<102400xf32, #tpu.memory_space<hbm>>, %arg6: memref<2x102400xf32, #tpu.memory_space<hbm>>, %arg7: memref<102400xf32, #tpu.memory_space<vmem_shared>>, %arg8: memref<102400xf32, #tpu.memory_space<vmem_shared>>, %arg9: memref<7168xi32, #tpu.memory_space<vmem>>, %arg10: memref<7168xi32, #tpu.memory_space<vmem>>, %arg11: memref<7168xi32, #tpu.memory_space<vmem>>, %arg12: memref<7168xi32, #tpu.memory_space<vmem>>, %arg13: memref<7168xi32, #tpu.memory_space<vmem>>, %arg14: memref<7168xf32, #tpu.memory_space<vmem>>, %arg15: memref<7168xf32, #tpu.memory_space<vmem>>, %arg16: memref<!tpu.dma_semaphore, #tpu.memory_space<semaphore_mem>>, %arg17: memref<!tpu.dma_semaphore, #tpu.memory_space<semaphore_mem>>, %arg18: memref<!tpu.dma_semaphore, #tpu.memory_space<semaphore_mem>>, %arg19: memref<!tpu.dma_semaphore, #tpu.memory_space<semaphore_mem>>) attributes {dimension_semantics = [#tpu.dimension_semantics<core_parallel>, #tpu.dimension_semantics<subcore_parallel>], iteration_bounds = array<i64: 2, 16>, scalar_prefetch = 0 : i64, scratch_operands = 13 : i64, tpu.core_type = #tpu.core_type<sc_vector_subcore>, window_params = [{transform_indices = #map}, {transform_indices = #map}, {transform_indices = #map}, {transform_indices = #map}, {transform_indices = #map1}]} {
    %mul3A = arith.constant 2 : i32
    %mul3A_0 = arith.muli %arg1, %mul3A : i32
    %add3A = arith.addi %mul3A_0, %arg0 : i32
    %mul3A_1 = arith.constant 6400 : i32
    %mul3A_2 = arith.muli %arg1, %mul3A_1 : i32
    "tpu.region"() ({
      %run_scoped3A = tpu.sem_alloc : memref<!tpu.dma_semaphore, #tpu.memory_space<semaphore_mem>>
      %dma_start3A_130 = tpu.memref_slice %arg8[%mul3A_2] : memref<102400xf32, #tpu.memory_space<vmem_shared>> -> memref<6400xf32, #tpu.memory_space<vmem_shared>>
      %dma_start3A_131 = tpu.memref_slice %arg4[%mul3A_2] : memref<102400xf32, #tpu.memory_space<hbm>> -> memref<6400xf32, #tpu.memory_space<hbm>>
      tpu.enqueue_dma source(%dma_start3A_131 : memref<6400xf32, #tpu.memory_space<hbm>>) target(%dma_start3A_130 : memref<6400xf32, #tpu.memory_space<vmem_shared>>) target_semaphore(%run_scoped3A : memref<!tpu.dma_semaphore, #tpu.memory_space<semaphore_mem>>)
      %dma_wait3A_132 = tpu.memref_slice %arg8[%mul3A_2] : memref<102400xf32, #tpu.memory_space<vmem_shared>> -> memref<6400xf32, #tpu.memory_space<vmem_shared>>
      %dma_wait3A_133 = tpu.memref_slice %arg4[%mul3A_2] : memref<102400xf32, #tpu.memory_space<hbm>> -> memref<6400xf32, #tpu.memory_space<hbm>>
      tpu.wait_dma2 semaphore(%run_scoped3A : memref<!tpu.dma_semaphore, #tpu.memory_space<semaphore_mem>>) src(%dma_wait3A_133 : memref<6400xf32, #tpu.memory_space<hbm>>) dst(%dma_wait3A_132 : memref<6400xf32, #tpu.memory_space<vmem_shared>>)
      tpu.yield
    }) : () -> ()
    "tpu.region"() ({
      %run_scoped3A = tpu.sem_alloc : memref<!tpu.dma_semaphore, #tpu.memory_space<semaphore_mem>>
      %dma_start3A_130 = tpu.memref_slice %arg7[%mul3A_2] : memref<102400xf32, #tpu.memory_space<vmem_shared>> -> memref<6400xf32, #tpu.memory_space<vmem_shared>>
      %dma_start3A_131 = tpu.memref_slice %arg5[%mul3A_2] : memref<102400xf32, #tpu.memory_space<hbm>> -> memref<6400xf32, #tpu.memory_space<hbm>>
      tpu.enqueue_dma source(%dma_start3A_131 : memref<6400xf32, #tpu.memory_space<hbm>>) target(%dma_start3A_130 : memref<6400xf32, #tpu.memory_space<vmem_shared>>) target_semaphore(%run_scoped3A : memref<!tpu.dma_semaphore, #tpu.memory_space<semaphore_mem>>)
      %dma_wait3A_132 = tpu.memref_slice %arg7[%mul3A_2] : memref<102400xf32, #tpu.memory_space<vmem_shared>> -> memref<6400xf32, #tpu.memory_space<vmem_shared>>
      %dma_wait3A_133 = tpu.memref_slice %arg5[%mul3A_2] : memref<102400xf32, #tpu.memory_space<hbm>> -> memref<6400xf32, #tpu.memory_space<hbm>>
      tpu.wait_dma2 semaphore(%run_scoped3A : memref<!tpu.dma_semaphore, #tpu.memory_space<semaphore_mem>>) src(%dma_wait3A_133 : memref<6400xf32, #tpu.memory_space<hbm>>) dst(%dma_wait3A_132 : memref<6400xf32, #tpu.memory_space<vmem_shared>>)
      tpu.yield
    }) : () -> ()
    %barrier3A = arith.constant 0 : index
    tpu.barrier barrier_id(%barrier3A)
    %mul3A_3 = arith.constant 392 : i32
    %mul3A_4 = arith.muli %add3A, %mul3A_3 : i32
    %mul3A_5 = arith.constant 128 : i32
    %mul3A_6 = arith.muli %mul3A_4, %mul3A_5 : i32
    %dma_start3A = tpu.memref_slice %arg2[%mul3A_6] : memref<1605632xi32, #tpu.memory_space<hbm>> -> memref<7168xi32, #tpu.memory_space<hbm>>
    %dma_start3A_7 = tpu.memref_slice %arg2[%mul3A_6] : memref<1605632xi32, #tpu.memory_space<hbm>> -> memref<7168xi32, #tpu.memory_space<hbm>>
    tpu.enqueue_dma source(%dma_start3A_7 : memref<7168xi32, #tpu.memory_space<hbm>>) target(%arg9 : memref<7168xi32, #tpu.memory_space<vmem>>) target_semaphore(%arg16 : memref<!tpu.dma_semaphore, #tpu.memory_space<semaphore_mem>>)
    %dma_start3A_8 = tpu.memref_slice %arg3[%mul3A_6] : memref<1605632xi32, #tpu.memory_space<hbm>> -> memref<7168xi32, #tpu.memory_space<hbm>>
    %dma_start3A_9 = tpu.memref_slice %arg3[%mul3A_6] : memref<1605632xi32, #tpu.memory_space<hbm>> -> memref<7168xi32, #tpu.memory_space<hbm>>
    tpu.enqueue_dma source(%dma_start3A_9 : memref<7168xi32, #tpu.memory_space<hbm>>) target(%arg11 : memref<7168xi32, #tpu.memory_space<vmem>>) target_semaphore(%arg16 : memref<!tpu.dma_semaphore, #tpu.memory_space<semaphore_mem>>)
    %dma_wait3A = tpu.memref_slice %arg2[%mul3A_6] : memref<1605632xi32, #tpu.memory_space<hbm>> -> memref<7168xi32, #tpu.memory_space<hbm>>
    %dma_wait3A_10 = tpu.memref_slice %arg2[%mul3A_6] : memref<1605632xi32, #tpu.memory_space<hbm>> -> memref<7168xi32, #tpu.memory_space<hbm>>
    tpu.wait_dma2 semaphore(%arg16 : memref<!tpu.dma_semaphore, #tpu.memory_space<semaphore_mem>>) src(%dma_wait3A_10 : memref<7168xi32, #tpu.memory_space<hbm>>) dst(%arg9 : memref<7168xi32, #tpu.memory_space<vmem>>)
    %dma_wait3A_11 = tpu.memref_slice %arg3[%mul3A_6] : memref<1605632xi32, #tpu.memory_space<hbm>> -> memref<7168xi32, #tpu.memory_space<hbm>>
    %dma_wait3A_12 = tpu.memref_slice %arg3[%mul3A_6] : memref<1605632xi32, #tpu.memory_space<hbm>> -> memref<7168xi32, #tpu.memory_space<hbm>>
    tpu.wait_dma2 semaphore(%arg16 : memref<!tpu.dma_semaphore, #tpu.memory_space<semaphore_mem>>) src(%dma_wait3A_12 : memref<7168xi32, #tpu.memory_space<hbm>>) dst(%arg11 : memref<7168xi32, #tpu.memory_space<vmem>>)
    %dma_start3A_13 = arith.constant 0 : i32
    %dma_start3A_14 = tpu.memref_slice %arg8[%dma_start3A_13] : memref<102400xf32, #tpu.memory_space<vmem_shared>> -> memref<102400xf32, #tpu.memory_space<vmem_shared>>
    tpu.enqueue_indirect_dma source(%dma_start3A_14 : memref<102400xf32, #tpu.memory_space<vmem_shared>>) target(%arg14 : memref<7168xf32, #tpu.memory_space<vmem>>) offsets(%arg9 : memref<7168xi32, #tpu.memory_space<vmem>>) semaphore(%arg17 : memref<!tpu.dma_semaphore, #tpu.memory_space<semaphore_mem>>)
    %add3A_15 = arith.constant 7168 : i32
    %add3A_16 = arith.addi %mul3A_6, %add3A_15 : i32
    %dma_start3A_17 = tpu.memref_slice %arg2[%add3A_16] : memref<1605632xi32, #tpu.memory_space<hbm>> -> memref<7168xi32, #tpu.memory_space<hbm>>
    %dma_start3A_18 = tpu.memref_slice %arg2[%add3A_16] : memref<1605632xi32, #tpu.memory_space<hbm>> -> memref<7168xi32, #tpu.memory_space<hbm>>
    tpu.enqueue_dma source(%dma_start3A_18 : memref<7168xi32, #tpu.memory_space<hbm>>) target(%arg10 : memref<7168xi32, #tpu.memory_space<vmem>>) target_semaphore(%arg16 : memref<!tpu.dma_semaphore, #tpu.memory_space<semaphore_mem>>)
    %dma_start3A_19 = tpu.memref_slice %arg3[%add3A_16] : memref<1605632xi32, #tpu.memory_space<hbm>> -> memref<7168xi32, #tpu.memory_space<hbm>>
    %dma_start3A_20 = tpu.memref_slice %arg3[%add3A_16] : memref<1605632xi32, #tpu.memory_space<hbm>> -> memref<7168xi32, #tpu.memory_space<hbm>>
    tpu.enqueue_dma source(%dma_start3A_20 : memref<7168xi32, #tpu.memory_space<hbm>>) target(%arg12 : memref<7168xi32, #tpu.memory_space<vmem>>) target_semaphore(%arg16 : memref<!tpu.dma_semaphore, #tpu.memory_space<semaphore_mem>>)
    %dma_wait3A_21 = arith.constant 0 : i32
    %dma_wait3A_22 = tpu.memref_slice %arg8[%dma_wait3A_21] : memref<102400xf32, #tpu.memory_space<vmem_shared>> -> memref<102400xf32, #tpu.memory_space<vmem_shared>>
    tpu.wait_indirect_dma semaphore(%arg17 : memref<!tpu.dma_semaphore, #tpu.memory_space<semaphore_mem>>) src(%dma_wait3A_22 : memref<102400xf32, #tpu.memory_space<vmem_shared>>) dst(%arg14 : memref<7168xf32, #tpu.memory_space<vmem>>)
    %dma_start3A_23 = arith.constant 0 : i32
    %dma_start3A_24 = tpu.memref_slice %arg7[%dma_start3A_23] : memref<102400xf32, #tpu.memory_space<vmem_shared>> -> memref<102400xf32, #tpu.memory_space<vmem_shared>>
    tpu.enqueue_indirect_dma source(%arg14 : memref<7168xf32, #tpu.memory_space<vmem>>) target(%dma_start3A_24 : memref<102400xf32, #tpu.memory_space<vmem_shared>>) offsets(%arg11 : memref<7168xi32, #tpu.memory_space<vmem>>) semaphore(%arg18 : memref<!tpu.dma_semaphore, #tpu.memory_space<semaphore_mem>>) {add = true}
    %dma_wait3A_25 = tpu.memref_slice %arg2[%add3A_16] : memref<1605632xi32, #tpu.memory_space<hbm>> -> memref<7168xi32, #tpu.memory_space<hbm>>
    %dma_wait3A_26 = tpu.memref_slice %arg2[%add3A_16] : memref<1605632xi32, #tpu.memory_space<hbm>> -> memref<7168xi32, #tpu.memory_space<hbm>>
    tpu.wait_dma2 semaphore(%arg16 : memref<!tpu.dma_semaphore, #tpu.memory_space<semaphore_mem>>) src(%dma_wait3A_26 : memref<7168xi32, #tpu.memory_space<hbm>>) dst(%arg10 : memref<7168xi32, #tpu.memory_space<vmem>>)
    %dma_wait3A_27 = tpu.memref_slice %arg3[%add3A_16] : memref<1605632xi32, #tpu.memory_space<hbm>> -> memref<7168xi32, #tpu.memory_space<hbm>>
    %dma_wait3A_28 = tpu.memref_slice %arg3[%add3A_16] : memref<1605632xi32, #tpu.memory_space<hbm>> -> memref<7168xi32, #tpu.memory_space<hbm>>
    tpu.wait_dma2 semaphore(%arg16 : memref<!tpu.dma_semaphore, #tpu.memory_space<semaphore_mem>>) src(%dma_wait3A_28 : memref<7168xi32, #tpu.memory_space<hbm>>) dst(%arg12 : memref<7168xi32, #tpu.memory_space<vmem>>)
    %dma_start3A_29 = arith.constant 0 : i32
    %dma_start3A_30 = tpu.memref_slice %arg8[%dma_start3A_29] : memref<102400xf32, #tpu.memory_space<vmem_shared>> -> memref<102400xf32, #tpu.memory_space<vmem_shared>>
    tpu.enqueue_indirect_dma source(%dma_start3A_30 : memref<102400xf32, #tpu.memory_space<vmem_shared>>) target(%arg15 : memref<7168xf32, #tpu.memory_space<vmem>>) offsets(%arg10 : memref<7168xi32, #tpu.memory_space<vmem>>) semaphore(%arg17 : memref<!tpu.dma_semaphore, #tpu.memory_space<semaphore_mem>>)
    %add3A_31 = arith.constant 14336 : i32
    %add3A_32 = arith.addi %mul3A_6, %add3A_31 : i32
    %dma_start3A_33 = tpu.memref_slice %arg2[%add3A_32] : memref<1605632xi32, #tpu.memory_space<hbm>> -> memref<7168xi32, #tpu.memory_space<hbm>>
    %dma_start3A_34 = tpu.memref_slice %arg2[%add3A_32] : memref<1605632xi32, #tpu.memory_space<hbm>> -> memref<7168xi32, #tpu.memory_space<hbm>>
    tpu.enqueue_dma source(%dma_start3A_34 : memref<7168xi32, #tpu.memory_space<hbm>>) target(%arg9 : memref<7168xi32, #tpu.memory_space<vmem>>) target_semaphore(%arg16 : memref<!tpu.dma_semaphore, #tpu.memory_space<semaphore_mem>>)
    %dma_start3A_35 = tpu.memref_slice %arg3[%add3A_32] : memref<1605632xi32, #tpu.memory_space<hbm>> -> memref<7168xi32, #tpu.memory_space<hbm>>
    %dma_start3A_36 = tpu.memref_slice %arg3[%add3A_32] : memref<1605632xi32, #tpu.memory_space<hbm>> -> memref<7168xi32, #tpu.memory_space<hbm>>
    tpu.enqueue_dma source(%dma_start3A_36 : memref<7168xi32, #tpu.memory_space<hbm>>) target(%arg13 : memref<7168xi32, #tpu.memory_space<vmem>>) target_semaphore(%arg16 : memref<!tpu.dma_semaphore, #tpu.memory_space<semaphore_mem>>)
    %dma_wait3A_37 = arith.constant 0 : i32
    %dma_wait3A_38 = tpu.memref_slice %arg8[%dma_wait3A_37] : memref<102400xf32, #tpu.memory_space<vmem_shared>> -> memref<102400xf32, #tpu.memory_space<vmem_shared>>
    tpu.wait_indirect_dma semaphore(%arg17 : memref<!tpu.dma_semaphore, #tpu.memory_space<semaphore_mem>>) src(%dma_wait3A_38 : memref<102400xf32, #tpu.memory_space<vmem_shared>>) dst(%arg15 : memref<7168xf32, #tpu.memory_space<vmem>>)
    %dma_start3A_39 = arith.constant 0 : i32
    %dma_start3A_40 = tpu.memref_slice %arg7[%dma_start3A_39] : memref<102400xf32, #tpu.memory_space<vmem_shared>> -> memref<102400xf32, #tpu.memory_space<vmem_shared>>
    tpu.enqueue_indirect_dma source(%arg15 : memref<7168xf32, #tpu.memory_space<vmem>>) target(%dma_start3A_40 : memref<102400xf32, #tpu.memory_space<vmem_shared>>) offsets(%arg12 : memref<7168xi32, #tpu.memory_space<vmem>>) semaphore(%arg19 : memref<!tpu.dma_semaphore, #tpu.memory_space<semaphore_mem>>) {add = true}
    %dma_wait3A_41 = tpu.memref_slice %arg2[%add3A_32] : memref<1605632xi32, #tpu.memory_space<hbm>> -> memref<7168xi32, #tpu.memory_space<hbm>>
    %dma_wait3A_42 = tpu.memref_slice %arg2[%add3A_32] : memref<1605632xi32, #tpu.memory_space<hbm>> -> memref<7168xi32, #tpu.memory_space<hbm>>
    tpu.wait_dma2 semaphore(%arg16 : memref<!tpu.dma_semaphore, #tpu.memory_space<semaphore_mem>>) src(%dma_wait3A_42 : memref<7168xi32, #tpu.memory_space<hbm>>) dst(%arg9 : memref<7168xi32, #tpu.memory_space<vmem>>)
    %dma_wait3A_43 = tpu.memref_slice %arg3[%add3A_32] : memref<1605632xi32, #tpu.memory_space<hbm>> -> memref<7168xi32, #tpu.memory_space<hbm>>
    %dma_wait3A_44 = tpu.memref_slice %arg3[%add3A_32] : memref<1605632xi32, #tpu.memory_space<hbm>> -> memref<7168xi32, #tpu.memory_space<hbm>>
    tpu.wait_dma2 semaphore(%arg16 : memref<!tpu.dma_semaphore, #tpu.memory_space<semaphore_mem>>) src(%dma_wait3A_44 : memref<7168xi32, #tpu.memory_space<hbm>>) dst(%arg13 : memref<7168xi32, #tpu.memory_space<vmem>>)
    %dma_wait3A_45 = arith.constant 0 : i32
    %dma_wait3A_46 = tpu.memref_slice %arg7[%dma_wait3A_45] : memref<102400xf32, #tpu.memory_space<vmem_shared>> -> memref<102400xf32, #tpu.memory_space<vmem_shared>>
    tpu.wait_indirect_dma semaphore(%arg18 : memref<!tpu.dma_semaphore, #tpu.memory_space<semaphore_mem>>) src(%arg14 : memref<7168xf32, #tpu.memory_space<vmem>>) dst(%dma_wait3A_46 : memref<102400xf32, #tpu.memory_space<vmem_shared>>)
    %dma_start3A_47 = arith.constant 0 : i32
    %dma_start3A_48 = tpu.memref_slice %arg8[%dma_start3A_47] : memref<102400xf32, #tpu.memory_space<vmem_shared>> -> memref<102400xf32, #tpu.memory_space<vmem_shared>>
    tpu.enqueue_indirect_dma source(%dma_start3A_48 : memref<102400xf32, #tpu.memory_space<vmem_shared>>) target(%arg14 : memref<7168xf32, #tpu.memory_space<vmem>>) offsets(%arg9 : memref<7168xi32, #tpu.memory_space<vmem>>) semaphore(%arg17 : memref<!tpu.dma_semaphore, #tpu.memory_space<semaphore_mem>>)
    %add3A_49 = arith.constant 21504 : i32
    %add3A_50 = arith.addi %mul3A_6, %add3A_49 : i32
    %dma_start3A_51 = tpu.memref_slice %arg2[%add3A_50] : memref<1605632xi32, #tpu.memory_space<hbm>> -> memref<7168xi32, #tpu.memory_space<hbm>>
    %dma_start3A_52 = tpu.memref_slice %arg2[%add3A_50] : memref<1605632xi32, #tpu.memory_space<hbm>> -> memref<7168xi32, #tpu.memory_space<hbm>>
    tpu.enqueue_dma source(%dma_start3A_52 : memref<7168xi32, #tpu.memory_space<hbm>>) target(%arg10 : memref<7168xi32, #tpu.memory_space<vmem>>) target_semaphore(%arg16 : memref<!tpu.dma_semaphore, #tpu.memory_space<semaphore_mem>>)
    %dma_start3A_53 = tpu.memref_slice %arg3[%add3A_50] : memref<1605632xi32, #tpu.memory_space<hbm>> -> memref<7168xi32, #tpu.memory_space<hbm>>
    %dma_start3A_54 = tpu.memref_slice %arg3[%add3A_50] : memref<1605632xi32, #tpu.memory_space<hbm>> -> memref<7168xi32, #tpu.memory_space<hbm>>
    tpu.enqueue_dma source(%dma_start3A_54 : memref<7168xi32, #tpu.memory_space<hbm>>) target(%arg11 : memref<7168xi32, #tpu.memory_space<vmem>>) target_semaphore(%arg16 : memref<!tpu.dma_semaphore, #tpu.memory_space<semaphore_mem>>)
    %dma_wait3A_55 = arith.constant 0 : i32
    %dma_wait3A_56 = tpu.memref_slice %arg8[%dma_wait3A_55] : memref<102400xf32, #tpu.memory_space<vmem_shared>> -> memref<102400xf32, #tpu.memory_space<vmem_shared>>
    tpu.wait_indirect_dma semaphore(%arg17 : memref<!tpu.dma_semaphore, #tpu.memory_space<semaphore_mem>>) src(%dma_wait3A_56 : memref<102400xf32, #tpu.memory_space<vmem_shared>>) dst(%arg14 : memref<7168xf32, #tpu.memory_space<vmem>>)
    %dma_start3A_57 = arith.constant 0 : i32
    %dma_start3A_58 = tpu.memref_slice %arg7[%dma_start3A_57] : memref<102400xf32, #tpu.memory_space<vmem_shared>> -> memref<102400xf32, #tpu.memory_space<vmem_shared>>
    tpu.enqueue_indirect_dma source(%arg14 : memref<7168xf32, #tpu.memory_space<vmem>>) target(%dma_start3A_58 : memref<102400xf32, #tpu.memory_space<vmem_shared>>) offsets(%arg13 : memref<7168xi32, #tpu.memory_space<vmem>>) semaphore(%arg18 : memref<!tpu.dma_semaphore, #tpu.memory_space<semaphore_mem>>) {add = true}
    %dma_wait3A_59 = tpu.memref_slice %arg2[%add3A_50] : memref<1605632xi32, #tpu.memory_space<hbm>> -> memref<7168xi32, #tpu.memory_space<hbm>>
    %dma_wait3A_60 = tpu.memref_slice %arg2[%add3A_50] : memref<1605632xi32, #tpu.memory_space<hbm>> -> memref<7168xi32, #tpu.memory_space<hbm>>
    tpu.wait_dma2 semaphore(%arg16 : memref<!tpu.dma_semaphore, #tpu.memory_space<semaphore_mem>>) src(%dma_wait3A_60 : memref<7168xi32, #tpu.memory_space<hbm>>) dst(%arg10 : memref<7168xi32, #tpu.memory_space<vmem>>)
    %dma_wait3A_61 = tpu.memref_slice %arg3[%add3A_50] : memref<1605632xi32, #tpu.memory_space<hbm>> -> memref<7168xi32, #tpu.memory_space<hbm>>
    %dma_wait3A_62 = tpu.memref_slice %arg3[%add3A_50] : memref<1605632xi32, #tpu.memory_space<hbm>> -> memref<7168xi32, #tpu.memory_space<hbm>>
    tpu.wait_dma2 semaphore(%arg16 : memref<!tpu.dma_semaphore, #tpu.memory_space<semaphore_mem>>) src(%dma_wait3A_62 : memref<7168xi32, #tpu.memory_space<hbm>>) dst(%arg11 : memref<7168xi32, #tpu.memory_space<vmem>>)
    %dma_wait3A_63 = arith.constant 0 : i32
    %dma_wait3A_64 = tpu.memref_slice %arg7[%dma_wait3A_63] : memref<102400xf32, #tpu.memory_space<vmem_shared>> -> memref<102400xf32, #tpu.memory_space<vmem_shared>>
    tpu.wait_indirect_dma semaphore(%arg19 : memref<!tpu.dma_semaphore, #tpu.memory_space<semaphore_mem>>) src(%arg15 : memref<7168xf32, #tpu.memory_space<vmem>>) dst(%dma_wait3A_64 : memref<102400xf32, #tpu.memory_space<vmem_shared>>)
    %dma_start3A_65 = arith.constant 0 : i32
    %dma_start3A_66 = tpu.memref_slice %arg8[%dma_start3A_65] : memref<102400xf32, #tpu.memory_space<vmem_shared>> -> memref<102400xf32, #tpu.memory_space<vmem_shared>>
    tpu.enqueue_indirect_dma source(%dma_start3A_66 : memref<102400xf32, #tpu.memory_space<vmem_shared>>) target(%arg15 : memref<7168xf32, #tpu.memory_space<vmem>>) offsets(%arg10 : memref<7168xi32, #tpu.memory_space<vmem>>) semaphore(%arg17 : memref<!tpu.dma_semaphore, #tpu.memory_space<semaphore_mem>>)
    %add3A_67 = arith.constant 28672 : i32
    %add3A_68 = arith.addi %mul3A_6, %add3A_67 : i32
    %dma_start3A_69 = tpu.memref_slice %arg2[%add3A_68] : memref<1605632xi32, #tpu.memory_space<hbm>> -> memref<7168xi32, #tpu.memory_space<hbm>>
    %dma_start3A_70 = tpu.memref_slice %arg2[%add3A_68] : memref<1605632xi32, #tpu.memory_space<hbm>> -> memref<7168xi32, #tpu.memory_space<hbm>>
    tpu.enqueue_dma source(%dma_start3A_70 : memref<7168xi32, #tpu.memory_space<hbm>>) target(%arg9 : memref<7168xi32, #tpu.memory_space<vmem>>) target_semaphore(%arg16 : memref<!tpu.dma_semaphore, #tpu.memory_space<semaphore_mem>>)
    %dma_start3A_71 = tpu.memref_slice %arg3[%add3A_68] : memref<1605632xi32, #tpu.memory_space<hbm>> -> memref<7168xi32, #tpu.memory_space<hbm>>
    %dma_start3A_72 = tpu.memref_slice %arg3[%add3A_68] : memref<1605632xi32, #tpu.memory_space<hbm>> -> memref<7168xi32, #tpu.memory_space<hbm>>
    tpu.enqueue_dma source(%dma_start3A_72 : memref<7168xi32, #tpu.memory_space<hbm>>) target(%arg12 : memref<7168xi32, #tpu.memory_space<vmem>>) target_semaphore(%arg16 : memref<!tpu.dma_semaphore, #tpu.memory_space<semaphore_mem>>)
    %dma_wait3A_73 = arith.constant 0 : i32
    %dma_wait3A_74 = tpu.memref_slice %arg8[%dma_wait3A_73] : memref<102400xf32, #tpu.memory_space<vmem_shared>> -> memref<102400xf32, #tpu.memory_space<vmem_shared>>
    tpu.wait_indirect_dma semaphore(%arg17 : memref<!tpu.dma_semaphore, #tpu.memory_space<semaphore_mem>>) src(%dma_wait3A_74 : memref<102400xf32, #tpu.memory_space<vmem_shared>>) dst(%arg15 : memref<7168xf32, #tpu.memory_space<vmem>>)
    %dma_start3A_75 = arith.constant 0 : i32
    %dma_start3A_76 = tpu.memref_slice %arg7[%dma_start3A_75] : memref<102400xf32, #tpu.memory_space<vmem_shared>> -> memref<102400xf32, #tpu.memory_space<vmem_shared>>
    tpu.enqueue_indirect_dma source(%arg15 : memref<7168xf32, #tpu.memory_space<vmem>>) target(%dma_start3A_76 : memref<102400xf32, #tpu.memory_space<vmem_shared>>) offsets(%arg11 : memref<7168xi32, #tpu.memory_space<vmem>>) semaphore(%arg19 : memref<!tpu.dma_semaphore, #tpu.memory_space<semaphore_mem>>) {add = true}
    %dma_wait3A_77 = tpu.memref_slice %arg2[%add3A_68] : memref<1605632xi32, #tpu.memory_space<hbm>> -> memref<7168xi32, #tpu.memory_space<hbm>>
    %dma_wait3A_78 = tpu.memref_slice %arg2[%add3A_68] : memref<1605632xi32, #tpu.memory_space<hbm>> -> memref<7168xi32, #tpu.memory_space<hbm>>
    tpu.wait_dma2 semaphore(%arg16 : memref<!tpu.dma_semaphore, #tpu.memory_space<semaphore_mem>>) src(%dma_wait3A_78 : memref<7168xi32, #tpu.memory_space<hbm>>) dst(%arg9 : memref<7168xi32, #tpu.memory_space<vmem>>)
    %dma_wait3A_79 = tpu.memref_slice %arg3[%add3A_68] : memref<1605632xi32, #tpu.memory_space<hbm>> -> memref<7168xi32, #tpu.memory_space<hbm>>
    %dma_wait3A_80 = tpu.memref_slice %arg3[%add3A_68] : memref<1605632xi32, #tpu.memory_space<hbm>> -> memref<7168xi32, #tpu.memory_space<hbm>>
    tpu.wait_dma2 semaphore(%arg16 : memref<!tpu.dma_semaphore, #tpu.memory_space<semaphore_mem>>) src(%dma_wait3A_80 : memref<7168xi32, #tpu.memory_space<hbm>>) dst(%arg12 : memref<7168xi32, #tpu.memory_space<vmem>>)
    %dma_wait3A_81 = arith.constant 0 : i32
    %dma_wait3A_82 = tpu.memref_slice %arg7[%dma_wait3A_81] : memref<102400xf32, #tpu.memory_space<vmem_shared>> -> memref<102400xf32, #tpu.memory_space<vmem_shared>>
    tpu.wait_indirect_dma semaphore(%arg18 : memref<!tpu.dma_semaphore, #tpu.memory_space<semaphore_mem>>) src(%arg14 : memref<7168xf32, #tpu.memory_space<vmem>>) dst(%dma_wait3A_82 : memref<102400xf32, #tpu.memory_space<vmem_shared>>)
    %dma_start3A_83 = arith.constant 0 : i32
    %dma_start3A_84 = tpu.memref_slice %arg8[%dma_start3A_83] : memref<102400xf32, #tpu.memory_space<vmem_shared>> -> memref<102400xf32, #tpu.memory_space<vmem_shared>>
    tpu.enqueue_indirect_dma source(%dma_start3A_84 : memref<102400xf32, #tpu.memory_space<vmem_shared>>) target(%arg14 : memref<7168xf32, #tpu.memory_space<vmem>>) offsets(%arg9 : memref<7168xi32, #tpu.memory_space<vmem>>) semaphore(%arg17 : memref<!tpu.dma_semaphore, #tpu.memory_space<semaphore_mem>>)
    %add3A_85 = arith.constant 35840 : i32
    %add3A_86 = arith.addi %mul3A_6, %add3A_85 : i32
    %dma_start3A_87 = tpu.memref_slice %arg2[%add3A_86] : memref<1605632xi32, #tpu.memory_space<hbm>> -> memref<7168xi32, #tpu.memory_space<hbm>>
    %dma_start3A_88 = tpu.memref_slice %arg2[%add3A_86] : memref<1605632xi32, #tpu.memory_space<hbm>> -> memref<7168xi32, #tpu.memory_space<hbm>>
    tpu.enqueue_dma source(%dma_start3A_88 : memref<7168xi32, #tpu.memory_space<hbm>>) target(%arg10 : memref<7168xi32, #tpu.memory_space<vmem>>) target_semaphore(%arg16 : memref<!tpu.dma_semaphore, #tpu.memory_space<semaphore_mem>>)
    %dma_start3A_89 = tpu.memref_slice %arg3[%add3A_86] : memref<1605632xi32, #tpu.memory_space<hbm>> -> memref<7168xi32, #tpu.memory_space<hbm>>
    %dma_start3A_90 = tpu.memref_slice %arg3[%add3A_86] : memref<1605632xi32, #tpu.memory_space<hbm>> -> memref<7168xi32, #tpu.memory_space<hbm>>
    tpu.enqueue_dma source(%dma_start3A_90 : memref<7168xi32, #tpu.memory_space<hbm>>) target(%arg13 : memref<7168xi32, #tpu.memory_space<vmem>>) target_semaphore(%arg16 : memref<!tpu.dma_semaphore, #tpu.memory_space<semaphore_mem>>)
    %dma_wait3A_91 = arith.constant 0 : i32
    %dma_wait3A_92 = tpu.memref_slice %arg8[%dma_wait3A_91] : memref<102400xf32, #tpu.memory_space<vmem_shared>> -> memref<102400xf32, #tpu.memory_space<vmem_shared>>
    tpu.wait_indirect_dma semaphore(%arg17 : memref<!tpu.dma_semaphore, #tpu.memory_space<semaphore_mem>>) src(%dma_wait3A_92 : memref<102400xf32, #tpu.memory_space<vmem_shared>>) dst(%arg14 : memref<7168xf32, #tpu.memory_space<vmem>>)
    %dma_start3A_93 = arith.constant 0 : i32
    %dma_start3A_94 = tpu.memref_slice %arg7[%dma_start3A_93] : memref<102400xf32, #tpu.memory_space<vmem_shared>> -> memref<102400xf32, #tpu.memory_space<vmem_shared>>
    tpu.enqueue_indirect_dma source(%arg14 : memref<7168xf32, #tpu.memory_space<vmem>>) target(%dma_start3A_94 : memref<102400xf32, #tpu.memory_space<vmem_shared>>) offsets(%arg12 : memref<7168xi32, #tpu.memory_space<vmem>>) semaphore(%arg18 : memref<!tpu.dma_semaphore, #tpu.memory_space<semaphore_mem>>) {add = true}
    %dma_wait3A_95 = tpu.memref_slice %arg2[%add3A_86] : memref<1605632xi32, #tpu.memory_space<hbm>> -> memref<7168xi32, #tpu.memory_space<hbm>>
    %dma_wait3A_96 = tpu.memref_slice %arg2[%add3A_86] : memref<1605632xi32, #tpu.memory_space<hbm>> -> memref<7168xi32, #tpu.memory_space<hbm>>
    tpu.wait_dma2 semaphore(%arg16 : memref<!tpu.dma_semaphore, #tpu.memory_space<semaphore_mem>>) src(%dma_wait3A_96 : memref<7168xi32, #tpu.memory_space<hbm>>) dst(%arg10 : memref<7168xi32, #tpu.memory_space<vmem>>)
    %dma_wait3A_97 = tpu.memref_slice %arg3[%add3A_86] : memref<1605632xi32, #tpu.memory_space<hbm>> -> memref<7168xi32, #tpu.memory_space<hbm>>
    %dma_wait3A_98 = tpu.memref_slice %arg3[%add3A_86] : memref<1605632xi32, #tpu.memory_space<hbm>> -> memref<7168xi32, #tpu.memory_space<hbm>>
    tpu.wait_dma2 semaphore(%arg16 : memref<!tpu.dma_semaphore, #tpu.memory_space<semaphore_mem>>) src(%dma_wait3A_98 : memref<7168xi32, #tpu.memory_space<hbm>>) dst(%arg13 : memref<7168xi32, #tpu.memory_space<vmem>>)
    %dma_wait3A_99 = arith.constant 0 : i32
    %dma_wait3A_100 = tpu.memref_slice %arg7[%dma_wait3A_99] : memref<102400xf32, #tpu.memory_space<vmem_shared>> -> memref<102400xf32, #tpu.memory_space<vmem_shared>>
    tpu.wait_indirect_dma semaphore(%arg19 : memref<!tpu.dma_semaphore, #tpu.memory_space<semaphore_mem>>) src(%arg15 : memref<7168xf32, #tpu.memory_space<vmem>>) dst(%dma_wait3A_100 : memref<102400xf32, #tpu.memory_space<vmem_shared>>)
    %dma_start3A_101 = arith.constant 0 : i32
    %dma_start3A_102 = tpu.memref_slice %arg8[%dma_start3A_101] : memref<102400xf32, #tpu.memory_space<vmem_shared>> -> memref<102400xf32, #tpu.memory_space<vmem_shared>>
    tpu.enqueue_indirect_dma source(%dma_start3A_102 : memref<102400xf32, #tpu.memory_space<vmem_shared>>) target(%arg15 : memref<7168xf32, #tpu.memory_space<vmem>>) offsets(%arg10 : memref<7168xi32, #tpu.memory_space<vmem>>) semaphore(%arg17 : memref<!tpu.dma_semaphore, #tpu.memory_space<semaphore_mem>>)
    %add3A_103 = arith.constant 43008 : i32
    %add3A_104 = arith.addi %mul3A_6, %add3A_103 : i32
    %dma_start3A_105 = tpu.memref_slice %arg2[%add3A_104] : memref<1605632xi32, #tpu.memory_space<hbm>> -> memref<7168xi32, #tpu.memory_space<hbm>>
    %dma_start3A_106 = tpu.memref_slice %arg2[%add3A_104] : memref<1605632xi32, #tpu.memory_space<hbm>> -> memref<7168xi32, #tpu.memory_space<hbm>>
    tpu.enqueue_dma source(%dma_start3A_106 : memref<7168xi32, #tpu.memory_space<hbm>>) target(%arg9 : memref<7168xi32, #tpu.memory_space<vmem>>) target_semaphore(%arg16 : memref<!tpu.dma_semaphore, #tpu.memory_space<semaphore_mem>>)
    %dma_start3A_107 = tpu.memref_slice %arg3[%add3A_104] : memref<1605632xi32, #tpu.memory_space<hbm>> -> memref<7168xi32, #tpu.memory_space<hbm>>
    %dma_start3A_108 = tpu.memref_slice %arg3[%add3A_104] : memref<1605632xi32, #tpu.memory_space<hbm>> -> memref<7168xi32, #tpu.memory_space<hbm>>
    tpu.enqueue_dma source(%dma_start3A_108 : memref<7168xi32, #tpu.memory_space<hbm>>) target(%arg11 : memref<7168xi32, #tpu.memory_space<vmem>>) target_semaphore(%arg16 : memref<!tpu.dma_semaphore, #tpu.memory_space<semaphore_mem>>)
    %dma_wait3A_109 = arith.constant 0 : i32
    %dma_wait3A_110 = tpu.memref_slice %arg8[%dma_wait3A_109] : memref<102400xf32, #tpu.memory_space<vmem_shared>> -> memref<102400xf32, #tpu.memory_space<vmem_shared>>
    tpu.wait_indirect_dma semaphore(%arg17 : memref<!tpu.dma_semaphore, #tpu.memory_space<semaphore_mem>>) src(%dma_wait3A_110 : memref<102400xf32, #tpu.memory_space<vmem_shared>>) dst(%arg15 : memref<7168xf32, #tpu.memory_space<vmem>>)
    %dma_start3A_111 = arith.constant 0 : i32
    %dma_start3A_112 = tpu.memref_slice %arg7[%dma_start3A_111] : memref<102400xf32, #tpu.memory_space<vmem_shared>> -> memref<102400xf32, #tpu.memory_space<vmem_shared>>
    tpu.enqueue_indirect_dma source(%arg15 : memref<7168xf32, #tpu.memory_space<vmem>>) target(%dma_start3A_112 : memref<102400xf32, #tpu.memory_space<vmem_shared>>) offsets(%arg13 : memref<7168xi32, #tpu.memory_space<vmem>>) semaphore(%arg19 : memref<!tpu.dma_semaphore, #tpu.memory_space<semaphore_mem>>) {add = true}
    %dma_wait3A_113 = tpu.memref_slice %arg2[%add3A_104] : memref<1605632xi32, #tpu.memory_space<hbm>> -> memref<7168xi32, #tpu.memory_space<hbm>>
    %dma_wait3A_114 = tpu.memref_slice %arg2[%add3A_104] : memref<1605632xi32, #tpu.memory_space<hbm>> -> memref<7168xi32, #tpu.memory_space<hbm>>
    tpu.wait_dma2 semaphore(%arg16 : memref<!tpu.dma_semaphore, #tpu.memory_space<semaphore_mem>>) src(%dma_wait3A_114 : memref<7168xi32, #tpu.memory_space<hbm>>) dst(%arg9 : memref<7168xi32, #tpu.memory_space<vmem>>)
    %dma_wait3A_115 = tpu.memref_slice %arg3[%add3A_104] : memref<1605632xi32, #tpu.memory_space<hbm>> -> memref<7168xi32, #tpu.memory_space<hbm>>
    %dma_wait3A_116 = tpu.memref_slice %arg3[%add3A_104] : memref<1605632xi32, #tpu.memory_space<hbm>> -> memref<7168xi32, #tpu.memory_space<hbm>>
    tpu.wait_dma2 semaphore(%arg16 : memref<!tpu.dma_semaphore, #tpu.memory_space<semaphore_mem>>) src(%dma_wait3A_116 : memref<7168xi32, #tpu.memory_space<hbm>>) dst(%arg11 : memref<7168xi32, #tpu.memory_space<vmem>>)
    %dma_wait3A_117 = arith.constant 0 : i32
    %dma_wait3A_118 = tpu.memref_slice %arg7[%dma_wait3A_117] : memref<102400xf32, #tpu.memory_space<vmem_shared>> -> memref<102400xf32, #tpu.memory_space<vmem_shared>>
    tpu.wait_indirect_dma semaphore(%arg18 : memref<!tpu.dma_semaphore, #tpu.memory_space<semaphore_mem>>) src(%arg14 : memref<7168xf32, #tpu.memory_space<vmem>>) dst(%dma_wait3A_118 : memref<102400xf32, #tpu.memory_space<vmem_shared>>)
    %dma_start3A_119 = arith.constant 0 : i32
    %dma_start3A_120 = tpu.memref_slice %arg8[%dma_start3A_119] : memref<102400xf32, #tpu.memory_space<vmem_shared>> -> memref<102400xf32, #tpu.memory_space<vmem_shared>>
    tpu.enqueue_indirect_dma source(%dma_start3A_120 : memref<102400xf32, #tpu.memory_space<vmem_shared>>) target(%arg14 : memref<7168xf32, #tpu.memory_space<vmem>>) offsets(%arg9 : memref<7168xi32, #tpu.memory_space<vmem>>) semaphore(%arg17 : memref<!tpu.dma_semaphore, #tpu.memory_space<semaphore_mem>>)
    %dma_wait3A_121 = arith.constant 0 : i32
    %dma_wait3A_122 = tpu.memref_slice %arg8[%dma_wait3A_121] : memref<102400xf32, #tpu.memory_space<vmem_shared>> -> memref<102400xf32, #tpu.memory_space<vmem_shared>>
    tpu.wait_indirect_dma semaphore(%arg17 : memref<!tpu.dma_semaphore, #tpu.memory_space<semaphore_mem>>) src(%dma_wait3A_122 : memref<102400xf32, #tpu.memory_space<vmem_shared>>) dst(%arg14 : memref<7168xf32, #tpu.memory_space<vmem>>)
    %dma_start3A_123 = arith.constant 0 : i32
    %dma_start3A_124 = tpu.memref_slice %arg7[%dma_start3A_123] : memref<102400xf32, #tpu.memory_space<vmem_shared>> -> memref<102400xf32, #tpu.memory_space<vmem_shared>>
    tpu.enqueue_indirect_dma source(%arg14 : memref<7168xf32, #tpu.memory_space<vmem>>) target(%dma_start3A_124 : memref<102400xf32, #tpu.memory_space<vmem_shared>>) offsets(%arg11 : memref<7168xi32, #tpu.memory_space<vmem>>) semaphore(%arg18 : memref<!tpu.dma_semaphore, #tpu.memory_space<semaphore_mem>>) {add = true}
    %dma_wait3A_125 = arith.constant 0 : i32
    %dma_wait3A_126 = tpu.memref_slice %arg7[%dma_wait3A_125] : memref<102400xf32, #tpu.memory_space<vmem_shared>> -> memref<102400xf32, #tpu.memory_space<vmem_shared>>
    tpu.wait_indirect_dma semaphore(%arg19 : memref<!tpu.dma_semaphore, #tpu.memory_space<semaphore_mem>>) src(%arg15 : memref<7168xf32, #tpu.memory_space<vmem>>) dst(%dma_wait3A_126 : memref<102400xf32, #tpu.memory_space<vmem_shared>>)
    %dma_wait3A_127 = arith.constant 0 : i32
    %dma_wait3A_128 = tpu.memref_slice %arg7[%dma_wait3A_127] : memref<102400xf32, #tpu.memory_space<vmem_shared>> -> memref<102400xf32, #tpu.memory_space<vmem_shared>>
    tpu.wait_indirect_dma semaphore(%arg18 : memref<!tpu.dma_semaphore, #tpu.memory_space<semaphore_mem>>) src(%arg14 : memref<7168xf32, #tpu.memory_space<vmem>>) dst(%dma_wait3A_128 : memref<102400xf32, #tpu.memory_space<vmem_shared>>)
    %barrier3A_129 = arith.constant 0 : index
    tpu.barrier barrier_id(%barrier3A_129)
    "tpu.region"() ({
      %run_scoped3A = tpu.sem_alloc : memref<!tpu.dma_semaphore, #tpu.memory_space<semaphore_mem>>
      %dma_start3A_130 = arith.constant 0 : i32
      %dma_start3A_131 = tpu.memref_slice %arg6[%arg0, %dma_start3A_130] : memref<2x102400xf32, #tpu.memory_space<hbm>> -> memref<1x102400xf32, #tpu.memory_space<hbm>>
      %dma_start3A_132 = tpu.memref_squeeze %dma_start3A_131 : memref<1x102400xf32, #tpu.memory_space<hbm>> -> memref<102400xf32, #tpu.memory_space<hbm>>
      %dma_start3A_133 = tpu.memref_slice %dma_start3A_132[%mul3A_2] : memref<102400xf32, #tpu.memory_space<hbm>> -> memref<6400xf32, #tpu.memory_space<hbm>>
      %dma_start3A_134 = tpu.memref_slice %arg7[%mul3A_2] : memref<102400xf32, #tpu.memory_space<vmem_shared>> -> memref<6400xf32, #tpu.memory_space<vmem_shared>>
      tpu.enqueue_dma source(%dma_start3A_134 : memref<6400xf32, #tpu.memory_space<vmem_shared>>) target(%dma_start3A_133 : memref<6400xf32, #tpu.memory_space<hbm>>) target_semaphore(%run_scoped3A : memref<!tpu.dma_semaphore, #tpu.memory_space<semaphore_mem>>)
      %dma_wait3A_135 = arith.constant 0 : i32
      %dma_wait3A_136 = tpu.memref_slice %arg6[%arg0, %dma_wait3A_135] : memref<2x102400xf32, #tpu.memory_space<hbm>> -> memref<1x102400xf32, #tpu.memory_space<hbm>>
      %dma_wait3A_137 = tpu.memref_squeeze %dma_wait3A_136 : memref<1x102400xf32, #tpu.memory_space<hbm>> -> memref<102400xf32, #tpu.memory_space<hbm>>
      %dma_wait3A_138 = tpu.memref_slice %dma_wait3A_137[%mul3A_2] : memref<102400xf32, #tpu.memory_space<hbm>> -> memref<6400xf32, #tpu.memory_space<hbm>>
      %dma_wait3A_139 = tpu.memref_slice %arg7[%mul3A_2] : memref<102400xf32, #tpu.memory_space<vmem_shared>> -> memref<6400xf32, #tpu.memory_space<vmem_shared>>
      tpu.wait_dma2 semaphore(%run_scoped3A : memref<!tpu.dma_semaphore, #tpu.memory_space<semaphore_mem>>) src(%dma_wait3A_139 : memref<6400xf32, #tpu.memory_space<vmem_shared>>) dst(%dma_wait3A_138 : memref<6400xf32, #tpu.memory_space<hbm>>)
      tpu.yield
    }) : () -> ()
    return
  }
}

#map = affine_map<(d0, d1) -> (0)>
#map1 = affine_map<(d0, d1) -> (0, 0)>
module attributes {stable_mosaic.version = 14 : i64} {
  func.func @k(%arg0: i32, %arg1: i32, %arg2: memref<1605632xi32, #tpu.memory_space<hbm>>, %arg3: memref<102400xf32, #tpu.memory_space<hbm>>, %arg4: memref<2x102400xf32, #tpu.memory_space<hbm>>, %arg5: memref<102400xf32, #tpu.memory_space<vmem_shared>>, %arg6: memref<7168xi32, #tpu.memory_space<vmem>>, %arg7: memref<7168xi32, #tpu.memory_space<vmem>>, %arg8: memref<7168xi32, #tpu.memory_space<vmem>>, %arg9: memref<7168xf32, #tpu.memory_space<vmem>>, %arg10: memref<6400xf32, #tpu.memory_space<vmem>>, %arg11: memref<!tpu.dma_semaphore, #tpu.memory_space<semaphore_mem>>, %arg12: memref<!tpu.dma_semaphore, #tpu.memory_space<semaphore_mem>>, %arg13: memref<!tpu.dma_semaphore, #tpu.memory_space<semaphore_mem>>) attributes {dimension_semantics = [#tpu.dimension_semantics<core_parallel>, #tpu.dimension_semantics<subcore_parallel>], iteration_bounds = array<i64: 2, 16>, scalar_prefetch = 0 : i64, scratch_operands = 9 : i64, tpu.core_type = #tpu.core_type<sc_vector_subcore>, window_params = [{transform_indices = #map}, {transform_indices = #map}, {transform_indices = #map1}]} {
    %mul3A = arith.constant 2 : i32
    %mul3A_0 = arith.muli %arg1, %mul3A : i32
    %add3A = arith.addi %mul3A_0, %arg0 : i32
    %scan3A = arith.constant 0 : i32
    %scan3A_1 = arith.constant 0 : i32
    %scan3A_2 = arith.constant 448 : i32
    %scan3A_3 = arith.addi %scan3A_1, %scan3A_2 : i32
    %scan3A_4 = arith.constant 1 : i32
    scf.for %scan3A_85 = %scan3A_1 to %scan3A_3 step %scan3A_4  : i32 {
      %broadcast_in_dim3A = arith.constant 1.000000e+00 : f32
      %broadcast_in_dim3A_86 = vector.broadcast %broadcast_in_dim3A : f32 to vector<16xf32>
      %mul3A_87 = arith.constant 16 : i32
      %mul3A_88 = arith.muli %scan3A_85, %mul3A_87 : i32
      %swap3A = arith.index_cast %mul3A_88 : i32 to index
      %swap3A_89 = tpu.vector_load %arg9[%swap3A] {strides = array<i32>} : memref<7168xf32, #tpu.memory_space<vmem>>, vector<16xf32>,
      %swap3A_90 = vector.shape_cast %swap3A_89 : vector<16xf32> to vector<16xf32>
      %swap3A_91 = vector.shape_cast %broadcast_in_dim3A_86 : vector<16xf32> to vector<16xf32>
      tpu.vector_store %arg9[%swap3A], %swap3A_91 {strides = array<i32>} : memref<7168xf32, #tpu.memory_space<vmem>>, vector<16xf32>,
    }
    %scan3A_5 = arith.constant 448 : i32
    %mul3A_6 = arith.constant 6400 : i32
    %mul3A_7 = arith.muli %arg1, %mul3A_6 : i32
    "tpu.region"() ({
      %run_scoped3A = tpu.sem_alloc : memref<!tpu.dma_semaphore, #tpu.memory_space<semaphore_mem>>
      %dma_start3A_85 = tpu.memref_slice %arg3[%mul3A_7] : memref<102400xf32, #tpu.memory_space<hbm>> -> memref<6400xf32, #tpu.memory_space<hbm>>
      %dma_start3A_86 = tpu.memref_slice %arg3[%mul3A_7] : memref<102400xf32, #tpu.memory_space<hbm>> -> memref<6400xf32, #tpu.memory_space<hbm>>
      tpu.enqueue_dma source(%dma_start3A_86 : memref<6400xf32, #tpu.memory_space<hbm>>) target(%arg10 : memref<6400xf32, #tpu.memory_space<vmem>>) target_semaphore(%run_scoped3A : memref<!tpu.dma_semaphore, #tpu.memory_space<semaphore_mem>>)
      %dma_wait3A_87 = tpu.memref_slice %arg3[%mul3A_7] : memref<102400xf32, #tpu.memory_space<hbm>> -> memref<6400xf32, #tpu.memory_space<hbm>>
      %dma_wait3A_88 = tpu.memref_slice %arg3[%mul3A_7] : memref<102400xf32, #tpu.memory_space<hbm>> -> memref<6400xf32, #tpu.memory_space<hbm>>
      tpu.wait_dma2 semaphore(%run_scoped3A : memref<!tpu.dma_semaphore, #tpu.memory_space<semaphore_mem>>) src(%dma_wait3A_88 : memref<6400xf32, #tpu.memory_space<hbm>>) dst(%arg10 : memref<6400xf32, #tpu.memory_space<vmem>>)
      tpu.yield
    }) : () -> ()
    %mul3A_8 = arith.constant 6400 : i32
    %mul3A_9 = arith.muli %arg1, %mul3A_8 : i32
    "tpu.region"() ({
      %run_scoped3A = tpu.sem_alloc : memref<!tpu.dma_semaphore, #tpu.memory_space<semaphore_mem>>
      %dma_start3A_85 = tpu.memref_slice %arg5[%mul3A_9] : memref<102400xf32, #tpu.memory_space<vmem_shared>> -> memref<6400xf32, #tpu.memory_space<vmem_shared>>
      %dma_start3A_86 = tpu.memref_slice %arg5[%mul3A_9] : memref<102400xf32, #tpu.memory_space<vmem_shared>> -> memref<6400xf32, #tpu.memory_space<vmem_shared>>
      tpu.enqueue_dma source(%arg10 : memref<6400xf32, #tpu.memory_space<vmem>>) target(%dma_start3A_86 : memref<6400xf32, #tpu.memory_space<vmem_shared>>) target_semaphore(%run_scoped3A : memref<!tpu.dma_semaphore, #tpu.memory_space<semaphore_mem>>)
      %dma_wait3A_87 = tpu.memref_slice %arg5[%mul3A_9] : memref<102400xf32, #tpu.memory_space<vmem_shared>> -> memref<6400xf32, #tpu.memory_space<vmem_shared>>
      %dma_wait3A_88 = tpu.memref_slice %arg5[%mul3A_9] : memref<102400xf32, #tpu.memory_space<vmem_shared>> -> memref<6400xf32, #tpu.memory_space<vmem_shared>>
      tpu.wait_dma2 semaphore(%run_scoped3A : memref<!tpu.dma_semaphore, #tpu.memory_space<semaphore_mem>>) src(%arg10 : memref<6400xf32, #tpu.memory_space<vmem>>) dst(%dma_wait3A_88 : memref<6400xf32, #tpu.memory_space<vmem_shared>>)
      tpu.yield
    }) : () -> ()
    %barrier3A = arith.constant 0 : index
    tpu.barrier barrier_id(%barrier3A)
    %mul3A_10 = arith.constant 392 : i32
    %mul3A_11 = arith.muli %add3A, %mul3A_10 : i32
    %mul3A_12 = arith.constant 128 : i32
    %mul3A_13 = arith.muli %mul3A_11, %mul3A_12 : i32
    %dma_start3A = tpu.memref_slice %arg2[%mul3A_13] : memref<1605632xi32, #tpu.memory_space<hbm>> -> memref<7168xi32, #tpu.memory_space<hbm>>
    %dma_start3A_14 = tpu.memref_slice %arg2[%mul3A_13] : memref<1605632xi32, #tpu.memory_space<hbm>> -> memref<7168xi32, #tpu.memory_space<hbm>>
    tpu.enqueue_dma source(%dma_start3A_14 : memref<7168xi32, #tpu.memory_space<hbm>>) target(%arg6 : memref<7168xi32, #tpu.memory_space<vmem>>) target_semaphore(%arg11 : memref<!tpu.dma_semaphore, #tpu.memory_space<semaphore_mem>>)
    %dma_wait3A = tpu.memref_slice %arg2[%mul3A_13] : memref<1605632xi32, #tpu.memory_space<hbm>> -> memref<7168xi32, #tpu.memory_space<hbm>>
    %dma_wait3A_15 = tpu.memref_slice %arg2[%mul3A_13] : memref<1605632xi32, #tpu.memory_space<hbm>> -> memref<7168xi32, #tpu.memory_space<hbm>>
    tpu.wait_dma2 semaphore(%arg11 : memref<!tpu.dma_semaphore, #tpu.memory_space<semaphore_mem>>) src(%dma_wait3A_15 : memref<7168xi32, #tpu.memory_space<hbm>>) dst(%arg6 : memref<7168xi32, #tpu.memory_space<vmem>>)
    %add3A_16 = arith.constant 7168 : i32
    %add3A_17 = arith.addi %mul3A_13, %add3A_16 : i32
    %dma_start3A_18 = tpu.memref_slice %arg2[%add3A_17] : memref<1605632xi32, #tpu.memory_space<hbm>> -> memref<7168xi32, #tpu.memory_space<hbm>>
    %dma_start3A_19 = tpu.memref_slice %arg2[%add3A_17] : memref<1605632xi32, #tpu.memory_space<hbm>> -> memref<7168xi32, #tpu.memory_space<hbm>>
    tpu.enqueue_dma source(%dma_start3A_19 : memref<7168xi32, #tpu.memory_space<hbm>>) target(%arg7 : memref<7168xi32, #tpu.memory_space<vmem>>) target_semaphore(%arg11 : memref<!tpu.dma_semaphore, #tpu.memory_space<semaphore_mem>>)
    %dma_start3A_20 = arith.constant 0 : i32
    %dma_start3A_21 = tpu.memref_slice %arg5[%dma_start3A_20] : memref<102400xf32, #tpu.memory_space<vmem_shared>> -> memref<102400xf32, #tpu.memory_space<vmem_shared>>
    tpu.enqueue_indirect_dma source(%arg9 : memref<7168xf32, #tpu.memory_space<vmem>>) target(%dma_start3A_21 : memref<102400xf32, #tpu.memory_space<vmem_shared>>) offsets(%arg6 : memref<7168xi32, #tpu.memory_space<vmem>>) semaphore(%arg12 : memref<!tpu.dma_semaphore, #tpu.memory_space<semaphore_mem>>) {add = true}
    %dma_wait3A_22 = tpu.memref_slice %arg2[%add3A_17] : memref<1605632xi32, #tpu.memory_space<hbm>> -> memref<7168xi32, #tpu.memory_space<hbm>>
    %dma_wait3A_23 = tpu.memref_slice %arg2[%add3A_17] : memref<1605632xi32, #tpu.memory_space<hbm>> -> memref<7168xi32, #tpu.memory_space<hbm>>
    tpu.wait_dma2 semaphore(%arg11 : memref<!tpu.dma_semaphore, #tpu.memory_space<semaphore_mem>>) src(%dma_wait3A_23 : memref<7168xi32, #tpu.memory_space<hbm>>) dst(%arg7 : memref<7168xi32, #tpu.memory_space<vmem>>)
    %add3A_24 = arith.constant 14336 : i32
    %add3A_25 = arith.addi %mul3A_13, %add3A_24 : i32
    %dma_start3A_26 = tpu.memref_slice %arg2[%add3A_25] : memref<1605632xi32, #tpu.memory_space<hbm>> -> memref<7168xi32, #tpu.memory_space<hbm>>
    %dma_start3A_27 = tpu.memref_slice %arg2[%add3A_25] : memref<1605632xi32, #tpu.memory_space<hbm>> -> memref<7168xi32, #tpu.memory_space<hbm>>
    tpu.enqueue_dma source(%dma_start3A_27 : memref<7168xi32, #tpu.memory_space<hbm>>) target(%arg8 : memref<7168xi32, #tpu.memory_space<vmem>>) target_semaphore(%arg11 : memref<!tpu.dma_semaphore, #tpu.memory_space<semaphore_mem>>)
    %dma_start3A_28 = arith.constant 0 : i32
    %dma_start3A_29 = tpu.memref_slice %arg5[%dma_start3A_28] : memref<102400xf32, #tpu.memory_space<vmem_shared>> -> memref<102400xf32, #tpu.memory_space<vmem_shared>>
    tpu.enqueue_indirect_dma source(%arg9 : memref<7168xf32, #tpu.memory_space<vmem>>) target(%dma_start3A_29 : memref<102400xf32, #tpu.memory_space<vmem_shared>>) offsets(%arg7 : memref<7168xi32, #tpu.memory_space<vmem>>) semaphore(%arg13 : memref<!tpu.dma_semaphore, #tpu.memory_space<semaphore_mem>>) {add = true}
    %dma_wait3A_30 = tpu.memref_slice %arg2[%add3A_25] : memref<1605632xi32, #tpu.memory_space<hbm>> -> memref<7168xi32, #tpu.memory_space<hbm>>
    %dma_wait3A_31 = tpu.memref_slice %arg2[%add3A_25] : memref<1605632xi32, #tpu.memory_space<hbm>> -> memref<7168xi32, #tpu.memory_space<hbm>>
    tpu.wait_dma2 semaphore(%arg11 : memref<!tpu.dma_semaphore, #tpu.memory_space<semaphore_mem>>) src(%dma_wait3A_31 : memref<7168xi32, #tpu.memory_space<hbm>>) dst(%arg8 : memref<7168xi32, #tpu.memory_space<vmem>>)
    %dma_wait3A_32 = arith.constant 0 : i32
    %dma_wait3A_33 = tpu.memref_slice %arg5[%dma_wait3A_32] : memref<102400xf32, #tpu.memory_space<vmem_shared>> -> memref<102400xf32, #tpu.memory_space<vmem_shared>>
    tpu.wait_indirect_dma semaphore(%arg12 : memref<!tpu.dma_semaphore, #tpu.memory_space<semaphore_mem>>) src(%arg9 : memref<7168xf32, #tpu.memory_space<vmem>>) dst(%dma_wait3A_33 : memref<102400xf32, #tpu.memory_space<vmem_shared>>)
    %add3A_34 = arith.constant 21504 : i32
    %add3A_35 = arith.addi %mul3A_13, %add3A_34 : i32
    %dma_start3A_36 = tpu.memref_slice %arg2[%add3A_35] : memref<1605632xi32, #tpu.memory_space<hbm>> -> memref<7168xi32, #tpu.memory_space<hbm>>
    %dma_start3A_37 = tpu.memref_slice %arg2[%add3A_35] : memref<1605632xi32, #tpu.memory_space<hbm>> -> memref<7168xi32, #tpu.memory_space<hbm>>
    tpu.enqueue_dma source(%dma_start3A_37 : memref<7168xi32, #tpu.memory_space<hbm>>) target(%arg6 : memref<7168xi32, #tpu.memory_space<vmem>>) target_semaphore(%arg11 : memref<!tpu.dma_semaphore, #tpu.memory_space<semaphore_mem>>)
    %dma_start3A_38 = arith.constant 0 : i32
    %dma_start3A_39 = tpu.memref_slice %arg5[%dma_start3A_38] : memref<102400xf32, #tpu.memory_space<vmem_shared>> -> memref<102400xf32, #tpu.memory_space<vmem_shared>>
    tpu.enqueue_indirect_dma source(%arg9 : memref<7168xf32, #tpu.memory_space<vmem>>) target(%dma_start3A_39 : memref<102400xf32, #tpu.memory_space<vmem_shared>>) offsets(%arg8 : memref<7168xi32, #tpu.memory_space<vmem>>) semaphore(%arg12 : memref<!tpu.dma_semaphore, #tpu.memory_space<semaphore_mem>>) {add = true}
    %dma_wait3A_40 = tpu.memref_slice %arg2[%add3A_35] : memref<1605632xi32, #tpu.memory_space<hbm>> -> memref<7168xi32, #tpu.memory_space<hbm>>
    %dma_wait3A_41 = tpu.memref_slice %arg2[%add3A_35] : memref<1605632xi32, #tpu.memory_space<hbm>> -> memref<7168xi32, #tpu.memory_space<hbm>>
    tpu.wait_dma2 semaphore(%arg11 : memref<!tpu.dma_semaphore, #tpu.memory_space<semaphore_mem>>) src(%dma_wait3A_41 : memref<7168xi32, #tpu.memory_space<hbm>>) dst(%arg6 : memref<7168xi32, #tpu.memory_space<vmem>>)
    %dma_wait3A_42 = arith.constant 0 : i32
    %dma_wait3A_43 = tpu.memref_slice %arg5[%dma_wait3A_42] : memref<102400xf32, #tpu.memory_space<vmem_shared>> -> memref<102400xf32, #tpu.memory_space<vmem_shared>>
    tpu.wait_indirect_dma semaphore(%arg13 : memref<!tpu.dma_semaphore, #tpu.memory_space<semaphore_mem>>) src(%arg9 : memref<7168xf32, #tpu.memory_space<vmem>>) dst(%dma_wait3A_43 : memref<102400xf32, #tpu.memory_space<vmem_shared>>)
    %add3A_44 = arith.constant 28672 : i32
    %add3A_45 = arith.addi %mul3A_13, %add3A_44 : i32
    %dma_start3A_46 = tpu.memref_slice %arg2[%add3A_45] : memref<1605632xi32, #tpu.memory_space<hbm>> -> memref<7168xi32, #tpu.memory_space<hbm>>
    %dma_start3A_47 = tpu.memref_slice %arg2[%add3A_45] : memref<1605632xi32, #tpu.memory_space<hbm>> -> memref<7168xi32, #tpu.memory_space<hbm>>
    tpu.enqueue_dma source(%dma_start3A_47 : memref<7168xi32, #tpu.memory_space<hbm>>) target(%arg7 : memref<7168xi32, #tpu.memory_space<vmem>>) target_semaphore(%arg11 : memref<!tpu.dma_semaphore, #tpu.memory_space<semaphore_mem>>)
    %dma_start3A_48 = arith.constant 0 : i32
    %dma_start3A_49 = tpu.memref_slice %arg5[%dma_start3A_48] : memref<102400xf32, #tpu.memory_space<vmem_shared>> -> memref<102400xf32, #tpu.memory_space<vmem_shared>>
    tpu.enqueue_indirect_dma source(%arg9 : memref<7168xf32, #tpu.memory_space<vmem>>) target(%dma_start3A_49 : memref<102400xf32, #tpu.memory_space<vmem_shared>>) offsets(%arg6 : memref<7168xi32, #tpu.memory_space<vmem>>) semaphore(%arg13 : memref<!tpu.dma_semaphore, #tpu.memory_space<semaphore_mem>>) {add = true}
    %dma_wait3A_50 = tpu.memref_slice %arg2[%add3A_45] : memref<1605632xi32, #tpu.memory_space<hbm>> -> memref<7168xi32, #tpu.memory_space<hbm>>
    %dma_wait3A_51 = tpu.memref_slice %arg2[%add3A_45] : memref<1605632xi32, #tpu.memory_space<hbm>> -> memref<7168xi32, #tpu.memory_space<hbm>>
    tpu.wait_dma2 semaphore(%arg11 : memref<!tpu.dma_semaphore, #tpu.memory_space<semaphore_mem>>) src(%dma_wait3A_51 : memref<7168xi32, #tpu.memory_space<hbm>>) dst(%arg7 : memref<7168xi32, #tpu.memory_space<vmem>>)
    %dma_wait3A_52 = arith.constant 0 : i32
    %dma_wait3A_53 = tpu.memref_slice %arg5[%dma_wait3A_52] : memref<102400xf32, #tpu.memory_space<vmem_shared>> -> memref<102400xf32, #tpu.memory_space<vmem_shared>>
    tpu.wait_indirect_dma semaphore(%arg12 : memref<!tpu.dma_semaphore, #tpu.memory_space<semaphore_mem>>) src(%arg9 : memref<7168xf32, #tpu.memory_space<vmem>>) dst(%dma_wait3A_53 : memref<102400xf32, #tpu.memory_space<vmem_shared>>)
    %add3A_54 = arith.constant 35840 : i32
    %add3A_55 = arith.addi %mul3A_13, %add3A_54 : i32
    %dma_start3A_56 = tpu.memref_slice %arg2[%add3A_55] : memref<1605632xi32, #tpu.memory_space<hbm>> -> memref<7168xi32, #tpu.memory_space<hbm>>
    %dma_start3A_57 = tpu.memref_slice %arg2[%add3A_55] : memref<1605632xi32, #tpu.memory_space<hbm>> -> memref<7168xi32, #tpu.memory_space<hbm>>
    tpu.enqueue_dma source(%dma_start3A_57 : memref<7168xi32, #tpu.memory_space<hbm>>) target(%arg8 : memref<7168xi32, #tpu.memory_space<vmem>>) target_semaphore(%arg11 : memref<!tpu.dma_semaphore, #tpu.memory_space<semaphore_mem>>)
    %dma_start3A_58 = arith.constant 0 : i32
    %dma_start3A_59 = tpu.memref_slice %arg5[%dma_start3A_58] : memref<102400xf32, #tpu.memory_space<vmem_shared>> -> memref<102400xf32, #tpu.memory_space<vmem_shared>>
    tpu.enqueue_indirect_dma source(%arg9 : memref<7168xf32, #tpu.memory_space<vmem>>) target(%dma_start3A_59 : memref<102400xf32, #tpu.memory_space<vmem_shared>>) offsets(%arg7 : memref<7168xi32, #tpu.memory_space<vmem>>) semaphore(%arg12 : memref<!tpu.dma_semaphore, #tpu.memory_space<semaphore_mem>>) {add = true}
    %dma_wait3A_60 = tpu.memref_slice %arg2[%add3A_55] : memref<1605632xi32, #tpu.memory_space<hbm>> -> memref<7168xi32, #tpu.memory_space<hbm>>
    %dma_wait3A_61 = tpu.memref_slice %arg2[%add3A_55] : memref<1605632xi32, #tpu.memory_space<hbm>> -> memref<7168xi32, #tpu.memory_space<hbm>>
    tpu.wait_dma2 semaphore(%arg11 : memref<!tpu.dma_semaphore, #tpu.memory_space<semaphore_mem>>) src(%dma_wait3A_61 : memref<7168xi32, #tpu.memory_space<hbm>>) dst(%arg8 : memref<7168xi32, #tpu.memory_space<vmem>>)
    %dma_wait3A_62 = arith.constant 0 : i32
    %dma_wait3A_63 = tpu.memref_slice %arg5[%dma_wait3A_62] : memref<102400xf32, #tpu.memory_space<vmem_shared>> -> memref<102400xf32, #tpu.memory_space<vmem_shared>>
    tpu.wait_indirect_dma semaphore(%arg13 : memref<!tpu.dma_semaphore, #tpu.memory_space<semaphore_mem>>) src(%arg9 : memref<7168xf32, #tpu.memory_space<vmem>>) dst(%dma_wait3A_63 : memref<102400xf32, #tpu.memory_space<vmem_shared>>)
    %add3A_64 = arith.constant 43008 : i32
    %add3A_65 = arith.addi %mul3A_13, %add3A_64 : i32
    %dma_start3A_66 = tpu.memref_slice %arg2[%add3A_65] : memref<1605632xi32, #tpu.memory_space<hbm>> -> memref<7168xi32, #tpu.memory_space<hbm>>
    %dma_start3A_67 = tpu.memref_slice %arg2[%add3A_65] : memref<1605632xi32, #tpu.memory_space<hbm>> -> memref<7168xi32, #tpu.memory_space<hbm>>
    tpu.enqueue_dma source(%dma_start3A_67 : memref<7168xi32, #tpu.memory_space<hbm>>) target(%arg6 : memref<7168xi32, #tpu.memory_space<vmem>>) target_semaphore(%arg11 : memref<!tpu.dma_semaphore, #tpu.memory_space<semaphore_mem>>)
    %dma_start3A_68 = arith.constant 0 : i32
    %dma_start3A_69 = tpu.memref_slice %arg5[%dma_start3A_68] : memref<102400xf32, #tpu.memory_space<vmem_shared>> -> memref<102400xf32, #tpu.memory_space<vmem_shared>>
    tpu.enqueue_indirect_dma source(%arg9 : memref<7168xf32, #tpu.memory_space<vmem>>) target(%dma_start3A_69 : memref<102400xf32, #tpu.memory_space<vmem_shared>>) offsets(%arg8 : memref<7168xi32, #tpu.memory_space<vmem>>) semaphore(%arg13 : memref<!tpu.dma_semaphore, #tpu.memory_space<semaphore_mem>>) {add = true}
    %dma_wait3A_70 = tpu.memref_slice %arg2[%add3A_65] : memref<1605632xi32, #tpu.memory_space<hbm>> -> memref<7168xi32, #tpu.memory_space<hbm>>
    %dma_wait3A_71 = tpu.memref_slice %arg2[%add3A_65] : memref<1605632xi32, #tpu.memory_space<hbm>> -> memref<7168xi32, #tpu.memory_space<hbm>>
    tpu.wait_dma2 semaphore(%arg11 : memref<!tpu.dma_semaphore, #tpu.memory_space<semaphore_mem>>) src(%dma_wait3A_71 : memref<7168xi32, #tpu.memory_space<hbm>>) dst(%arg6 : memref<7168xi32, #tpu.memory_space<vmem>>)
    %dma_wait3A_72 = arith.constant 0 : i32
    %dma_wait3A_73 = tpu.memref_slice %arg5[%dma_wait3A_72] : memref<102400xf32, #tpu.memory_space<vmem_shared>> -> memref<102400xf32, #tpu.memory_space<vmem_shared>>
    tpu.wait_indirect_dma semaphore(%arg12 : memref<!tpu.dma_semaphore, #tpu.memory_space<semaphore_mem>>) src(%arg9 : memref<7168xf32, #tpu.memory_space<vmem>>) dst(%dma_wait3A_73 : memref<102400xf32, #tpu.memory_space<vmem_shared>>)
    %dma_start3A_74 = arith.constant 0 : i32
    %dma_start3A_75 = tpu.memref_slice %arg5[%dma_start3A_74] : memref<102400xf32, #tpu.memory_space<vmem_shared>> -> memref<102400xf32, #tpu.memory_space<vmem_shared>>
    tpu.enqueue_indirect_dma source(%arg9 : memref<7168xf32, #tpu.memory_space<vmem>>) target(%dma_start3A_75 : memref<102400xf32, #tpu.memory_space<vmem_shared>>) offsets(%arg6 : memref<7168xi32, #tpu.memory_space<vmem>>) semaphore(%arg12 : memref<!tpu.dma_semaphore, #tpu.memory_space<semaphore_mem>>) {add = true}
    %dma_wait3A_76 = arith.constant 0 : i32
    %dma_wait3A_77 = tpu.memref_slice %arg5[%dma_wait3A_76] : memref<102400xf32, #tpu.memory_space<vmem_shared>> -> memref<102400xf32, #tpu.memory_space<vmem_shared>>
    tpu.wait_indirect_dma semaphore(%arg13 : memref<!tpu.dma_semaphore, #tpu.memory_space<semaphore_mem>>) src(%arg9 : memref<7168xf32, #tpu.memory_space<vmem>>) dst(%dma_wait3A_77 : memref<102400xf32, #tpu.memory_space<vmem_shared>>)
    %dma_wait3A_78 = arith.constant 0 : i32
    %dma_wait3A_79 = tpu.memref_slice %arg5[%dma_wait3A_78] : memref<102400xf32, #tpu.memory_space<vmem_shared>> -> memref<102400xf32, #tpu.memory_space<vmem_shared>>
    tpu.wait_indirect_dma semaphore(%arg12 : memref<!tpu.dma_semaphore, #tpu.memory_space<semaphore_mem>>) src(%arg9 : memref<7168xf32, #tpu.memory_space<vmem>>) dst(%dma_wait3A_79 : memref<102400xf32, #tpu.memory_space<vmem_shared>>)
    %barrier3A_80 = arith.constant 0 : index
    tpu.barrier barrier_id(%barrier3A_80)
    %mul3A_81 = arith.constant 6400 : i32
    %mul3A_82 = arith.muli %arg1, %mul3A_81 : i32
    "tpu.region"() ({
      %run_scoped3A = tpu.sem_alloc : memref<!tpu.dma_semaphore, #tpu.memory_space<semaphore_mem>>
      %dma_start3A_85 = tpu.memref_slice %arg5[%mul3A_82] : memref<102400xf32, #tpu.memory_space<vmem_shared>> -> memref<6400xf32, #tpu.memory_space<vmem_shared>>
      %dma_start3A_86 = tpu.memref_slice %arg5[%mul3A_82] : memref<102400xf32, #tpu.memory_space<vmem_shared>> -> memref<6400xf32, #tpu.memory_space<vmem_shared>>
      tpu.enqueue_dma source(%dma_start3A_86 : memref<6400xf32, #tpu.memory_space<vmem_shared>>) target(%arg10 : memref<6400xf32, #tpu.memory_space<vmem>>) target_semaphore(%run_scoped3A : memref<!tpu.dma_semaphore, #tpu.memory_space<semaphore_mem>>)
      %dma_wait3A_87 = tpu.memref_slice %arg5[%mul3A_82] : memref<102400xf32, #tpu.memory_space<vmem_shared>> -> memref<6400xf32, #tpu.memory_space<vmem_shared>>
      %dma_wait3A_88 = tpu.memref_slice %arg5[%mul3A_82] : memref<102400xf32, #tpu.memory_space<vmem_shared>> -> memref<6400xf32, #tpu.memory_space<vmem_shared>>
      tpu.wait_dma2 semaphore(%run_scoped3A : memref<!tpu.dma_semaphore, #tpu.memory_space<semaphore_mem>>) src(%dma_wait3A_88 : memref<6400xf32, #tpu.memory_space<vmem_shared>>) dst(%arg10 : memref<6400xf32, #tpu.memory_space<vmem>>)
      tpu.yield
    }) : () -> ()
    %mul3A_83 = arith.constant 6400 : i32
    %mul3A_84 = arith.muli %arg1, %mul3A_83 : i32
    "tpu.region"() ({
      %run_scoped3A = tpu.sem_alloc : memref<!tpu.dma_semaphore, #tpu.memory_space<semaphore_mem>>
      %dma_start3A_85 = arith.constant 0 : i32
      %dma_start3A_86 = tpu.memref_slice %arg4[%arg0, %dma_start3A_85] : memref<2x102400xf32, #tpu.memory_space<hbm>> -> memref<1x102400xf32, #tpu.memory_space<hbm>>
      %dma_start3A_87 = tpu.memref_squeeze %dma_start3A_86 : memref<1x102400xf32, #tpu.memory_space<hbm>> -> memref<102400xf32, #tpu.memory_space<hbm>>
      %dma_start3A_88 = tpu.memref_slice %dma_start3A_87[%mul3A_84] : memref<102400xf32, #tpu.memory_space<hbm>> -> memref<6400xf32, #tpu.memory_space<hbm>>
      %dma_start3A_89 = arith.constant 0 : i32
      %dma_start3A_90 = tpu.memref_slice %arg4[%arg0, %dma_start3A_89] : memref<2x102400xf32, #tpu.memory_space<hbm>> -> memref<1x102400xf32, #tpu.memory_space<hbm>>
      %dma_start3A_91 = tpu.memref_squeeze %dma_start3A_90 : memref<1x102400xf32, #tpu.memory_space<hbm>> -> memref<102400xf32, #tpu.memory_space<hbm>>
      %dma_start3A_92 = tpu.memref_slice %dma_start3A_91[%mul3A_84] : memref<102400xf32, #tpu.memory_space<hbm>> -> memref<6400xf32, #tpu.memory_space<hbm>>
      tpu.enqueue_dma source(%arg10 : memref<6400xf32, #tpu.memory_space<vmem>>) target(%dma_start3A_92 : memref<6400xf32, #tpu.memory_space<hbm>>) target_semaphore(%run_scoped3A : memref<!tpu.dma_semaphore, #tpu.memory_space<semaphore_mem>>)
      %dma_wait3A_93 = arith.constant 0 : i32
      %dma_wait3A_94 = tpu.memref_slice %arg4[%arg0, %dma_wait3A_93] : memref<2x102400xf32, #tpu.memory_space<hbm>> -> memref<1x102400xf32, #tpu.memory_space<hbm>>
      %dma_wait3A_95 = tpu.memref_squeeze %dma_wait3A_94 : memref<1x102400xf32, #tpu.memory_space<hbm>> -> memref<102400xf32, #tpu.memory_space<hbm>>
      %dma_wait3A_96 = tpu.memref_slice %dma_wait3A_95[%mul3A_84] : memref<102400xf32, #tpu.memory_space<hbm>> -> memref<6400xf32, #tpu.memory_space<hbm>>
      %dma_wait3A_97 = arith.constant 0 : i32
      %dma_wait3A_98 = tpu.memref_slice %arg4[%arg0, %dma_wait3A_97] : memref<2x102400xf32, #tpu.memory_space<hbm>> -> memref<1x102400xf32, #tpu.memory_space<hbm>>
      %dma_wait3A_99 = tpu.memref_squeeze %dma_wait3A_98 : memref<1x102400xf32, #tpu.memory_space<hbm>> -> memref<102400xf32, #tpu.memory_space<hbm>>
      %dma_wait3A_100 = tpu.memref_slice %dma_wait3A_99[%mul3A_84] : memref<102400xf32, #tpu.memory_space<hbm>> -> memref<6400xf32, #tpu.memory_space<hbm>>
      tpu.wait_dma2 semaphore(%run_scoped3A : memref<!tpu.dma_semaphore, #tpu.memory_space<semaphore_mem>>) src(%arg10 : memref<6400xf32, #tpu.memory_space<vmem>>) dst(%dma_wait3A_100 : memref<6400xf32, #tpu.memory_space<hbm>>)
      tpu.yield
    }) : () -> ()
    return
  }
}

module attributes {stable_mosaic.version = 14 : i64} {
  func.func @body(%arg0: memref<2x800x128xf32, #tpu.memory_space<vmem>>, %arg1: memref<800x128xf32, #tpu.memory_space<vmem>>, %arg2: memref<800x128xf32, #tpu.memory_space<vmem>>, %arg3: memref<800x128xf32, #tpu.memory_space<vmem>>) attributes {dimension_semantics = [], scalar_prefetch = 0 : i64, scratch_operands = 0 : i64, tpu.core_type = #tpu.core_type<tc>} {
    %get3A = arith.constant 0 : index
    %get3A_0 = arith.constant 0 : index
    %get3A_1 = arith.constant 0 : index
    %get3A_2 = vector.load %arg0[%get3A, %get3A_0, %get3A_1] : memref<2x800x128xf32, #tpu.memory_space<vmem>>, vector<1x800x128xf32>
    %get3A_3 = vector.shape_cast %get3A_2 : vector<1x800x128xf32> to vector<800x128xf32>
    %get3A_4 = arith.constant 1 : index
    %get3A_5 = arith.constant 0 : index
    %get3A_6 = arith.constant 0 : index
    %get3A_7 = vector.load %arg0[%get3A_4, %get3A_5, %get3A_6] : memref<2x800x128xf32, #tpu.memory_space<vmem>>, vector<1x800x128xf32>
    %get3A_8 = vector.shape_cast %get3A_7 : vector<1x800x128xf32> to vector<800x128xf32>
    %add3A = arith.addf %get3A_3, %get3A_8 : vector<800x128xf32>
    %add3A_9 = arith.constant 1.000000e+00 : f32
    %add3A_10 = vector.broadcast %add3A_9 : f32 to vector<800x128xf32>
    %add3A_11 = arith.addf %add3A, %add3A_10 : vector<800x128xf32>
    %rsqrt3A = math.rsqrt %add3A_11 : vector<800x128xf32>
    %swap3A = arith.constant 0 : index
    %swap3A_12 = arith.constant 0 : index
    %swap3A_13 = vector.load %arg2[%swap3A, %swap3A_12] : memref<800x128xf32, #tpu.memory_space<vmem>>, vector<800x128xf32>
    tpu.vector_store %arg2[%swap3A, %swap3A_12], %rsqrt3A {strides = array<i32>} : memref<800x128xf32, #tpu.memory_space<vmem>>, vector<800x128xf32>,
    %get3A_14 = arith.constant 0 : index
    %get3A_15 = arith.constant 0 : index
    %get3A_16 = vector.load %arg1[%get3A_14, %get3A_15] : memref<800x128xf32, #tpu.memory_space<vmem>>, vector<800x128xf32>
    %mul3A = arith.mulf %rsqrt3A, %get3A_16 : vector<800x128xf32>
    %swap3A_17 = arith.constant 0 : index
    %swap3A_18 = arith.constant 0 : index
    %swap3A_19 = vector.load %arg3[%swap3A_17, %swap3A_18] : memref<800x128xf32, #tpu.memory_space<vmem>>, vector<800x128xf32>
    tpu.vector_store %arg3[%swap3A_17, %swap3A_18], %mul3A {strides = array<i32>} : memref<800x128xf32, #tpu.memory_space<vmem>>, vector<800x128xf32>,
    return
  }
}

module attributes {stable_mosaic.version = 14 : i64} {
  func.func @body(%arg0: memref<2x800x128xf32, #tpu.memory_space<vmem>>, %arg1: memref<800x128xf32, #tpu.memory_space<vmem>>, %arg2: memref<800x128xf32, #tpu.memory_space<vmem>>, %arg3: memref<800x128xf32, #tpu.memory_space<vmem>>, %arg4: memref<800x128xf32, #tpu.memory_space<vmem>>, %arg5: memref<800x128xi32, #tpu.memory_space<vmem>>) attributes {dimension_semantics = [], scalar_prefetch = 0 : i64, scratch_operands = 0 : i64, tpu.core_type = #tpu.core_type<tc>} {
    %get3A = arith.constant 0 : index
    %get3A_0 = arith.constant 0 : index
    %get3A_1 = vector.load %arg1[%get3A, %get3A_0] : memref<800x128xf32, #tpu.memory_space<vmem>>, vector<800x128xf32>
    %get3A_2 = arith.constant 0 : index
    %get3A_3 = arith.constant 0 : index
    %get3A_4 = arith.constant 0 : index
    %get3A_5 = vector.load %arg0[%get3A_2, %get3A_3, %get3A_4] : memref<2x800x128xf32, #tpu.memory_space<vmem>>, vector<1x800x128xf32>
    %get3A_6 = vector.shape_cast %get3A_5 : vector<1x800x128xf32> to vector<800x128xf32>
    %get3A_7 = arith.constant 1 : index
    %get3A_8 = arith.constant 0 : index
    %get3A_9 = arith.constant 0 : index
    %get3A_10 = vector.load %arg0[%get3A_7, %get3A_8, %get3A_9] : memref<2x800x128xf32, #tpu.memory_space<vmem>>, vector<1x800x128xf32>
    %get3A_11 = vector.shape_cast %get3A_10 : vector<1x800x128xf32> to vector<800x128xf32>
    %add3A = arith.addf %get3A_6, %get3A_11 : vector<800x128xf32>
    %get3A_12 = arith.constant 0 : index
    %get3A_13 = arith.constant 0 : index
    %get3A_14 = vector.load %arg2[%get3A_12, %get3A_13] : memref<800x128xf32, #tpu.memory_space<vmem>>, vector<800x128xf32>
    %mul3A = arith.mulf %get3A_1, %get3A_14 : vector<800x128xf32>
    %add3A_15 = arith.addf %add3A, %mul3A : vector<800x128xf32>
    %mul3A_16 = arith.mulf %get3A_1, %add3A_15 : vector<800x128xf32>
    %max3A = arith.constant 0.000000e+00 : f32
    %max3A_17 = vector.broadcast %max3A : f32 to vector<800x128xf32>
    %max3A_18 = arith.maximumf %mul3A_16, %max3A_17 : vector<800x128xf32>
    %mul3A_19 = arith.mulf %get3A_1, %max3A_18 : vector<800x128xf32>
    %neg3A = arith.constant 0.000000e+00 : f32
    %neg3A_20 = vector.broadcast %neg3A : f32 to vector<800x128xf32>
    %neg3A_21 = arith.subf %neg3A_20, %mul3A_16 : vector<800x128xf32>
    %max3A_22 = arith.constant 0.000000e+00 : f32
    %max3A_23 = vector.broadcast %max3A_22 : f32 to vector<800x128xf32>
    %max3A_24 = arith.maximumf %neg3A_21, %max3A_23 : vector<800x128xf32>
    %mul3A_25 = arith.mulf %get3A_1, %max3A_24 : vector<800x128xf32>
    %swap3A = arith.constant 0 : index
    %swap3A_26 = arith.constant 0 : index
    %swap3A_27 = vector.load %arg3[%swap3A, %swap3A_26] : memref<800x128xf32, #tpu.memory_space<vmem>>, vector<800x128xf32>
    tpu.vector_store %arg3[%swap3A, %swap3A_26], %mul3A_19 {strides = array<i32>} : memref<800x128xf32, #tpu.memory_space<vmem>>, vector<800x128xf32>,
    %swap3A_28 = arith.constant 0 : index
    %swap3A_29 = arith.constant 0 : index
    %swap3A_30 = vector.load %arg4[%swap3A_28, %swap3A_29] : memref<800x128xf32, #tpu.memory_space<vmem>>, vector<800x128xf32>
    tpu.vector_store %arg4[%swap3A_28, %swap3A_29], %mul3A_25 {strides = array<i32>} : memref<800x128xf32, #tpu.memory_space<vmem>>, vector<800x128xf32>,
    %convert_element_type3A = arith.truncf %mul3A_19 : vector<800x128xf32> to vector<800x128xbf16>
    %convert_element_type3A_31 = arith.extf %convert_element_type3A : vector<800x128xbf16> to vector<800x128xf32>
    %bitcast_convert_type3A = tpu.bitcast %convert_element_type3A_31 : vector<800x128xf32> -> vector<800x128xi32>
    %convert_element_type3A_32 = arith.truncf %mul3A_25 : vector<800x128xf32> to vector<800x128xbf16>
    %convert_element_type3A_33 = arith.extf %convert_element_type3A_32 : vector<800x128xbf16> to vector<800x128xf32>
    %bitcast_convert_type3A_34 = tpu.bitcast %convert_element_type3A_33 : vector<800x128xf32> -> vector<800x128xi32>
    %and3A = arith.constant -65536 : i32
    %and3A_35 = vector.broadcast %and3A : i32 to vector<800x128xi32>
    %and3A_36 = arith.andi %bitcast_convert_type3A, %and3A_35 : vector<800x128xi32>
    %shift_right_logical3A = arith.constant 16 : i32
    %shift_right_logical3A_37 = vector.broadcast %shift_right_logical3A : i32 to vector<800x128xi32>
    %shift_right_logical3A_38 = arith.shrui %bitcast_convert_type3A_34, %shift_right_logical3A_37 : vector<800x128xi32>
    %or3A = arith.ori %and3A_36, %shift_right_logical3A_38 : vector<800x128xi32>
    %bitcast_convert_type3A_39 = tpu.bitcast %or3A : vector<800x128xi32> -> vector<800x128xi32>
    %swap3A_40 = arith.constant 0 : index
    %swap3A_41 = arith.constant 0 : index
    %swap3A_42 = vector.load %arg5[%swap3A_40, %swap3A_41] : memref<800x128xi32, #tpu.memory_space<vmem>>, vector<800x128xi32>
    tpu.vector_store %arg5[%swap3A_40, %swap3A_41], %bitcast_convert_type3A_39 {strides = array<i32>} : memref<800x128xi32, #tpu.memory_space<vmem>>, vector<800x128xi32>,
    return
  }
}

module attributes {stable_mosaic.version = 14 : i64} {
  func.func @body(%arg0: i32, %arg1: memref<4x4096xf32, #tpu.memory_space<vmem>>, %arg2: memref<1x4096xf32, #tpu.memory_space<vmem>>, %arg3: memref<1x4096xf32, #tpu.memory_space<vmem>>, %arg4: memref<1x4096xf32, #tpu.memory_space<vmem>>, %arg5: memref<1x4096xi32, #tpu.memory_space<vmem>>, %arg6: memref<50x1xf32, #tpu.memory_space<vmem>>, %arg7: memref<50x50xf32, #tpu.memory_space<vmem>>, %arg8: memref<50x1xf32, #tpu.memory_space<vmem>>, %arg9: memref<2x50xf32, #tpu.memory_space<vmem>>, %arg10: memref<1x2xf32, #tpu.memory_space<vmem>>, %arg11: memref<128x2xf32, #tpu.memory_space<vmem>>, %arg12: memref<128x2xf32, #tpu.memory_space<vmem>>, %arg13: memref<128x1xf32, #tpu.memory_space<vmem>>) attributes {dimension_semantics = [#tpu.dimension_semantics<arbitrary>], iteration_bounds = array<i64: 25>, scalar_prefetch = 0 : i64, scratch_operands = 2 : i64, tpu.core_type = #tpu.core_type<tc>, window_params = [{transform_indices = @transform_0, window_bounds = array<i64: 4, 4096>}, {transform_indices = @transform_1, window_bounds = array<i64: 1, 4096>}, {transform_indices = @transform_2, window_bounds = array<i64: 1, 4096>}, {transform_indices = @transform_3, window_bounds = array<i64: 1, 4096>}, {transform_indices = @transform_4, window_bounds = array<i64: 1, 4096>}, {pipeline_mode = #tpu.pipeline_mode<synchronous>, transform_indices = @transform_5, window_bounds = array<i64: 50, 1>}, {pipeline_mode = #tpu.pipeline_mode<synchronous>, transform_indices = @transform_6, window_bounds = array<i64: 50, 50>}, {pipeline_mode = #tpu.pipeline_mode<synchronous>, transform_indices = @transform_7, window_bounds = array<i64: 50, 1>}, {pipeline_mode = #tpu.pipeline_mode<synchronous>, transform_indices = @transform_8, window_bounds = array<i64: 2, 50>}, {pipeline_mode = #tpu.pipeline_mode<synchronous>, transform_indices = @transform_9, window_bounds = array<i64: 1, 2>}, {pipeline_mode = #tpu.pipeline_mode<synchronous>, transform_indices = @transform_10, window_bounds = array<i64: 128, 2>}]} {
    %eq3A = arith.constant 0 : i32
    %eq3A_0 = arith.cmpi eq, %arg0, %eq3A : i32
    %convert_element_type3A = arith.extui %eq3A_0 : i1 to i32
    %cond3A = arith.constant 0 : i32
    %cond3A_1 = arith.cmpi ne, %convert_element_type3A, %cond3A : i32
    scf.if %cond3A_1 {
      %broadcast_in_dim3A_92 = arith.constant 0.000000e+00 : f32
      %broadcast_in_dim3A_93 = vector.broadcast %broadcast_in_dim3A_92 : f32 to vector<128x2xf32>
      %swap3A_94 = arith.constant 0 : index
      %swap3A_95 = arith.constant 0 : index
      %swap3A_96 = vector.load %arg12[%swap3A_94, %swap3A_95] : memref<128x2xf32, #tpu.memory_space<vmem>>, vector<128x2xf32>
      tpu.vector_store %arg12[%swap3A_94, %swap3A_95], %broadcast_in_dim3A_93 {strides = array<i32>} : memref<128x2xf32, #tpu.memory_space<vmem>>, vector<128x2xf32>,
      %broadcast_in_dim3A_97 = arith.constant 0.000000e+00 : f32
      %broadcast_in_dim3A_98 = vector.broadcast %broadcast_in_dim3A_97 : f32 to vector<128x1xf32>
      %swap3A_99 = arith.constant 0 : index
      %swap3A_100 = arith.constant 0 : index
      %swap3A_101 = vector.load %arg13[%swap3A_99, %swap3A_100] : memref<128x1xf32, #tpu.memory_space<vmem>>, vector<128x1xf32>
      tpu.vector_store %arg13[%swap3A_99, %swap3A_100], %broadcast_in_dim3A_98 {strides = array<i32>} : memref<128x1xf32, #tpu.memory_space<vmem>>, vector<128x1xf32>,
    } else {
    }
    %get3A = arith.constant 0 : index
    %get3A_2 = arith.constant 0 : index
    %get3A_3 = vector.load %arg4[%get3A, %get3A_2] : memref<1x4096xf32, #tpu.memory_space<vmem>>, vector<1x4096xf32>
    %get3A_4 = arith.constant 0 : index
    %get3A_5 = arith.constant 0 : index
    %get3A_6 = vector.load %arg1[%get3A_4, %get3A_5] : memref<4x4096xf32, #tpu.memory_space<vmem>>, vector<4x4096xf32>
    %slice3A = vector.extract_strided_slice %get3A_6 {offsets = [0, 0], sizes = [1, 4096], strides = [1, 1]} : vector<4x4096xf32> to vector<1x4096xf32>
    %slice3A_7 = vector.extract_strided_slice %get3A_6 {offsets = [2, 0], sizes = [1, 4096], strides = [1, 1]} : vector<4x4096xf32> to vector<1x4096xf32>
    %add3A = arith.addf %slice3A, %slice3A_7 : vector<1x4096xf32>
    %mul3A = arith.mulf %get3A_3, %add3A : vector<1x4096xf32>
    %get3A_8 = arith.constant 0 : index
    %get3A_9 = arith.constant 0 : index
    %get3A_10 = vector.load %arg2[%get3A_8, %get3A_9] : memref<1x4096xf32, #tpu.memory_space<vmem>>, vector<1x4096xf32>
    %mul3A_11 = arith.mulf %get3A_3, %get3A_10 : vector<1x4096xf32>
    %add3A_12 = arith.addf %mul3A, %mul3A_11 : vector<1x4096xf32>
    %slice3A_13 = vector.extract_strided_slice %get3A_6 {offsets = [1, 0], sizes = [1, 4096], strides = [1, 1]} : vector<4x4096xf32> to vector<1x4096xf32>
    %slice3A_14 = vector.extract_strided_slice %get3A_6 {offsets = [3, 0], sizes = [1, 4096], strides = [1, 1]} : vector<4x4096xf32> to vector<1x4096xf32>
    %add3A_15 = arith.addf %slice3A_13, %slice3A_14 : vector<1x4096xf32>
    %mul3A_16 = arith.mulf %get3A_3, %add3A_15 : vector<1x4096xf32>
    %get3A_17 = arith.constant 0 : index
    %get3A_18 = arith.constant 0 : index
    %get3A_19 = vector.load %arg3[%get3A_17, %get3A_18] : memref<1x4096xf32, #tpu.memory_space<vmem>>, vector<1x4096xf32>
    %mul3A_20 = arith.mulf %get3A_3, %get3A_19 : vector<1x4096xf32>
    %add3A_21 = arith.addf %mul3A_16, %mul3A_20 : vector<1x4096xf32>
    %get3A_22 = arith.constant 0 : index
    %get3A_23 = arith.constant 0 : index
    %get3A_24 = vector.load %arg6[%get3A_22, %get3A_23] : memref<50x1xf32, #tpu.memory_space<vmem>>, vector<50x1xf32>
    %get3A_25 = arith.constant 0 : index
    %get3A_26 = arith.constant 0 : index
    %get3A_27 = vector.load %arg7[%get3A_25, %get3A_26] : memref<50x50xf32, #tpu.memory_space<vmem>>, vector<50x50xf32>
    %max3A = arith.constant 0.000000e+00 : f32
    %max3A_28 = vector.broadcast %max3A : f32 to vector<50x1xf32>
    %max3A_29 = arith.maximumf %get3A_24, %max3A_28 : vector<50x1xf32>
    %dot_general3A = arith.constant dense<0.000000e+00> : vector<50x1xf32>
    %dot_general3A_30 = tpu.matmul %get3A_27, %max3A_29, %dot_general3A {dimension_numbers = #tpu.dot_dimension_numbers<[1], [0], [0], [1], [0, 0, 1, 1], [], []>, transpose_lhs_hint = false} : vector<50x50xf32>, vector<50x1xf32>, vector<50x1xf32> -> vector<50x1xf32>
    %get3A_31 = arith.constant 0 : index
    %get3A_32 = arith.constant 0 : index
    %get3A_33 = vector.load %arg7[%get3A_31, %get3A_32] : memref<50x50xf32, #tpu.memory_space<vmem>>, vector<50x50xf32>
    %neg3A = arith.constant 0.000000e+00 : f32
    %neg3A_34 = vector.broadcast %neg3A : f32 to vector<50x1xf32>
    %neg3A_35 = arith.subf %neg3A_34, %get3A_24 : vector<50x1xf32>
    %max3A_36 = arith.constant 0.000000e+00 : f32
    %max3A_37 = vector.broadcast %max3A_36 : f32 to vector<50x1xf32>
    %max3A_38 = arith.maximumf %neg3A_35, %max3A_37 : vector<50x1xf32>
    %dot_general3A_39 = arith.constant dense<0.000000e+00> : vector<50x1xf32>
    %dot_general3A_40 = tpu.matmul %get3A_33, %max3A_38, %dot_general3A_39 {dimension_numbers = #tpu.dot_dimension_numbers<[1], [0], [0], [1], [0, 0, 1, 1], [], []>, transpose_lhs_hint = false} : vector<50x50xf32>, vector<50x1xf32>, vector<50x1xf32> -> vector<50x1xf32>
    %mul3A_41 = vector.broadcast %dot_general3A_30 : vector<50x1xf32> to vector<50x4096xf32>
    %mul3A_42 = vector.broadcast %add3A_12 : vector<1x4096xf32> to vector<50x4096xf32>
    %mul3A_43 = arith.mulf %mul3A_41, %mul3A_42 : vector<50x4096xf32>
    %mul3A_44 = vector.broadcast %dot_general3A_40 : vector<50x1xf32> to vector<50x4096xf32>
    %mul3A_45 = vector.broadcast %add3A_21 : vector<1x4096xf32> to vector<50x4096xf32>
    %mul3A_46 = arith.mulf %mul3A_44, %mul3A_45 : vector<50x4096xf32>
    %add3A_47 = arith.addf %mul3A_43, %mul3A_46 : vector<50x4096xf32>
    %get3A_48 = arith.constant 0 : index
    %get3A_49 = arith.constant 0 : index
    %get3A_50 = vector.load %arg8[%get3A_48, %get3A_49] : memref<50x1xf32, #tpu.memory_space<vmem>>, vector<50x1xf32>
    %add3A_51 = vector.broadcast %get3A_50 : vector<50x1xf32> to vector<50x4096xf32>
    %add3A_52 = arith.addf %add3A_47, %add3A_51 : vector<50x4096xf32>
    %max3A_53 = arith.constant 0.000000e+00 : f32
    %max3A_54 = vector.broadcast %max3A_53 : f32 to vector<50x4096xf32>
    %max3A_55 = arith.maximumf %add3A_52, %max3A_54 : vector<50x4096xf32>
    %get3A_56 = arith.constant 0 : index
    %get3A_57 = arith.constant 0 : index
    %get3A_58 = vector.load %arg9[%get3A_56, %get3A_57] : memref<2x50xf32, #tpu.memory_space<vmem>>, vector<2x50xf32>
    %dot_general3A_59 = arith.constant dense<0.000000e+00> : vector<2x4096xf32>
    %dot_general3A_60 = tpu.matmul %get3A_58, %max3A_55, %dot_general3A_59 {dimension_numbers = #tpu.dot_dimension_numbers<[1], [0], [0], [1], [0, 0, 1, 1], [], []>, transpose_lhs_hint = false} : vector<2x50xf32>, vector<50x4096xf32>, vector<2x4096xf32> -> vector<2x4096xf32>
    %iota3A = tpu.iota {dimensions = array<i32: 0>} : vector<128x1xi32>
    %get3A_61 = arith.constant 0 : index
    %get3A_62 = arith.constant 0 : index
    %get3A_63 = vector.load %arg5[%get3A_61, %get3A_62] : memref<1x4096xi32, #tpu.memory_space<vmem>>, vector<1x4096xi32>
    %eq3A_64 = vector.broadcast %iota3A : vector<128x1xi32> to vector<128x4096xi32>
    %eq3A_65 = vector.broadcast %get3A_63 : vector<1x4096xi32> to vector<128x4096xi32>
    %eq3A_66 = arith.cmpi eq, %eq3A_64, %eq3A_65 : vector<128x4096xi32>
    %convert_element_type3A_67 = arith.extui %eq3A_66 : vector<128x4096xi1> to vector<128x4096xi32>
    %convert_element_type3A_68 = arith.sitofp %convert_element_type3A_67 : vector<128x4096xi32> to vector<128x4096xf32>
    %dot_general3A_69 = arith.constant dense<0.000000e+00> : vector<128x2xf32>
    %dot_general3A_70 = tpu.matmul %convert_element_type3A_68, %dot_general3A_60, %dot_general3A_69 {dimension_numbers = #tpu.dot_dimension_numbers<[1], [1], [0], [0], [0, 0, 1, 0], [], []>, transpose_lhs_hint = false} : vector<128x4096xf32>, vector<2x4096xf32>, vector<128x2xf32> -> vector<128x2xf32>
    %broadcast_in_dim3A = arith.constant 1.000000e+00 : f32
    %broadcast_in_dim3A_71 = vector.broadcast %broadcast_in_dim3A : f32 to vector<1x4096xf32>
    %dot_general3A_72 = arith.constant dense<0.000000e+00> : vector<128x1xf32>
    %dot_general3A_73 = tpu.matmul %convert_element_type3A_68, %broadcast_in_dim3A_71, %dot_general3A_72 {dimension_numbers = #tpu.dot_dimension_numbers<[1], [1], [0], [0], [0, 0, 1, 0], [], []>, transpose_lhs_hint = false} : vector<128x4096xf32>, vector<1x4096xf32>, vector<128x1xf32> -> vector<128x1xf32>
    %get3A_74 = arith.constant 0 : index
    %get3A_75 = arith.constant 0 : index
    %get3A_76 = vector.load %arg12[%get3A_74, %get3A_75] : memref<128x2xf32, #tpu.memory_space<vmem>>, vector<128x2xf32>
    %add3A_77 = arith.addf %get3A_76, %dot_general3A_70 : vector<128x2xf32>
    %swap3A = arith.constant 0 : index
    %swap3A_78 = arith.constant 0 : index
    %swap3A_79 = vector.load %arg12[%swap3A, %swap3A_78] : memref<128x2xf32, #tpu.memory_space<vmem>>, vector<128x2xf32>
    tpu.vector_store %arg12[%swap3A, %swap3A_78], %add3A_77 {strides = array<i32>} : memref<128x2xf32, #tpu.memory_space<vmem>>, vector<128x2xf32>,
    %get3A_80 = arith.constant 0 : index
    %get3A_81 = arith.constant 0 : index
    %get3A_82 = vector.load %arg13[%get3A_80, %get3A_81] : memref<128x1xf32, #tpu.memory_space<vmem>>, vector<128x1xf32>
    %add3A_83 = arith.addf %get3A_82, %dot_general3A_73 : vector<128x1xf32>
    %swap3A_84 = arith.constant 0 : index
    %swap3A_85 = arith.constant 0 : index
    %swap3A_86 = vector.load %arg13[%swap3A_84, %swap3A_85] : memref<128x1xf32, #tpu.memory_space<vmem>>, vector<128x1xf32>
    tpu.vector_store %arg13[%swap3A_84, %swap3A_85], %add3A_83 {strides = array<i32>} : memref<128x1xf32, #tpu.memory_space<vmem>>, vector<128x1xf32>,
    %eq3A_87 = arith.constant 24 : i32
    %eq3A_88 = arith.cmpi eq, %arg0, %eq3A_87 : i32
    %convert_element_type3A_89 = arith.extui %eq3A_88 : i1 to i32
    %cond3A_90 = arith.constant 0 : i32
    %cond3A_91 = arith.cmpi ne, %convert_element_type3A_89, %cond3A_90 : i32
    scf.if %cond3A_91 {
      %get3A_92 = arith.constant 0 : index
      %get3A_93 = arith.constant 0 : index
      %get3A_94 = vector.load %arg12[%get3A_92, %get3A_93] : memref<128x2xf32, #tpu.memory_space<vmem>>, vector<128x2xf32>
      %get3A_95 = arith.constant 0 : index
      %get3A_96 = arith.constant 0 : index
      %get3A_97 = vector.load %arg13[%get3A_95, %get3A_96] : memref<128x1xf32, #tpu.memory_space<vmem>>, vector<128x1xf32>
      %max3A_98 = arith.constant 1.000000e+00 : f32
      %max3A_99 = vector.broadcast %max3A_98 : f32 to vector<128x1xf32>
      %max3A_100 = arith.maximumf %get3A_97, %max3A_99 : vector<128x1xf32>
      %div3A = vector.broadcast %max3A_100 : vector<128x1xf32> to vector<128x2xf32>
      %div3A_101 = arith.divf %get3A_94, %div3A : vector<128x2xf32>
      %get3A_102 = arith.constant 0 : index
      %get3A_103 = arith.constant 0 : index
      %get3A_104 = vector.load %arg10[%get3A_102, %get3A_103] : memref<1x2xf32, #tpu.memory_space<vmem>>, vector<1x2xf32>
      %add3A_105 = vector.broadcast %get3A_104 : vector<1x2xf32> to vector<128x2xf32>
      %add3A_106 = arith.addf %div3A_101, %add3A_105 : vector<128x2xf32>
      %swap3A_107 = arith.constant 0 : index
      %swap3A_108 = arith.constant 0 : index
      %swap3A_109 = vector.load %arg11[%swap3A_107, %swap3A_108] : memref<128x2xf32, #tpu.memory_space<vmem>>, vector<128x2xf32>
      tpu.vector_store %arg11[%swap3A_107, %swap3A_108], %add3A_106 {strides = array<i32>} : memref<128x2xf32, #tpu.memory_space<vmem>>, vector<128x2xf32>,
    } else {
    }
    return
  }
  func.func @transform_0(%arg0: i32) -> (i32, i32) {
    %c0_i32 = arith.constant 0 : i32
    %c0_i32_0 = arith.constant 0 : i32
    return %c0_i32, %arg0 : i32, i32
  }
  func.func @transform_1(%arg0: i32) -> (i32, i32) {
    %c0_i32 = arith.constant 0 : i32
    %c0_i32_0 = arith.constant 0 : i32
    return %c0_i32, %arg0 : i32, i32
  }
  func.func @transform_2(%arg0: i32) -> (i32, i32) {
    %c0_i32 = arith.constant 0 : i32
    %c0_i32_0 = arith.constant 0 : i32
    return %c0_i32, %arg0 : i32, i32
  }
  func.func @transform_3(%arg0: i32) -> (i32, i32) {
    %c0_i32 = arith.constant 0 : i32
    %c0_i32_0 = arith.constant 0 : i32
    return %c0_i32, %arg0 : i32, i32
  }
  func.func @transform_4(%arg0: i32) -> (i32, i32) {
    %c0_i32 = arith.constant 0 : i32
    %c0_i32_0 = arith.constant 0 : i32
    return %c0_i32, %arg0 : i32, i32
  }
  func.func @transform_5(%arg0: i32) -> (i32, i32) {
    %c0_i32 = arith.constant 0 : i32
    %c0_i32_0 = arith.constant 0 : i32
    %c0_i32_1 = arith.constant 0 : i32
    return %c0_i32, %c0_i32_0 : i32, i32
  }
  func.func @transform_6(%arg0: i32) -> (i32, i32) {
    %c0_i32 = arith.constant 0 : i32
    %c0_i32_0 = arith.constant 0 : i32
    %c0_i32_1 = arith.constant 0 : i32
    return %c0_i32, %c0_i32_0 : i32, i32
  }
  func.func @transform_7(%arg0: i32) -> (i32, i32) {
    %c0_i32 = arith.constant 0 : i32
    %c0_i32_0 = arith.constant 0 : i32
    %c0_i32_1 = arith.constant 0 : i32
    return %c0_i32, %c0_i32_0 : i32, i32
  }
  func.func @transform_8(%arg0: i32) -> (i32, i32) {
    %c0_i32 = arith.constant 0 : i32
    %c0_i32_0 = arith.constant 0 : i32
    %c0_i32_1 = arith.constant 0 : i32
    return %c0_i32, %c0_i32_0 : i32, i32
  }
  func.func @transform_9(%arg0: i32) -> (i32, i32) {
    %c0_i32 = arith.constant 0 : i32
    %c0_i32_0 = arith.constant 0 : i32
    %c0_i32_1 = arith.constant 0 : i32
    return %c0_i32, %c0_i32_0 : i32, i32
  }
  func.func @transform_10(%arg0: i32) -> (i32, i32) {
    %c0_i32 = arith.constant 0 : i32
    %c0_i32_0 = arith.constant 0 : i32
    %c0_i32_1 = arith.constant 0 : i32
    return %c0_i32, %c0_i32_0 : i32, i32
  }
}

</mosaic_0001>

<sc_bundles>
// kernel: kernel.11.cloned.1.call-start
scs
__scs_entry_jumppad:
0x0: {  	(pc) =	sbr.rel $0x88, $3  }
0x1: {  	(tag) =	ssettag $0x0;
	lr =	simm.s32 $0x1  }
0x2: {  	[smem:$0x3F99] =	sst lr;
	_ =	strace $0xD0000000  }
0x3: {  	_ = 	snop  }
0x4: {  	_ = 	snop  }
0x5: {  	_ = 	snop  }
0x6: {  	_ = 	snop  }
0x7: {  	_ = 	snop  }
__scs_overlays_trampoline_lowered:
0x8: {  	[smem:$0x3FA8] =	sst s0  }
0x9: {  	[smem:$0x3FA9] =	sst s1  }
0xa: {  	[smem:$0x3FAA] =	sst s2  }
0xb: {  	[smem:$0x3FAB] =	sst s3  }
0xc: {  	[smem:$0x3FAC] =	sst s4  }
0xd: {  	[smem:$0x3FAD] =	sst s5  }
0xe: {  	[smem:$0x3FAE] =	sst s6  }
0xf: {  	[smem:$0x3FAF] =	sst s7  }
0x10: {  	[smem:$0x3FB0] =	sst s8  }
0x11: {  	[smem:$0x3FB1] =	sst s9;
	s0 =	simm.s32 @!p0 $0x0  }
0x12: {  	s1 =	sld [smem:$0x3F97];
	s0 =	simm.s32 @p0 $0x1  }
0x13: {  	[smem:$0x3FB2] =	sst s0;
	s0 =	simm.s32 @!p1 $0x0  }
0x14: {  	s2 =	sld [smem:$0x3F96];
	s0 =	simm.s32 @p1 $0x1  }
0x15: {  	[smem:$0x3FB3] =	sst s0;
	s0 =	simm.s32 @!p2 $0x0  }
0x16: {  	s3 =	sld [smem:$0x3FDB];
	s0 =	simm.s32 @p2 $0x1  }
0x17: {  	s4 =	simm.s32 $0x1BF5;
	[smem:$0x3FB5] =	sst s0  }
0x18: {  	s0 =	sld [smem:$0x3F98];
	_ =	swait.ge [sflag:s4], $0x0  }
0x19: {  	s7 =	sld [smem:$0x3F99]  }
0x1a: {  	s8 =	sadd.s32 $0xFFFFE003, lr  }
0x1b: {  	s9 =	sadd.s32 $0xFFFFFEF7, lr;
	s5 =	simm.s32 $0xFFFFFFFF;
	p2 =	slt.u32 s8, $0xFFFFF086  }
0x1c: {  	p1 =	slt.u32 s9, $0xF7A;
	s5 =	simm.s32 @!p2 $0x0  }
0x1d: {  	s5 =	simm.s32 @p1 $0x1;
	p0 =	seq.s32 s7, s2  }
0x1e: {  	s7 =	smul.u32 @!p0 $0xF7A, s2;
	p2 =	seq.s32 @!p0 s5, $0x0  }
0x1f: {  	s9 =	smul.u32 $0xF7A, s1;
	s8 =	simm.s32 @!p0 $0x1BF5;
	p2 =	por !p2, p0  }
0x20: {  	[sflag:s8] =	ssyncset.s32 @!p0 $0xFFFFF086;
	s6 =	sadd.s32 @!p0 s3, s7;
	s7 =	simm.s32 @!p0 $0x108  }
0x21: {  	s3 =	sadd.s32 s3, s9;
	s6 =	sadd.s32 @!p0 $0x88, s6;
	s7 =	simm.s32 @p2 $0x1082  }
0x22: {  	[simem:s7], [sflag:s8] =	dma.local @!p0 [hbm:s6], $0xF7A  }
0x23: {  	s9 =	sor.u32 $0xD0000000, s2;
	s6 =	simm.s32 $0x108;
	_ =	swait.ge @!p0 [sflag:s8], $0x0  }
0x24: {  	s3 =	sadd.s32 $0x88, s3;
	s6 =	simm.s32 @!p1 $0x1082;
	[sflag:s4] =	ssyncset.s32 $0xFFFFF086  }
0x25: {  	[simem:s6], [sflag:s4] =	dma.local [hbm:s3], $0xF7A  }
0x26: {  	[smem:$0x3F99] =	sst s1;
	(tag) =	ssettag s2;
	_ =	strace s9  }
0x27: {  	s1 =	sld [smem:$0x3FA9]  }
0x28: {  	s2 =	sld [smem:$0x3FAA]  }
0x29: {  	s4 =	sld [smem:$0x3FAC]  }
0x2a: {  	p0 =	seq.s32 s5, $0x0;
	s5 =	sld [smem:$0x3FAD]  }
0x2b: {  	s6 =	sld [smem:$0x3FAE]  }
0x2c: {  	s7 =	sld [smem:$0x3FAF]  }
0x2d: {  	s3 =	simm.s32 $0x108;
	s8 =	sld [smem:$0x3FB0]  }
0x2e: {  	s3 =	simm.s32 @!p0 $0x1082;
	s9 =	sld [smem:$0x3FB1]  }
0x2f: {  	lr =	sadd.s32 s0, s3;
	s0 =	sld [smem:$0x3FA8]  }
0x30: {  	s3 =	sld [smem:$0x3FAB]  }
0x31: {  	[smem:$0x3FB4] =	sst s10  }
0x32: {  	s10 =	sld [smem:$0x3FB2];
	_ =	sdelay $0x3  }
0x33: {  	p0 =	seq.s32 s10, $0x1;
	s10 =	sld [smem:$0x3FB4];
	_ =	sdelay $0x3  }
0x34: {  	[smem:$0x3FB4] =	sst s10  }
0x35: {  	s10 =	sld [smem:$0x3FB3];
	_ =	sdelay $0x3  }
0x36: {  	p1 =	seq.s32 s10, $0x1;
	s10 =	sld [smem:$0x3FB4];
	_ =	sdelay $0x3  }
0x37: {  	[smem:$0x3FB4] =	sst s10  }
0x38: {  	s10 =	sld [smem:$0x3FB5]  }
0x39: {  	_ = 	snop;
	(pc) =	sbr.ind lr, $3  }
0x3a: {  	_ = 	snop  }
0x3b: {  	_ = 	snop  }
0x3c: {  	p2 =	seq.s32 s10, $0x1;
	s10 =	sld [smem:$0x3FB4]  }
0x3d: {  	_ =	shalt  }
0x3e: {  	_ =	shalt  }
0x3f: {  	_ =	shalt  }
0x40: {  	_ =	shalt  }
0x41: {  	_ =	shalt  }
0x42: {  	_ =	shalt  }
0x43: {  	_ =	shalt  }
0x44: {  	_ =	shalt  }
0x45: {  	_ =	shalt  }
0x46: {  	_ =	shalt  }
0x47: {  	_ =	shalt  }
0x48: {  	_ =	shalt  }
0x49: {  	_ =	shalt  }
0x4a: {  	_ =	shalt  }
0x4b: {  	_ =	shalt  }
0x4c: {  	_ =	shalt  }
0x4d: {  	_ =	shalt  }
0x4e: {  	_ =	shalt  }
0x4f: {  	_ =	shalt  }
0x50: {  	_ =	shalt  }
0x51: {  	_ =	shalt  }
0x52: {  	_ =	shalt  }
0x53: {  	_ =	shalt  }
0x54: {  	_ =	shalt  }
0x55: {  	_ =	shalt  }
0x56: {  	_ =	shalt  }
0x57: {  	_ =	shalt  }
0x58: {  	_ =	shalt  }
0x59: {  	_ =	shalt  }
0x5a: {  	_ =	shalt  }
0x5b: {  	_ =	shalt  }
0x5c: {  	_ =	shalt  }
0x5d: {  	_ =	shalt  }
0x5e: {  	_ =	shalt  }
0x5f: {  	_ =	shalt  }
0x60: {  	_ =	shalt  }
0x61: {  	_ =	shalt  }
0x62: {  	_ =	shalt  }
0x63: {  	_ =	shalt  }
0x64: {  	_ =	shalt  }
0x65: {  	_ =	shalt  }
0x66: {  	_ =	shalt  }
0x67: {  	_ =	shalt  }
0x68: {  	_ =	shalt  }
0x69: {  	_ =	shalt  }
0x6a: {  	_ =	shalt  }
0x6b: {  	_ =	shalt  }
0x6c: {  	_ =	shalt  }
0x6d: {  	_ =	shalt  }
0x6e: {  	_ =	shalt  }
0x6f: {  	_ =	shalt  }
0x70: {  	_ =	shalt  }
0x71: {  	_ =	shalt  }
0x72: {  	_ =	shalt  }
0x73: {  	_ =	shalt  }
0x74: {  	_ =	shalt  }
0x75: {  	_ =	shalt  }
0x76: {  	_ =	shalt  }
0x77: {  	_ =	shalt  }
0x78: {  	_ =	shalt  }
0x79: {  	_ =	shalt  }
0x7a: {  	_ =	shalt  }
0x7b: {  	_ =	shalt  }
0x7c: {  	_ =	shalt  }
0x7d: {  	_ =	shalt  }
0x7e: {  	_ =	shalt  }
0x7f: {  	_ =	shalt  }
0x80: {  	_ =	shalt  }
0x81: {  	_ =	shalt  }
0x82: {  	_ =	shalt  }
0x83: {  	_ =	shalt  }
0x84: {  	_ =	shalt  }
0x85: {  	_ =	shalt  }
0x86: {  	_ =	shalt  }
0x87: {  	_ =	shalt  }
.Lfunc_end0:
.L_simem_size_0:
called_computation.1_lowered:
.L_overlay_start_0:
0x88: {  	s2 =	sld [smem:$0x3FD9]  }
0x89: {  	s3 =	sld [smem:$0x3FFE];
	_ =	sdelay $0x1  }
0x8a: {  	s1 =	srdreg.scid  }
0x8b: {  	s0 =	sand.u32 $0x1, s1  }
0x8c: {  	s16 =	sshll.u32 s0, $0xA;
	s2 =	sadd.s32 s3, s2  }
0x8d: {  	s2 =	sadd.s32 s2, s16  }
0x8e: {  	[smem:$0x3FC0] =	sst s2  }
0x8f: {  	_ = 	snop  }
0x90: {  	(tm) =	ssettm $0x1  }
0x91: {  	s17 =	sld [smem:$0x3FFB];
	_ =	sdelay $0x3  }
0x92: {  	_ =	strace s17  }
0x93: {  	s2 =	sld [smem:$0x3FFC];
	_ =	sdelay $0x3  }
0x94: {  	_ =	strace s2  }
0x95: {  	s2 =	sld [smem:$0x3FFD];
	_ =	sdelay $0x3  }
0x96: {  	_ =	strace s2  }
0x97: {  	_ =	strace $0x8FFFFFFF  }
0x98: {  	s18 =	sld [smem:$0x3FDB];
	_ =	sdelay $0x1  }
0x99: {  	s19 =	simm.s32 $_scs_section_size  }
0x9a: {  	s4 =	simm.s32 $_size__tile_overlayer_lowered;
	s5 =	simm.s32 $_tile_overlayer_lowered  }
0x9b: {  	s22 =	simm.s32 $0x1BFF;
	s21 =	sshll.u32 s5, $0x1;
	s2 =	sadd.s32 s19, s18  }
0x9c: {  	s6 =	simm.s32 $0x0;
	s20 =	sshll.u32 s4, $0x1;
	s4 =	sadd.s32 s21, s2  }
0x9d: {  	[timem:s6], [sflag:s22] =	dma.local [hbm:s4], s20  }
0x9e: {  	_ =	swait.ge [sflag:s22], s20  }
0x9f: {  	s3 =	ssub.s32 $0x0, s20;
	[sflag:s22] =	ssyncset.done $0x0  }
0xa0: {  	[sflag:s22] =	ssyncadd.s32 s3;
	_ =	sdelay $0x1  }
0xa1: {  	s23 =	simm.s32 $0x1B8B  }
0xa2: {  	_ =	swait.ge [sflag:s23], $0x1  }
0xa3: {  	[sflag:s23] =	ssyncset.done $0x0  }
0xa4: {  	s25 =	simm.s32 $0x1B8E;
	s24 =	sld [smem:$0x3FFE];
	[sflag:s23] =	ssyncadd.s32 $0xFFFFFFFF  }
0xa5: {  	s26 =	simm.s32 $execute0_lowered;
	[smem:$0x3FD2] =	sst s25  }
0xa6: {  	s4 =	sshll.u32 s26, $0x1;
	_ =	strace $0x80000049;
	[dreg:$0x1] =	wrdreg $0xFFFFFFFF  }
0xa7: {  	s28 =	simm.s32 $_size_execute0_lowered;
	s2 =	sadd.s32 s2, s4;
	[dreg:$0x0] =	wrdreg $0x0  }
0xa8: {  	s4 =	sshll.u32 s28, $0x1;
	[dreg:$0x2] =	wrdreg s2  }
0xa9: {  	[dreg:$0x3] =	wrdreg s4  }
0xaa: {  	[dreg:$0x4] =	wrdreg $0xC0  }
0xab: {  	_ =	task [dreg:s6], $0x5FFFF  }
0xac: {  	[dreg:$0x1] =	wrdreg $0xFFFFFFFF  }
0xad: {  	[dreg:$0x0] =	wrdreg $0x60  }
0xae: {  	[dreg:$0x2] =	wrdreg s24  }
0xaf: {  	[dreg:$0x3] =	wrdreg $0x19000  }
0xb0: {  	[dreg:$0x4] =	wrdreg $0x0  }
0xb1: {  	[dreg:$0x5] =	wrdreg $0x9  }
0xb2: {  	_ =	task.clear_ibuf [dreg:s6], $0x6FFFF;
	_ =	strace $0x90000049  }
0xb3: {  	s29 =	simm.s32 $0x9;
	_ =	strace $0x8000004B  }
0xb4: {  	_ =	swait.ge [sflag:s29], $0x1  }
0xb5: {  	[sflag:s29] =	ssyncadd.s32 $0xFFFFFFFF  }
0xb6: {  	_ =	strace $0x9000004B  }
0xb7: {  	_ =	sfence  }
0xb8: {  	s30 =	sld [smem:$0x0];
	_ =	sdelay $0x2  }
0xb9: {  	s31 =	sshll.u32 s1, $0xD;
	s1 =	sshrl.u32 s1, $0x2  }
0xba: {  	s3 =	sand.u32 $0x4000, s31;
	s1 =	sadd.s32 s1, s30  }
0xbb: {  	s0 =	sor.u32 s3, s0;
	s1 =	sshll.u32 s1, $0x11  }
0xbc: {  	s0 =	sor.u32 s1, s0  }
0xbd: {  	s0 =	sadd.s32 $0x8F2B, s0  }
0xbe: {  	[sflag:s0] =	ssyncadd.remote.s32 $0x1  }
0xbf: {  	_ =	sfence.sel $0xFFFF  }
0xc0: {  	[dreg:$0x0] =	wrdreg $0xFFFFFFFF;
	(pc) =	sbr.abs _section_cstart, $3  }
0xc1: {  	[dreg:$0x1] =	wrdreg $0xFFFFFFFF  }
0xc2: {  	_ =	task.clear_ibuf [dreg:s6], $0x2FFFF;
	_ =	strace $0x9FFFFFFF  }
0xc3: {  	(tm) =	ssettm $0x7FFFFFFF  }
tec
execute0_lowered:
.L_overlay_start_1:
0x0: {  	(tag) =	ssettag $0x1  }
0x1: {  	s0 =	rddreg [dreg:$0x0]  }
0x2: {  	s3 =	rddreg [dreg:$0x1]  }
0x3: {  	s2 =	rddreg [dreg:$0x2]  }
0x4: {  	s4 =	simm.s32 $0x0;
	s14 =	stileid.u32;
	s5 =	srdreg.scid  }
0x5: {  	p0 =	por $0x0, $0x0;
	[smem:$0x7FF] =	sst s4;
	s1 =	smul.u32 $0x1900, s14  }
0x6: {  	s6 =	sadd.s32 $0x3BA00, s0;
	s7 =	sadd.s32 $0x1400, s0;
	s5 =	sand.u32 $0x1, s5  }
0x7: {  	s9 =	sshll.u32 s14, $0x1;
	_ =	strace $0x8000004A;
	s10 =	ssub.s32 $0x2, s5  }
0x8: {  	s9 =	sor.u32 s5, s9;
	s5 =	sshll.u32 s5, $0x4;
	s8 =	sshrl.u32 s1, $0x3  }
0x9: {  	s11 =	sshrl.u32 s10, $0x1;
	s9 =	smul.u32 $0xC400, s9;
	s16 =	sadd.s32 s1, s3  }
0xa: {  	s1 =	sadd.s32 s1, s2;
	s8 =	sadd.s32 s8, s0;
	s0 =	sadd.s32 s5, s0  }
0xb: {  	s10 =	ssub.s32 s10, s11;
	s31 =	sshrl.u32 s16, $0x3;
	s12 =	sadd.s32 $0x35600, s8  }
0xc: {  	s16 =	simm.s32 $0x2;
	s13 =	sadd.s32 $0x32400, s8;
	[dreg:$0x4] =	wrdreg s12  }
0xd: {  	s15 =	sshrl.u32 s9, $0x3;
	s0 =	sadd.s32 $0x6CA00, s0;
	[dreg:$0x5] =	wrdreg s13  }
0xe: {  	s17 =	sadd.s32 s6, s15;
	s18 =	sadd.s32 s7, s15;
	s19 =	sadd.s32 $0x380, s15  }
0xf: {  	s12 =	sshll.u32 s14, $0x6;
	s13 =	sadd.s32 $0x700, s15;
	s23 =	sadd.s32 $0xA80, s15  }
0x10: {  	s25 =	sadd.s32 $0xE00, s15;
	s26 =	sadd.s32 $0x1180, s15;
	s8 =	sadd.s32 $0x1500, s15  }
0x11: {  	s14 =	smul.u32 $0x640, s14;
	s15 =	smax.u32 s10, $0x1;
	[dreg:$0x6] =	wrdreg s17  }
0x12: {  	s10 =	simm.s32 $0x6A00;
	[dreg:$0x7] =	wrdreg s18;
	s20 =	sadd.s32 s6, s19  }
0x13: {  	s11 =	sadd.s32 s7, s19;
	s5 =	sor.u32 $0x1C05, s12;
	s21 =	sadd.s32 s6, s13  }
0x14: {  	s22 =	sadd.s32 s7, s13;
	s24 =	sadd.s32 s6, s23;
	s30 =	sadd.s32 s7, s23  }
0x15: {  	s28 =	sadd.s32 s6, s25;
	s29 =	sadd.s32 s7, s25;
	s18 =	sadd.s32 s6, s8  }
0x16: {  	s19 =	sadd.s32 s7, s8;
	s12 =	simm.s32 $0x3200;
	[dreg:$0x8] =	wrdreg s20  }
0x17: {  	s8 =	simm.s32 $0x1;
	s13 =	simm.s32 $0xBE00;
	[dreg:$0x9] =	wrdreg s11  }
0x18: {  	s23 =	simm.s32 $0x4E00;
	p1 =	sne.s32 s15, $0x1;
	[dreg:$0xa] =	wrdreg s21  }
0x19: {  	s25 =	simm.s32 $0xA200;
	s17 =	simm.s32 $0x10;
	[dreg:$0xb] =	wrdreg s22  }
.Ltmp0:
0x1a: {  	[dreg:$0xc] =	wrdreg s24;
	s21 =	sadd.s32 s6, s26;
	(pc) =	sbr.rel @!p1 .LBB2_3-.Ltmp0, $4  }
0x1b: {  	s22 =	sadd.s32 s7, s26;
	s6 =	simm.s32 $0x5;
	s7 =	sshrl.u32 s1, $0x3  }
0x1c: {  	s11 =	simm.s32 $0x1C00;
	s26 =	simm.s32 $0x8600;
	s9 =	sadd.s32 s14, s0  }
0x1d: {  	s0 =	sadd.s32 $0xFFFFFFFF, s15;
	s24 =	simm.s32 $0xDA00;
	s14 =	simm.s32 $0x3  }
0x1e: {  	s20 =	simm.s32 $0x4;
	s15 =	simm.s32 $0x20;
	s1 =	rddreg [dreg:$0x4]  }
0x1f: {  	[spmem:s31], [sflag:s5] =	dma.local [hbm:s1], $0x320  }
0x20: {  	_ =	swait.ge [sflag:s6], $0x320  }
0x21: {  	[sflag:s6] =	ssyncset.done $0x0  }
0x22: {  	s1 =	rddreg [dreg:$0x5];
	[sflag:s6] =	ssyncadd.s32 $0xFFFFFCE0  }
0x23: {  	[spmem:s7], [sflag:s5] =	dma.local [hbm:s1], $0x320  }
0x24: {  	_ =	swait.ge [sflag:s6], $0x320  }
0x25: {  	[sflag:s6] =	ssyncset.done $0x0  }
0x26: {  	[sflag:s6] =	ssyncadd.s32 $0xFFFFFCE0  }
0x27: {  	[bflag:$0x0] =	sbarrier.arrive $0xFFFF  }
0x28: {  	s1 =	rddreg [dreg:$0x6]  }
0x29: {  	[dreg:$0xd] =	wrdreg s0  }
0x2a: {  	[tilespmem:s12], [sflag:$0x1] =	stream.linear.gather [hbm4b:s1+s4], $0x1C00, $0x38;
	[tilespmem:$0xF600] =	vst v63  }
0x2b: {  	s0 =	rddreg [dreg:$0x7]  }
0x2c: {  	[tilespmem:s10], [sflag:$0x1] =	stream.linear.gather [hbm4b:s0+s4], $0x1C00, $0x38;
	[tilespmem:$0xF600] =	vst v63  }
0x2d: {  	_ =	swait.ge [sflag:s8], $0x1C00  }
0x2e: {  	[sflag:s8] =	ssyncset.done $0x0  }
0x2f: {  	[sflag:s8] =	ssyncadd.s32 $0xFFFFE400  }
0x30: {  	_ =	swait.ge [sflag:s8], $0x1C00  }
0x31: {  	[sflag:s8] =	ssyncset.done $0x0  }
0x32: {  	[sflag:s8] =	ssyncadd.s32 $0xFFFFE400  }
0x33: {  	[tilespmem:s13], [sflag:$0x2] =	stream.indirect.gather [spmem:s3], $0x1, s12, s11, $0xb8;
	[tilespmem:$0xF600] =	vst v63  }
0x34: {  	s0 =	rddreg [dreg:$0x8]  }
0x35: {  	[tilespmem:s23], [sflag:$0x1] =	stream.linear.gather [hbm4b:s0+s4], $0x1C00, $0x38;
	[tilespmem:$0xF600] =	vst v63  }
0x36: {  	s1 =	rddreg [dreg:$0x9]  }
0x37: {  	[tilespmem:s26], [sflag:$0x1] =	stream.linear.gather [hbm4b:s1+s4], $0x1C00, $0x38;
	[tilespmem:$0xF600] =	vst v63  }
0x38: {  	_ =	swait.ge [sflag:s16], $0x1C00  }
0x39: {  	[sflag:s16] =	ssyncset.done $0x0  }
0x3a: {  	[sflag:s16] =	ssyncadd.s32 $0xFFFFE400  }
0x3b: {  	[spmem:s2] =	stream.indirect.scatter.add.f32 [tilespmem:s13], [sflag:$0x3], $0x1, s10, s11, $0xb8;
	[tilespmem:$0xF600] =	vst v63  }
0x3c: {  	_ =	swait.ge [sflag:s8], $0x1C00  }
0x3d: {  	[sflag:s8] =	ssyncset.done $0x0  }
0x3e: {  	[sflag:s8] =	ssyncadd.s32 $0xFFFFE400  }
0x3f: {  	_ =	swait.ge [sflag:s8], $0x1C00  }
0x40: {  	[sflag:s8] =	ssyncset.done $0x0  }
0x41: {  	[sflag:s8] =	ssyncadd.s32 $0xFFFFE400  }
0x42: {  	[tilespmem:s24], [sflag:$0x2] =	stream.indirect.gather [spmem:s3], $0x1, s23, s11, $0xb8;
	[tilespmem:$0xF600] =	vst v63  }
0x43: {  	s0 =	rddreg [dreg:$0xa]  }
0x44: {  	[tilespmem:s12], [sflag:$0x1] =	stream.linear.gather [hbm4b:s0+s4], $0x1C00, $0x38;
	[tilespmem:$0xF600] =	vst v63  }
0x45: {  	s1 =	rddreg [dreg:$0xb]  }
0x46: {  	[tilespmem:s25], [sflag:$0x1] =	stream.linear.gather [hbm4b:s1+s4], $0x1C00, $0x38;
	[tilespmem:$0xF600] =	vst v63  }
0x47: {  	_ =	swait.ge [sflag:s16], $0x1C00  }
0x48: {  	[sflag:s16] =	ssyncset.done $0x0  }
0x49: {  	[sflag:s16] =	ssyncadd.s32 $0xFFFFE400  }
0x4a: {  	[spmem:s2] =	stream.indirect.scatter.add.f32 [tilespmem:s24], [sflag:$0x4], $0x1, s26, s11, $0xb8;
	[tilespmem:$0xF600] =	vst v63  }
0x4b: {  	_ =	swait.ge [sflag:s8], $0x1C00  }
0x4c: {  	[sflag:s8] =	ssyncset.done $0x0  }
0x4d: {  	[sflag:s8] =	ssyncadd.s32 $0xFFFFE400  }
0x4e: {  	_ =	swait.ge [sflag:s8], $0x1C00  }
0x4f: {  	[sflag:s8] =	ssyncset.done $0x0  }
0x50: {  	[sflag:s8] =	ssyncadd.s32 $0xFFFFE400  }
0x51: {  	_ =	swait.ge [sflag:s14], $0x1C00  }
0x52: {  	[sflag:s14] =	ssyncset.done $0x0  }
0x53: {  	[sflag:s14] =	ssyncadd.s32 $0xFFFFE400  }
0x54: {  	[tilespmem:s13], [sflag:$0x2] =	stream.indirect.gather [spmem:s3], $0x1, s12, s11, $0xb8;
	[tilespmem:$0xF600] =	vst v63  }
0x55: {  	s1 =	rddreg [dreg:$0xc]  }
0x56: {  	[tilespmem:s23], [sflag:$0x1] =	stream.linear.gather [hbm4b:s1+s4], $0x1C00, $0x38;
	[tilespmem:$0xF600] =	vst v63  }
0x57: {  	_ = 	snop  }
0x58: {  	[tilespmem:s10], [sflag:$0x1] =	stream.linear.gather [hbm4b:s30+s4], $0x1C00, $0x38;
	[tilespmem:$0xF600] =	vst v63  }
0x59: {  	_ =	swait.ge [sflag:s16], $0x1C00  }
0x5a: {  	[sflag:s16] =	ssyncset.done $0x0  }
0x5b: {  	[sflag:s16] =	ssyncadd.s32 $0xFFFFE400  }
0x5c: {  	[spmem:s2] =	stream.indirect.scatter.add.f32 [tilespmem:s13], [sflag:$0x3], $0x1, s25, s11, $0xb8;
	[tilespmem:$0xF600] =	vst v63  }
0x5d: {  	_ =	swait.ge [sflag:s8], $0x1C00  }
0x5e: {  	[sflag:s8] =	ssyncset.done $0x0  }
0x5f: {  	[sflag:s8] =	ssyncadd.s32 $0xFFFFE400  }
0x60: {  	_ =	swait.ge [sflag:s8], $0x1C00  }
0x61: {  	[sflag:s8] =	ssyncset.done $0x0  }
0x62: {  	[sflag:s8] =	ssyncadd.s32 $0xFFFFE400  }
0x63: {  	_ =	swait.ge [sflag:s20], $0x1C00  }
0x64: {  	[sflag:s20] =	ssyncset.done $0x0  }
0x65: {  	[sflag:s20] =	ssyncadd.s32 $0xFFFFE400  }
0x66: {  	[tilespmem:s24], [sflag:$0x2] =	stream.indirect.gather [spmem:s3], $0x1, s23, s11, $0xb8;
	[tilespmem:$0xF600] =	vst v63  }
0x67: {  	_ = 	snop  }
0x68: {  	[tilespmem:s12], [sflag:$0x1] =	stream.linear.gather [hbm4b:s28+s4], $0x1C00, $0x38;
	[tilespmem:$0xF600] =	vst v63  }
0x69: {  	_ = 	snop  }
0x6a: {  	[tilespmem:s26], [sflag:$0x1] =	stream.linear.gather [hbm4b:s29+s4], $0x1C00, $0x38;
	[tilespmem:$0xF600] =	vst v63  }
0x6b: {  	_ =	swait.ge [sflag:s16], $0x1C00  }
0x6c: {  	[sflag:s16] =	ssyncset.done $0x0  }
0x6d: {  	[sflag:s16] =	ssyncadd.s32 $0xFFFFE400  }
0x6e: {  	[spmem:s2] =	stream.indirect.scatter.add.f32 [tilespmem:s24], [sflag:$0x4], $0x1, s10, s11, $0xb8;
	[tilespmem:$0xF600] =	vst v63  }
0x6f: {  	_ =	swait.ge [sflag:s8], $0x1C00  }
0x70: {  	[sflag:s8] =	ssyncset.done $0x0  }
0x71: {  	[sflag:s8] =	ssyncadd.s32 $0xFFFFE400  }
0x72: {  	_ =	swait.ge [sflag:s8], $0x1C00  }
0x73: {  	[sflag:s8] =	ssyncset.done $0x0  }
0x74: {  	[sflag:s8] =	ssyncadd.s32 $0xFFFFE400  }
0x75: {  	_ =	swait.ge [sflag:s14], $0x1C00  }
0x76: {  	[sflag:s14] =	ssyncset.done $0x0  }
0x77: {  	[sflag:s14] =	ssyncadd.s32 $0xFFFFE400  }
0x78: {  	[tilespmem:s13], [sflag:$0x2] =	stream.indirect.gather [spmem:s3], $0x1, s12, s11, $0xb8;
	[tilespmem:$0xF600] =	vst v63  }
0x79: {  	_ = 	snop  }
0x7a: {  	[tilespmem:s23], [sflag:$0x1] =	stream.linear.gather [hbm4b:s21+s4], $0x1C00, $0x38;
	[tilespmem:$0xF600] =	vst v63  }
0x7b: {  	_ = 	snop  }
0x7c: {  	[tilespmem:s25], [sflag:$0x1] =	stream.linear.gather [hbm4b:s22+s4], $0x1C00, $0x38;
	[tilespmem:$0xF600] =	vst v63  }
0x7d: {  	_ =	swait.ge [sflag:s16], $0x1C00  }
0x7e: {  	[sflag:s16] =	ssyncset.done $0x0  }
0x7f: {  	[sflag:s16] =	ssyncadd.s32 $0xFFFFE400  }
0x80: {  	[spmem:s2] =	stream.indirect.scatter.add.f32 [tilespmem:s13], [sflag:$0x3], $0x1, s26, s11, $0xb8;
	[tilespmem:$0xF600] =	vst v63  }
0x81: {  	_ =	swait.ge [sflag:s8], $0x1C00  }
0x82: {  	[sflag:s8] =	ssyncset.done $0x0  }
0x83: {  	[sflag:s8] =	ssyncadd.s32 $0xFFFFE400  }
0x84: {  	_ =	swait.ge [sflag:s8], $0x1C00  }
0x85: {  	[sflag:s8] =	ssyncset.done $0x0  }
0x86: {  	[sflag:s8] =	ssyncadd.s32 $0xFFFFE400  }
0x87: {  	_ =	swait.ge [sflag:s20], $0x1C00  }
0x88: {  	[sflag:s20] =	ssyncset.done $0x0  }
0x89: {  	[sflag:s20] =	ssyncadd.s32 $0xFFFFE400  }
0x8a: {  	[tilespmem:s24], [sflag:$0x2] =	stream.indirect.gather [spmem:s3], $0x1, s23, s11, $0xb8;
	[tilespmem:$0xF600] =	vst v63  }
0x8b: {  	_ = 	snop  }
0x8c: {  	[tilespmem:s12], [sflag:$0x1] =	stream.linear.gather [hbm4b:s18+s4], $0x1C00, $0x38;
	[tilespmem:$0xF600] =	vst v63  }
0x8d: {  	_ = 	snop  }
0x8e: {  	[tilespmem:s10], [sflag:$0x1] =	stream.linear.gather [hbm4b:s19+s4], $0x1C00, $0x38;
	[tilespmem:$0xF600] =	vst v63  }
0x8f: {  	_ =	swait.ge [sflag:s16], $0x1C00  }
0x90: {  	[sflag:s16] =	ssyncset.done $0x0  }
0x91: {  	[sflag:s16] =	ssyncadd.s32 $0xFFFFE400  }
0x92: {  	[spmem:s2] =	stream.indirect.scatter.add.f32 [tilespmem:s24], [sflag:$0x4], $0x1, s25, s11, $0xb8;
	[tilespmem:$0xF600] =	vst v63  }
0x93: {  	_ =	swait.ge [sflag:s8], $0x1C00  }
0x94: {  	[sflag:s8] =	ssyncset.done $0x0  }
0x95: {  	[sflag:s8] =	ssyncadd.s32 $0xFFFFE400  }
0x96: {  	_ =	swait.ge [sflag:s8], $0x1C00  }
0x97: {  	[sflag:s8] =	ssyncset.done $0x0  }
0x98: {  	[sflag:s8] =	ssyncadd.s32 $0xFFFFE400  }
0x99: {  	_ =	swait.ge [sflag:s14], $0x1C00  }
0x9a: {  	[sflag:s14] =	ssyncset.done $0x0  }
0x9b: {  	[sflag:s14] =	ssyncadd.s32 $0xFFFFE400  }
0x9c: {  	[tilespmem:s13], [sflag:$0x2] =	stream.indirect.gather [spmem:s3], $0x1, s12, s11, $0xb8;
	[tilespmem:$0xF600] =	vst v63  }
0x9d: {  	_ =	swait.ge [sflag:s16], $0x1C00  }
0x9e: {  	[sflag:s16] =	ssyncset.done $0x0  }
0x9f: {  	[sflag:s16] =	ssyncadd.s32 $0xFFFFE400  }
0xa0: {  	[spmem:s2] =	stream.indirect.scatter.add.f32 [tilespmem:s13], [sflag:$0x3], $0x1, s10, s11, $0xb8;
	[tilespmem:$0xF600] =	vst v63  }
0xa1: {  	_ =	swait.ge [sflag:s20], $0x1C00  }
0xa2: {  	[sflag:s20] =	ssyncset.done $0x0  }
0xa3: {  	[sflag:s20] =	ssyncadd.s32 $0xFFFFE400  }
0xa4: {  	_ =	swait.ge [sflag:s14], $0x1C00  }
0xa5: {  	[sflag:s14] =	ssyncset.done $0x0  }
0xa6: {  	[sflag:s14] =	ssyncadd.s32 $0xFFFFE400  }
0xa7: {  	[bflag:$0x0] =	sbarrier.arrive $0xFFFF  }
0xa8: {  	[hbm:s9@s15], [sflag:s5] =	dma.strided [spmem:s7@s17], $0x320, s8, $0x10   }
0xa9: {  	s1 =	rddreg [dreg:$0xd]  }
0xaa: {  	p1 =	sne.s32 s1, $0x1  }
.Ltmp1:
0xab: {  	_ = 	snop;
	(pc) =	sbr.rel @!p1 .LBB2_3-.Ltmp1, $3  }
0xac: {  	_ =	sdelay $0x1  }
0xad: {  	p0 =	por $0x1, $0x1;
	_ =	swait.ge [sflag:s6], $0x320  }
0xae: {  	s0 =	sadd.s32 $0xFFFFFFFF, s1;
	s1 =	rddreg [dreg:$0x4];
	[sflag:s6] =	ssyncset.done $0x0  }
.LBB2_2:
0xaf: {  	[sflag:s6] =	ssyncadd.s32 $0xFFFFFCE0  }
0xb0: {  	[spmem:s31], [sflag:s5] =	dma.local [hbm:s1], $0x320  }
0xb1: {  	_ =	swait.ge [sflag:s6], $0x320  }
0xb2: {  	[sflag:s6] =	ssyncset.done $0x0  }
0xb3: {  	s15 =	rddreg [dreg:$0x5];
	[sflag:s6] =	ssyncadd.s32 $0xFFFFFCE0  }
0xb4: {  	[spmem:s7], [sflag:s5] =	dma.local [hbm:s15], $0x320  }
0xb5: {  	_ =	swait.ge [sflag:s6], $0x320  }
0xb6: {  	[sflag:s6] =	ssyncset.done $0x0  }
0xb7: {  	[sflag:s6] =	ssyncadd.s32 $0xFFFFFCE0  }
0xb8: {  	[bflag:$0x0] =	sbarrier.arrive $0xFFFF  }
0xb9: {  	s1 =	rddreg [dreg:$0x6]  }
0xba: {  	[tilespmem:s12], [sflag:$0x1] =	stream.linear.gather [hbm4b:s1+s4], $0x1C00, $0x38;
	[tilespmem:$0xF600] =	vst v63  }
0xbb: {  	s15 =	rddreg [dreg:$0x7]  }
0xbc: {  	[tilespmem:s10], [sflag:$0x1] =	stream.linear.gather [hbm4b:s15+s4], $0x1C00, $0x38;
	[tilespmem:$0xF600] =	vst v63  }
0xbd: {  	_ =	swait.ge [sflag:s8], $0x1C00  }
0xbe: {  	[sflag:s8] =	ssyncset.done $0x0  }
0xbf: {  	[sflag:s8] =	ssyncadd.s32 $0xFFFFE400  }
0xc0: {  	_ =	swait.ge [sflag:s8], $0x1C00  }
0xc1: {  	[sflag:s8] =	ssyncset.done $0x0  }
0xc2: {  	[sflag:s8] =	ssyncadd.s32 $0xFFFFE400  }
0xc3: {  	[tilespmem:s13], [sflag:$0x2] =	stream.indirect.gather [spmem:s3], $0x1, s12, s11, $0xb8;
	[tilespmem:$0xF600] =	vst v63  }
0xc4: {  	s1 =	rddreg [dreg:$0x8]  }
0xc5: {  	[tilespmem:s23], [sflag:$0x1] =	stream.linear.gather [hbm4b:s1+s4], $0x1C00, $0x38;
	[tilespmem:$0xF600] =	vst v63  }
0xc6: {  	s15 =	rddreg [dreg:$0x9]  }
0xc7: {  	[tilespmem:s26], [sflag:$0x1] =	stream.linear.gather [hbm4b:s15+s4], $0x1C00, $0x38;
	[tilespmem:$0xF600] =	vst v63  }
0xc8: {  	_ =	swait.ge [sflag:s16], $0x1C00  }
0xc9: {  	[sflag:s16] =	ssyncset.done $0x0  }
0xca: {  	[sflag:s16] =	ssyncadd.s32 $0xFFFFE400  }
0xcb: {  	[spmem:s2] =	stream.indirect.scatter.add.f32 [tilespmem:s13], [sflag:$0x3], $0x1, s10, s11, $0xb8;
	[tilespmem:$0xF600] =	vst v63  }
0xcc: {  	_ =	swait.ge [sflag:s8], $0x1C00  }
0xcd: {  	[sflag:s8] =	ssyncset.done $0x0  }
0xce: {  	[sflag:s8] =	ssyncadd.s32 $0xFFFFE400  }
0xcf: {  	_ =	swait.ge [sflag:s8], $0x1C00  }
0xd0: {  	[sflag:s8] =	ssyncset.done $0x0  }
0xd1: {  	[sflag:s8] =	ssyncadd.s32 $0xFFFFE400  }
0xd2: {  	[tilespmem:s24], [sflag:$0x2] =	stream.indirect.gather [spmem:s3], $0x1, s23, s11, $0xb8;
	[tilespmem:$0xF600] =	vst v63  }
0xd3: {  	s1 =	rddreg [dreg:$0xa]  }
0xd4: {  	[tilespmem:s12], [sflag:$0x1] =	stream.linear.gather [hbm4b:s1+s4], $0x1C00, $0x38;
	[tilespmem:$0xF600] =	vst v63  }
0xd5: {  	s15 =	rddreg [dreg:$0xb]  }
0xd6: {  	[tilespmem:s25], [sflag:$0x1] =	stream.linear.gather [hbm4b:s15+s4], $0x1C00, $0x38;
	[tilespmem:$0xF600] =	vst v63  }
0xd7: {  	_ =	swait.ge [sflag:s16], $0x1C00  }
0xd8: {  	[sflag:s16] =	ssyncset.done $0x0  }
0xd9: {  	[sflag:s16] =	ssyncadd.s32 $0xFFFFE400  }
0xda: {  	[spmem:s2] =	stream.indirect.scatter.add.f32 [tilespmem:s24], [sflag:$0x4], $0x1, s26, s11, $0xb8;
	[tilespmem:$0xF600] =	vst v63  }
0xdb: {  	_ =	swait.ge [sflag:s8], $0x1C00  }
0xdc: {  	[sflag:s8] =	ssyncset.done $0x0  }
0xdd: {  	[sflag:s8] =	ssyncadd.s32 $0xFFFFE400  }
0xde: {  	_ =	swait.ge [sflag:s8], $0x1C00  }
0xdf: {  	[sflag:s8] =	ssyncset.done $0x0  }
0xe0: {  	[sflag:s8] =	ssyncadd.s32 $0xFFFFE400  }
0xe1: {  	_ =	swait.ge [sflag:s14], $0x1C00  }
0xe2: {  	[sflag:s14] =	ssyncset.done $0x0  }
0xe3: {  	[sflag:s14] =	ssyncadd.s32 $0xFFFFE400  }
0xe4: {  	[tilespmem:s13], [sflag:$0x2] =	stream.indirect.gather [spmem:s3], $0x1, s12, s11, $0xb8;
	[tilespmem:$0xF600] =	vst v63  }
0xe5: {  	s1 =	rddreg [dreg:$0xc]  }
0xe6: {  	[tilespmem:s23], [sflag:$0x1] =	stream.linear.gather [hbm4b:s1+s4], $0x1C00, $0x38;
	[tilespmem:$0xF600] =	vst v63  }
0xe7: {  	_ = 	snop  }
0xe8: {  	[tilespmem:s10], [sflag:$0x1] =	stream.linear.gather [hbm4b:s30+s4], $0x1C00, $0x38;
	[tilespmem:$0xF600] =	vst v63  }
0xe9: {  	_ =	swait.ge [sflag:s16], $0x1C00  }
0xea: {  	[sflag:s16] =	ssyncset.done $0x0  }
0xeb: {  	[sflag:s16] =	ssyncadd.s32 $0xFFFFE400  }
0xec: {  	[spmem:s2] =	stream.indirect.scatter.add.f32 [tilespmem:s13], [sflag:$0x3], $0x1, s25, s11, $0xb8;
	[tilespmem:$0xF600] =	vst v63  }
0xed: {  	_ =	swait.ge [sflag:s8], $0x1C00  }
0xee: {  	[sflag:s8] =	ssyncset.done $0x0  }
0xef: {  	[sflag:s8] =	ssyncadd.s32 $0xFFFFE400  }
0xf0: {  	_ =	swait.ge [sflag:s8], $0x1C00  }
0xf1: {  	[sflag:s8] =	ssyncset.done $0x0  }
0xf2: {  	[sflag:s8] =	ssyncadd.s32 $0xFFFFE400  }
0xf3: {  	_ =	swait.ge [sflag:s20], $0x1C00  }
0xf4: {  	[sflag:s20] =	ssyncset.done $0x0  }
0xf5: {  	[sflag:s20] =	ssyncadd.s32 $0xFFFFE400  }
0xf6: {  	[tilespmem:s24], [sflag:$0x2] =	stream.indirect.gather [spmem:s3], $0x1, s23, s11, $0xb8;
	[tilespmem:$0xF600] =	vst v63  }
0xf7: {  	_ = 	snop  }
0xf8: {  	[tilespmem:s12], [sflag:$0x1] =	stream.linear.gather [hbm4b:s28+s4], $0x1C00, $0x38;
	[tilespmem:$0xF600] =	vst v63  }
0xf9: {  	_ = 	snop  }
0xfa: {  	[tilespmem:s26], [sflag:$0x1] =	stream.linear.gather [hbm4b:s29+s4], $0x1C00, $0x38;
	[tilespmem:$0xF600] =	vst v63  }
0xfb: {  	_ =	swait.ge [sflag:s16], $0x1C00  }
0xfc: {  	[sflag:s16] =	ssyncset.done $0x0  }
0xfd: {  	[sflag:s16] =	ssyncadd.s32 $0xFFFFE400  }
0xfe: {  	[spmem:s2] =	stream.indirect.scatter.add.f32 [tilespmem:s24], [sflag:$0x4], $0x1, s10, s11, $0xb8;
	[tilespmem:$0xF600] =	vst v63  }
0xff: {  	_ =	swait.ge [sflag:s8], $0x1C00  }
0x100: {  	[sflag:s8] =	ssyncset.done $0x0  }
0x101: {  	[sflag:s8] =	ssyncadd.s32 $0xFFFFE400  }
0x102: {  	_ =	swait.ge [sflag:s8], $0x1C00  }
0x103: {  	[sflag:s8] =	ssyncset.done $0x0  }
0x104: {  	[sflag:s8] =	ssyncadd.s32 $0xFFFFE400  }
0x105: {  	_ =	swait.ge [sflag:s14], $0x1C00  }
0x106: {  	[sflag:s14] =	ssyncset.done $0x0  }
0x107: {  	[sflag:s14] =	ssyncadd.s32 $0xFFFFE400  }
0x108: {  	[tilespmem:s13], [sflag:$0x2] =	stream.indirect.gather [spmem:s3], $0x1, s12, s11, $0xb8;
	[tilespmem:$0xF600] =	vst v63  }
0x109: {  	_ = 	snop  }
0x10a: {  	[tilespmem:s23], [sflag:$0x1] =	stream.linear.gather [hbm4b:s21+s4], $0x1C00, $0x38;
	[tilespmem:$0xF600] =	vst v63  }
0x10b: {  	_ = 	snop  }
0x10c: {  	[tilespmem:s25], [sflag:$0x1] =	stream.linear.gather [hbm4b:s22+s4], $0x1C00, $0x38;
	[tilespmem:$0xF600] =	vst v63  }
0x10d: {  	_ =	swait.ge [sflag:s16], $0x1C00  }
0x10e: {  	[sflag:s16] =	ssyncset.done $0x0  }
0x10f: {  	[sflag:s16] =	ssyncadd.s32 $0xFFFFE400  }
0x110: {  	[spmem:s2] =	stream.indirect.scatter.add.f32 [tilespmem:s13], [sflag:$0x3], $0x1, s26, s11, $0xb8;
	[tilespmem:$0xF600] =	vst v63  }
0x111: {  	_ =	swait.ge [sflag:s8], $0x1C00  }
0x112: {  	[sflag:s8] =	ssyncset.done $0x0  }
0x113: {  	[sflag:s8] =	ssyncadd.s32 $0xFFFFE400  }
0x114: {  	_ =	swait.ge [sflag:s8], $0x1C00  }
0x115: {  	[sflag:s8] =	ssyncset.done $0x0  }
0x116: {  	[sflag:s8] =	ssyncadd.s32 $0xFFFFE400  }
0x117: {  	_ =	swait.ge [sflag:s20], $0x1C00  }
0x118: {  	[sflag:s20] =	ssyncset.done $0x0  }
0x119: {  	[sflag:s20] =	ssyncadd.s32 $0xFFFFE400  }
0x11a: {  	[tilespmem:s24], [sflag:$0x2] =	stream.indirect.gather [spmem:s3], $0x1, s23, s11, $0xb8;
	[tilespmem:$0xF600] =	vst v63  }
0x11b: {  	_ = 	snop  }
0x11c: {  	[tilespmem:s12], [sflag:$0x1] =	stream.linear.gather [hbm4b:s18+s4], $0x1C00, $0x38;
	[tilespmem:$0xF600] =	vst v63  }
0x11d: {  	_ = 	snop  }
0x11e: {  	[tilespmem:s10], [sflag:$0x1] =	stream.linear.gather [hbm4b:s19+s4], $0x1C00, $0x38;
	[tilespmem:$0xF600] =	vst v63  }
0x11f: {  	_ =	swait.ge [sflag:s16], $0x1C00  }
0x120: {  	[sflag:s16] =	ssyncset.done $0x0  }
0x121: {  	[sflag:s16] =	ssyncadd.s32 $0xFFFFE400  }
0x122: {  	[spmem:s2] =	stream.indirect.scatter.add.f32 [tilespmem:s24], [sflag:$0x4], $0x1, s25, s11, $0xb8;
	[tilespmem:$0xF600] =	vst v63  }
0x123: {  	_ =	swait.ge [sflag:s8], $0x1C00  }
0x124: {  	[sflag:s8] =	ssyncset.done $0x0  }
0x125: {  	[sflag:s8] =	ssyncadd.s32 $0xFFFFE400  }
0x126: {  	_ =	swait.ge [sflag:s8], $0x1C00  }
0x127: {  	[sflag:s8] =	ssyncset.done $0x0  }
0x128: {  	[sflag:s8] =	ssyncadd.s32 $0xFFFFE400  }
0x129: {  	_ =	swait.ge [sflag:s14], $0x1C00  }
0x12a: {  	[sflag:s14] =	ssyncset.done $0x0  }
0x12b: {  	[sflag:s14] =	ssyncadd.s32 $0xFFFFE400  }
0x12c: {  	[tilespmem:s13], [sflag:$0x2] =	stream.indirect.gather [spmem:s3], $0x1, s12, s11, $0xb8;
	[tilespmem:$0xF600] =	vst v63  }
0x12d: {  	_ =	swait.ge [sflag:s16], $0x1C00  }
0x12e: {  	[sflag:s16] =	ssyncset.done $0x0  }
0x12f: {  	[sflag:s16] =	ssyncadd.s32 $0xFFFFE400  }
0x130: {  	[spmem:s2] =	stream.indirect.scatter.add.f32 [tilespmem:s13], [sflag:$0x3], $0x1, s10, s11, $0xb8;
	[tilespmem:$0xF600] =	vst v63  }
0x131: {  	_ =	swait.ge [sflag:s20], $0x1C00  }
0x132: {  	[sflag:s20] =	ssyncset.done $0x0  }
0x133: {  	[sflag:s20] =	ssyncadd.s32 $0xFFFFE400  }
0x134: {  	_ =	swait.ge [sflag:s14], $0x1C00  }
0x135: {  	p1 =	sne.s32 s0, $0x1;
	[sflag:s14] =	ssyncset.done $0x0  }
.Ltmp2:
0x136: {  	[sflag:s14] =	ssyncadd.s32 $0xFFFFE400;
	(pc) =	sbr.rel @p1 .LBB2_2-.Ltmp2, $4  }
0x137: {  	s15 =	simm.s32 $0x20;
	[bflag:$0x0] =	sbarrier.arrive $0xFFFF  }
0x138: {  	[hbm:s9@s15], [sflag:s5] =	dma.strided [spmem:s7@s17], $0x320, s8, $0x10   }
0x139: {  	_ =	swait.ge [sflag:s6], $0x320  }
0x13a: {  	s0 =	sadd.s32 $0xFFFFFFFF, s0;
	s1 =	rddreg [dreg:$0x4];
	[sflag:s6] =	ssyncset.done $0x0  }
.LBB2_3:
0x13b: {  	[sflag:s6] =	ssyncadd.s32 @p0 $0xFFFFFCE0  }
0x13c: {  	[spmem:s31], [sflag:s5] =	dma.local [hbm:s1], $0x320  }
0x13d: {  	_ =	swait.ge [sflag:s6], $0x320  }
0x13e: {  	[sflag:s6] =	ssyncset.done $0x0  }
0x13f: {  	s0 =	rddreg [dreg:$0x5];
	[sflag:s6] =	ssyncadd.s32 $0xFFFFFCE0  }
0x140: {  	[spmem:s7], [sflag:s5] =	dma.local [hbm:s0], $0x320  }
0x141: {  	_ =	swait.ge [sflag:s6], $0x320  }
0x142: {  	[sflag:s6] =	ssyncset.done $0x0  }
0x143: {  	[sflag:s6] =	ssyncadd.s32 $0xFFFFFCE0  }
0x144: {  	[bflag:$0x0] =	sbarrier.arrive $0xFFFF  }
0x145: {  	s1 =	rddreg [dreg:$0x6]  }
0x146: {  	[tilespmem:s12], [sflag:$0x1] =	stream.linear.gather [hbm4b:s1+s4], $0x1C00, $0x38;
	[tilespmem:$0xF600] =	vst v63  }
0x147: {  	s31 =	rddreg [dreg:$0x7]  }
0x148: {  	[tilespmem:s10], [sflag:$0x1] =	stream.linear.gather [hbm4b:s31+s4], $0x1C00, $0x38;
	[tilespmem:$0xF600] =	vst v63  }
0x149: {  	_ =	swait.ge [sflag:s8], $0x1C00  }
0x14a: {  	[sflag:s8] =	ssyncset.done $0x0  }
0x14b: {  	[sflag:s8] =	ssyncadd.s32 $0xFFFFE400  }
0x14c: {  	_ =	swait.ge [sflag:s8], $0x1C00  }
0x14d: {  	[sflag:s8] =	ssyncset.done $0x0  }
0x14e: {  	[sflag:s8] =	ssyncadd.s32 $0xFFFFE400  }
0x14f: {  	[tilespmem:s13], [sflag:$0x2] =	stream.indirect.gather [spmem:s3], $0x1, s12, s11, $0xb8;
	[tilespmem:$0xF600] =	vst v63  }
0x150: {  	s1 =	rddreg [dreg:$0x8]  }
0x151: {  	[tilespmem:s23], [sflag:$0x1] =	stream.linear.gather [hbm4b:s1+s4], $0x1C00, $0x38;
	[tilespmem:$0xF600] =	vst v63  }
0x152: {  	s31 =	rddreg [dreg:$0x9]  }
0x153: {  	[tilespmem:s26], [sflag:$0x1] =	stream.linear.gather [hbm4b:s31+s4], $0x1C00, $0x38;
	[tilespmem:$0xF600] =	vst v63  }
0x154: {  	_ =	swait.ge [sflag:s16], $0x1C00  }
0x155: {  	[sflag:s16] =	ssyncset.done $0x0  }
0x156: {  	[sflag:s16] =	ssyncadd.s32 $0xFFFFE400  }
0x157: {  	[spmem:s2] =	stream.indirect.scatter.add.f32 [tilespmem:s13], [sflag:$0x3], $0x1, s10, s11, $0xb8;
	[tilespmem:$0xF600] =	vst v63  }
0x158: {  	_ =	swait.ge [sflag:s8], $0x1C00  }
0x159: {  	[sflag:s8] =	ssyncset.done $0x0  }
0x15a: {  	[sflag:s8] =	ssyncadd.s32 $0xFFFFE400  }
0x15b: {  	_ =	swait.ge [sflag:s8], $0x1C00  }
0x15c: {  	[sflag:s8] =	ssyncset.done $0x0  }
0x15d: {  	[sflag:s8] =	ssyncadd.s32 $0xFFFFE400  }
0x15e: {  	[tilespmem:s24], [sflag:$0x2] =	stream.indirect.gather [spmem:s3], $0x1, s23, s11, $0xb8;
	[tilespmem:$0xF600] =	vst v63  }
0x15f: {  	s1 =	rddreg [dreg:$0xa]  }
0x160: {  	[tilespmem:s12], [sflag:$0x1] =	stream.linear.gather [hbm4b:s1+s4], $0x1C00, $0x38;
	[tilespmem:$0xF600] =	vst v63  }
0x161: {  	s31 =	rddreg [dreg:$0xb]  }
0x162: {  	[tilespmem:s25], [sflag:$0x1] =	stream.linear.gather [hbm4b:s31+s4], $0x1C00, $0x38;
	[tilespmem:$0xF600] =	vst v63  }
0x163: {  	_ =	swait.ge [sflag:s16], $0x1C00  }
0x164: {  	[sflag:s16] =	ssyncset.done $0x0  }
0x165: {  	[sflag:s16] =	ssyncadd.s32 $0xFFFFE400  }
0x166: {  	[spmem:s2] =	stream.indirect.scatter.add.f32 [tilespmem:s24], [sflag:$0x4], $0x1, s26, s11, $0xb8;
	[tilespmem:$0xF600] =	vst v63  }
0x167: {  	_ =	swait.ge [sflag:s8], $0x1C00  }
0x168: {  	[sflag:s8] =	ssyncset.done $0x0  }
0x169: {  	[sflag:s8] =	ssyncadd.s32 $0xFFFFE400  }
0x16a: {  	_ =	swait.ge [sflag:s8], $0x1C00  }
0x16b: {  	[sflag:s8] =	ssyncset.done $0x0  }
0x16c: {  	[sflag:s8] =	ssyncadd.s32 $0xFFFFE400  }
0x16d: {  	_ =	swait.ge [sflag:s14], $0x1C00  }
0x16e: {  	[sflag:s14] =	ssyncset.done $0x0  }
0x16f: {  	[sflag:s14] =	ssyncadd.s32 $0xFFFFE400  }
0x170: {  	[tilespmem:s13], [sflag:$0x2] =	stream.indirect.gather [spmem:s3], $0x1, s12, s11, $0xb8;
	[tilespmem:$0xF600] =	vst v63  }
0x171: {  	s1 =	rddreg [dreg:$0xc]  }
0x172: {  	[tilespmem:s23], [sflag:$0x1] =	stream.linear.gather [hbm4b:s1+s4], $0x1C00, $0x38;
	[tilespmem:$0xF600] =	vst v63  }
0x173: {  	_ = 	snop  }
0x174: {  	[tilespmem:s10], [sflag:$0x1] =	stream.linear.gather [hbm4b:s30+s4], $0x1C00, $0x38;
	[tilespmem:$0xF600] =	vst v63  }
0x175: {  	_ =	swait.ge [sflag:s16], $0x1C00  }
0x176: {  	[sflag:s16] =	ssyncset.done $0x0  }
0x177: {  	[sflag:s16] =	ssyncadd.s32 $0xFFFFE400  }
0x178: {  	[spmem:s2] =	stream.indirect.scatter.add.f32 [tilespmem:s13], [sflag:$0x3], $0x1, s25, s11, $0xb8;
	[tilespmem:$0xF600] =	vst v63  }
0x179: {  	_ =	swait.ge [sflag:s8], $0x1C00  }
0x17a: {  	[sflag:s8] =	ssyncset.done $0x0  }
0x17b: {  	[sflag:s8] =	ssyncadd.s32 $0xFFFFE400  }
0x17c: {  	_ =	swait.ge [sflag:s8], $0x1C00  }
0x17d: {  	[sflag:s8] =	ssyncset.done $0x0  }
0x17e: {  	[sflag:s8] =	ssyncadd.s32 $0xFFFFE400  }
0x17f: {  	_ =	swait.ge [sflag:s20], $0x1C00  }
0x180: {  	[sflag:s20] =	ssyncset.done $0x0  }
0x181: {  	[sflag:s20] =	ssyncadd.s32 $0xFFFFE400  }
0x182: {  	[tilespmem:s24], [sflag:$0x2] =	stream.indirect.gather [spmem:s3], $0x1, s23, s11, $0xb8;
	[tilespmem:$0xF600] =	vst v63  }
0x183: {  	_ = 	snop  }
0x184: {  	[tilespmem:s12], [sflag:$0x1] =	stream.linear.gather [hbm4b:s28+s4], $0x1C00, $0x38;
	[tilespmem:$0xF600] =	vst v63  }
0x185: {  	_ = 	snop  }
0x186: {  	[tilespmem:s26], [sflag:$0x1] =	stream.linear.gather [hbm4b:s29+s4], $0x1C00, $0x38;
	[tilespmem:$0xF600] =	vst v63  }
0x187: {  	_ =	swait.ge [sflag:s16], $0x1C00  }
0x188: {  	[sflag:s16] =	ssyncset.done $0x0  }
0x189: {  	[sflag:s16] =	ssyncadd.s32 $0xFFFFE400  }
0x18a: {  	[spmem:s2] =	stream.indirect.scatter.add.f32 [tilespmem:s24], [sflag:$0x4], $0x1, s10, s11, $0xb8;
	[tilespmem:$0xF600] =	vst v63  }
0x18b: {  	_ =	swait.ge [sflag:s8], $0x1C00  }
0x18c: {  	[sflag:s8] =	ssyncset.done $0x0  }
0x18d: {  	[sflag:s8] =	ssyncadd.s32 $0xFFFFE400  }
0x18e: {  	_ =	swait.ge [sflag:s8], $0x1C00  }
0x18f: {  	[sflag:s8] =	ssyncset.done $0x0  }
0x190: {  	[sflag:s8] =	ssyncadd.s32 $0xFFFFE400  }
0x191: {  	_ =	swait.ge [sflag:s14], $0x1C00  }
0x192: {  	[sflag:s14] =	ssyncset.done $0x0  }
0x193: {  	[sflag:s14] =	ssyncadd.s32 $0xFFFFE400  }
0x194: {  	[tilespmem:s13], [sflag:$0x2] =	stream.indirect.gather [spmem:s3], $0x1, s12, s11, $0xb8;
	[tilespmem:$0xF600] =	vst v63  }
0x195: {  	_ = 	snop  }
0x196: {  	[tilespmem:s23], [sflag:$0x1] =	stream.linear.gather [hbm4b:s21+s4], $0x1C00, $0x38;
	[tilespmem:$0xF600] =	vst v63  }
0x197: {  	_ = 	snop  }
0x198: {  	[tilespmem:s25], [sflag:$0x1] =	stream.linear.gather [hbm4b:s22+s4], $0x1C00, $0x38;
	[tilespmem:$0xF600] =	vst v63  }
0x199: {  	_ =	swait.ge [sflag:s16], $0x1C00  }
0x19a: {  	[sflag:s16] =	ssyncset.done $0x0  }
0x19b: {  	[sflag:s16] =	ssyncadd.s32 $0xFFFFE400  }
0x19c: {  	[spmem:s2] =	stream.indirect.scatter.add.f32 [tilespmem:s13], [sflag:$0x3], $0x1, s26, s11, $0xb8;
	[tilespmem:$0xF600] =	vst v63  }
0x19d: {  	_ =	swait.ge [sflag:s8], $0x1C00  }
0x19e: {  	[sflag:s8] =	ssyncset.done $0x0  }
0x19f: {  	[sflag:s8] =	ssyncadd.s32 $0xFFFFE400  }
0x1a0: {  	_ =	swait.ge [sflag:s8], $0x1C00  }
0x1a1: {  	[sflag:s8] =	ssyncset.done $0x0  }
0x1a2: {  	[sflag:s8] =	ssyncadd.s32 $0xFFFFE400  }
0x1a3: {  	_ =	swait.ge [sflag:s20], $0x1C00  }
0x1a4: {  	[sflag:s20] =	ssyncset.done $0x0  }
0x1a5: {  	[sflag:s20] =	ssyncadd.s32 $0xFFFFE400  }
0x1a6: {  	[tilespmem:s24], [sflag:$0x2] =	stream.indirect.gather [spmem:s3], $0x1, s23, s11, $0xb8;
	[tilespmem:$0xF600] =	vst v63  }
0x1a7: {  	_ = 	snop  }
0x1a8: {  	[tilespmem:s12], [sflag:$0x1] =	stream.linear.gather [hbm4b:s18+s4], $0x1C00, $0x38;
	[tilespmem:$0xF600] =	vst v63  }
0x1a9: {  	_ = 	snop  }
0x1aa: {  	[tilespmem:s10], [sflag:$0x1] =	stream.linear.gather [hbm4b:s19+s4], $0x1C00, $0x38;
	[tilespmem:$0xF600] =	vst v63  }
0x1ab: {  	_ =	swait.ge [sflag:s16], $0x1C00  }
0x1ac: {  	[sflag:s16] =	ssyncset.done $0x0  }
0x1ad: {  	[sflag:s16] =	ssyncadd.s32 $0xFFFFE400  }
0x1ae: {  	[spmem:s2] =	stream.indirect.scatter.add.f32 [tilespmem:s24], [sflag:$0x4], $0x1, s25, s11, $0xb8;
	[tilespmem:$0xF600] =	vst v63  }
0x1af: {  	_ =	swait.ge [sflag:s8], $0x1C00  }
0x1b0: {  	[sflag:s8] =	ssyncset.done $0x0  }
0x1b1: {  	[sflag:s8] =	ssyncadd.s32 $0xFFFFE400  }
0x1b2: {  	_ =	swait.ge [sflag:s8], $0x1C00  }
0x1b3: {  	[sflag:s8] =	ssyncset.done $0x0  }
0x1b4: {  	[sflag:s8] =	ssyncadd.s32 $0xFFFFE400  }
0x1b5: {  	_ =	swait.ge [sflag:s14], $0x1C00  }
0x1b6: {  	[sflag:s14] =	ssyncset.done $0x0  }
0x1b7: {  	[sflag:s14] =	ssyncadd.s32 $0xFFFFE400  }
0x1b8: {  	[tilespmem:s13], [sflag:$0x2] =	stream.indirect.gather [spmem:s3], $0x1, s12, s11, $0xb8;
	[tilespmem:$0xF600] =	vst v63  }
0x1b9: {  	_ =	swait.ge [sflag:s16], $0x1C00  }
0x1ba: {  	[sflag:s16] =	ssyncset.done $0x0  }
0x1bb: {  	[sflag:s16] =	ssyncadd.s32 $0xFFFFE400  }
0x1bc: {  	[spmem:s2] =	stream.indirect.scatter.add.f32 [tilespmem:s13], [sflag:$0x3], $0x1, s10, s11, $0xb8;
	[tilespmem:$0xF600] =	vst v63  }
0x1bd: {  	_ =	swait.ge [sflag:s20], $0x1C00  }
0x1be: {  	[sflag:s20] =	ssyncset.done $0x0  }
0x1bf: {  	[sflag:s20] =	ssyncadd.s32 $0xFFFFE400  }
0x1c0: {  	_ =	swait.ge [sflag:s14], $0x1C00  }
0x1c1: {  	[sflag:s14] =	ssyncset.done $0x0  }
0x1c2: {  	[sflag:s14] =	ssyncadd.s32 $0xFFFFE400  }
0x1c3: {  	[bflag:$0x0] =	sbarrier.arrive $0xFFFF  }
0x1c4: {  	[hbm:s9@s15], [sflag:s5] =	dma.strided [spmem:s7@s17], $0x320, s8, $0x10   }
0x1c5: {  	_ =	swait.ge [sflag:s6], $0x320  }
0x1c6: {  	[sflag:s6] =	ssyncset.done $0x0  }
0x1c7: {  	[sflag:s6] =	ssyncadd.s32 $0xFFFFFCE0  }
0x1c8: {  	_ =	sfence.sel $0x180000  }
0x1c9: {  	[bflag:$0x0] =	sbarrier.arrive $0xFFFF  }
0x1ca: {  	_ =	strace $0x9000004A  }
0x1cb: {  	s31 =	stileid.u32;
	[bflag:$0x2] =	sbarrier.arrive $0xFFFF  }
0x1cc: {  	p0 =	sne.s32 s31, $0x0;
	s0 =	rddreg [dreg:$0x3]  }
0x1cd: {  	s0 =	sadd.s32 @!p0 $0x100000, s0  }
0x1ce: {  	[sflag:s0] =	ssyncadd.tile.s32 @!p0 $0x1;
	_ =	shalt  }
.Lfunc_end2:
_tile_overlayer_lowered:
.L_overlay_start_2:
0x1cf: {  	(tag) =	ssettag $0x2  }
0x1d0: {  	s0 =	rddreg [dreg:$0x0];
	s2 =	stileid.u32  }
0x1d1: {  	s1 =	rddreg [dreg:$0x1];
	p0 =	sne.s32 s2, $0x0  }
0x1d2: {  	s3 =	rddreg [dreg:$0x2];
	[bflag:$0x3] =	sbarrier.arrive $0xFFFF;
	s2 =	simm.s32 @!p0 $0x1C05  }
0x1d3: {  	[timem:s3], [sflag:s2] =	dma.local @!p0 [hbm:s0], s1  }
0x1d4: {  	s0 =	simm.s32 @!p0 $0x5  }
0x1d5: {  	_ =	swait.ge @!p0 [sflag:s0], s1  }
0x1d6: {  	s1 =	ssub.s32 @!p0 $0x0, s1;
	[sflag:s0] =	ssyncset.done @!p0 $0x0  }
0x1d7: {  	[sflag:s0] =	ssyncadd.s32 @!p0 s1  }
0x1d8: {  	[bflag:$0x3] =	sbarrier.arrive $0xFFFF  }
0x1d9: {  	_ =	shalt  }

// kernel: kernel.14.cloned.1.call-start
scs
__scs_entry_jumppad:
0x0: {  	(pc) =	sbr.rel $0x88, $3  }
0x1: {  	(tag) =	ssettag $0x0;
	lr =	simm.s32 $0x1  }
0x2: {  	[smem:$0x3F99] =	sst lr;
	_ =	strace $0xD0000000  }
0x3: {  	_ = 	snop  }
0x4: {  	_ = 	snop  }
0x5: {  	_ = 	snop  }
0x6: {  	_ = 	snop  }
0x7: {  	_ = 	snop  }
__scs_overlays_trampoline_lowered:
0x8: {  	[smem:$0x3FA8] =	sst s0  }
0x9: {  	[smem:$0x3FA9] =	sst s1  }
0xa: {  	[smem:$0x3FAA] =	sst s2  }
0xb: {  	[smem:$0x3FAB] =	sst s3  }
0xc: {  	[smem:$0x3FAC] =	sst s4  }
0xd: {  	[smem:$0x3FAD] =	sst s5  }
0xe: {  	[smem:$0x3FAE] =	sst s6  }
0xf: {  	[smem:$0x3FAF] =	sst s7  }
0x10: {  	[smem:$0x3FB0] =	sst s8  }
0x11: {  	[smem:$0x3FB1] =	sst s9;
	s0 =	simm.s32 @!p0 $0x0  }
0x12: {  	s1 =	sld [smem:$0x3F97];
	s0 =	simm.s32 @p0 $0x1  }
0x13: {  	[smem:$0x3FB2] =	sst s0;
	s0 =	simm.s32 @!p1 $0x0  }
0x14: {  	s2 =	sld [smem:$0x3F96];
	s0 =	simm.s32 @p1 $0x1  }
0x15: {  	[smem:$0x3FB3] =	sst s0;
	s0 =	simm.s32 @!p2 $0x0  }
0x16: {  	s3 =	sld [smem:$0x3FDB];
	s0 =	simm.s32 @p2 $0x1  }
0x17: {  	s4 =	simm.s32 $0x1BF5;
	[smem:$0x3FB5] =	sst s0  }
0x18: {  	s0 =	sld [smem:$0x3F98];
	_ =	swait.ge [sflag:s4], $0x0  }
0x19: {  	s7 =	sld [smem:$0x3F99]  }
0x1a: {  	s8 =	sadd.s32 $0xFFFFE003, lr  }
0x1b: {  	s9 =	sadd.s32 $0xFFFFFEF7, lr;
	s5 =	simm.s32 $0xFFFFFFFF;
	p2 =	slt.u32 s8, $0xFFFFF086  }
0x1c: {  	p1 =	slt.u32 s9, $0xF7A;
	s5 =	simm.s32 @!p2 $0x0  }
0x1d: {  	s5 =	simm.s32 @p1 $0x1;
	p0 =	seq.s32 s7, s2  }
0x1e: {  	s7 =	smul.u32 @!p0 $0xF7A, s2;
	p2 =	seq.s32 @!p0 s5, $0x0  }
0x1f: {  	s9 =	smul.u32 $0xF7A, s1;
	s8 =	simm.s32 @!p0 $0x1BF5;
	p2 =	por !p2, p0  }
0x20: {  	[sflag:s8] =	ssyncset.s32 @!p0 $0xFFFFF086;
	s6 =	sadd.s32 @!p0 s3, s7;
	s7 =	simm.s32 @!p0 $0x108  }
0x21: {  	s3 =	sadd.s32 s3, s9;
	s6 =	sadd.s32 @!p0 $0x88, s6;
	s7 =	simm.s32 @p2 $0x1082  }
0x22: {  	[simem:s7], [sflag:s8] =	dma.local @!p0 [hbm:s6], $0xF7A  }
0x23: {  	s9 =	sor.u32 $0xD0000000, s2;
	s6 =	simm.s32 $0x108;
	_ =	swait.ge @!p0 [sflag:s8], $0x0  }
0x24: {  	s3 =	sadd.s32 $0x88, s3;
	s6 =	simm.s32 @!p1 $0x1082;
	[sflag:s4] =	ssyncset.s32 $0xFFFFF086  }
0x25: {  	[simem:s6], [sflag:s4] =	dma.local [hbm:s3], $0xF7A  }
0x26: {  	[smem:$0x3F99] =	sst s1;
	(tag) =	ssettag s2;
	_ =	strace s9  }
0x27: {  	s1 =	sld [smem:$0x3FA9]  }
0x28: {  	s2 =	sld [smem:$0x3FAA]  }
0x29: {  	s4 =	sld [smem:$0x3FAC]  }
0x2a: {  	p0 =	seq.s32 s5, $0x0;
	s5 =	sld [smem:$0x3FAD]  }
0x2b: {  	s6 =	sld [smem:$0x3FAE]  }
0x2c: {  	s7 =	sld [smem:$0x3FAF]  }
0x2d: {  	s3 =	simm.s32 $0x108;
	s8 =	sld [smem:$0x3FB0]  }
0x2e: {  	s3 =	simm.s32 @!p0 $0x1082;
	s9 =	sld [smem:$0x3FB1]  }
0x2f: {  	lr =	sadd.s32 s0, s3;
	s0 =	sld [smem:$0x3FA8]  }
0x30: {  	s3 =	sld [smem:$0x3FAB]  }
0x31: {  	[smem:$0x3FB4] =	sst s10  }
0x32: {  	s10 =	sld [smem:$0x3FB2];
	_ =	sdelay $0x3  }
0x33: {  	p0 =	seq.s32 s10, $0x1;
	s10 =	sld [smem:$0x3FB4];
	_ =	sdelay $0x3  }
0x34: {  	[smem:$0x3FB4] =	sst s10  }
0x35: {  	s10 =	sld [smem:$0x3FB3];
	_ =	sdelay $0x3  }
0x36: {  	p1 =	seq.s32 s10, $0x1;
	s10 =	sld [smem:$0x3FB4];
	_ =	sdelay $0x3  }
0x37: {  	[smem:$0x3FB4] =	sst s10  }
0x38: {  	s10 =	sld [smem:$0x3FB5]  }
0x39: {  	_ = 	snop;
	(pc) =	sbr.ind lr, $3  }
0x3a: {  	_ = 	snop  }
0x3b: {  	_ = 	snop  }
0x3c: {  	p2 =	seq.s32 s10, $0x1;
	s10 =	sld [smem:$0x3FB4]  }
0x3d: {  	_ =	shalt  }
0x3e: {  	_ =	shalt  }
0x3f: {  	_ =	shalt  }
0x40: {  	_ =	shalt  }
0x41: {  	_ =	shalt  }
0x42: {  	_ =	shalt  }
0x43: {  	_ =	shalt  }
0x44: {  	_ =	shalt  }
0x45: {  	_ =	shalt  }
0x46: {  	_ =	shalt  }
0x47: {  	_ =	shalt  }
0x48: {  	_ =	shalt  }
0x49: {  	_ =	shalt  }
0x4a: {  	_ =	shalt  }
0x4b: {  	_ =	shalt  }
0x4c: {  	_ =	shalt  }
0x4d: {  	_ =	shalt  }
0x4e: {  	_ =	shalt  }
0x4f: {  	_ =	shalt  }
0x50: {  	_ =	shalt  }
0x51: {  	_ =	shalt  }
0x52: {  	_ =	shalt  }
0x53: {  	_ =	shalt  }
0x54: {  	_ =	shalt  }
0x55: {  	_ =	shalt  }
0x56: {  	_ =	shalt  }
0x57: {  	_ =	shalt  }
0x58: {  	_ =	shalt  }
0x59: {  	_ =	shalt  }
0x5a: {  	_ =	shalt  }
0x5b: {  	_ =	shalt  }
0x5c: {  	_ =	shalt  }
0x5d: {  	_ =	shalt  }
0x5e: {  	_ =	shalt  }
0x5f: {  	_ =	shalt  }
0x60: {  	_ =	shalt  }
0x61: {  	_ =	shalt  }
0x62: {  	_ =	shalt  }
0x63: {  	_ =	shalt  }
0x64: {  	_ =	shalt  }
0x65: {  	_ =	shalt  }
0x66: {  	_ =	shalt  }
0x67: {  	_ =	shalt  }
0x68: {  	_ =	shalt  }
0x69: {  	_ =	shalt  }
0x6a: {  	_ =	shalt  }
0x6b: {  	_ =	shalt  }
0x6c: {  	_ =	shalt  }
0x6d: {  	_ =	shalt  }
0x6e: {  	_ =	shalt  }
0x6f: {  	_ =	shalt  }
0x70: {  	_ =	shalt  }
0x71: {  	_ =	shalt  }
0x72: {  	_ =	shalt  }
0x73: {  	_ =	shalt  }
0x74: {  	_ =	shalt  }
0x75: {  	_ =	shalt  }
0x76: {  	_ =	shalt  }
0x77: {  	_ =	shalt  }
0x78: {  	_ =	shalt  }
0x79: {  	_ =	shalt  }
0x7a: {  	_ =	shalt  }
0x7b: {  	_ =	shalt  }
0x7c: {  	_ =	shalt  }
0x7d: {  	_ =	shalt  }
0x7e: {  	_ =	shalt  }
0x7f: {  	_ =	shalt  }
0x80: {  	_ =	shalt  }
0x81: {  	_ =	shalt  }
0x82: {  	_ =	shalt  }
0x83: {  	_ =	shalt  }
0x84: {  	_ =	shalt  }
0x85: {  	_ =	shalt  }
0x86: {  	_ =	shalt  }
0x87: {  	_ =	shalt  }
.Lfunc_end0:
.L_simem_size_0:
called_computation.2_lowered:
.L_overlay_start_0:
0x88: {  	s2 =	sld [smem:$0x3FD9]  }
0x89: {  	s3 =	sld [smem:$0x3FFE];
	_ =	sdelay $0x1  }
0x8a: {  	s1 =	srdreg.scid  }
0x8b: {  	s0 =	sand.u32 $0x1, s1  }
0x8c: {  	s16 =	sshll.u32 s0, $0xA;
	s2 =	sadd.s32 s3, s2  }
0x8d: {  	s2 =	sadd.s32 s2, s16  }
0x8e: {  	[smem:$0x3FC0] =	sst s2  }
0x8f: {  	_ = 	snop  }
0x90: {  	(tm) =	ssettm $0x1  }
0x91: {  	s17 =	sld [smem:$0x3FFB];
	_ =	sdelay $0x3  }
0x92: {  	_ =	strace s17  }
0x93: {  	s2 =	sld [smem:$0x3FFC];
	_ =	sdelay $0x3  }
0x94: {  	_ =	strace s2  }
0x95: {  	s2 =	sld [smem:$0x3FFD];
	_ =	sdelay $0x3  }
0x96: {  	_ =	strace s2  }
0x97: {  	_ =	strace $0x8FFFFFFF  }
0x98: {  	s18 =	sld [smem:$0x3FDB];
	_ =	sdelay $0x1  }
0x99: {  	s19 =	simm.s32 $_scs_section_size  }
0x9a: {  	s4 =	simm.s32 $_size__tile_overlayer_lowered;
	s5 =	simm.s32 $_tile_overlayer_lowered  }
0x9b: {  	s22 =	simm.s32 $0x1BFF;
	s21 =	sshll.u32 s5, $0x1;
	s2 =	sadd.s32 s19, s18  }
0x9c: {  	s6 =	simm.s32 $0x0;
	s20 =	sshll.u32 s4, $0x1;
	s4 =	sadd.s32 s21, s2  }
0x9d: {  	[timem:s6], [sflag:s22] =	dma.local [hbm:s4], s20  }
0x9e: {  	_ =	swait.ge [sflag:s22], s20  }
0x9f: {  	s3 =	ssub.s32 $0x0, s20;
	[sflag:s22] =	ssyncset.done $0x0  }
0xa0: {  	[sflag:s22] =	ssyncadd.s32 s3;
	_ =	sdelay $0x1  }
0xa1: {  	s23 =	simm.s32 $0x1B8B  }
0xa2: {  	_ =	swait.ge [sflag:s23], $0x1  }
0xa3: {  	[sflag:s23] =	ssyncset.done $0x0  }
0xa4: {  	s25 =	simm.s32 $0x1B8E;
	s24 =	sld [smem:$0x3FFE];
	[sflag:s23] =	ssyncadd.s32 $0xFFFFFFFF  }
0xa5: {  	s26 =	simm.s32 $execute0_lowered;
	[smem:$0x3FD2] =	sst s25  }
0xa6: {  	s4 =	sshll.u32 s26, $0x1;
	_ =	strace $0x8000004C;
	[dreg:$0x1] =	wrdreg $0xFFFFFFFF  }
0xa7: {  	s28 =	simm.s32 $_size_execute0_lowered;
	s2 =	sadd.s32 s2, s4;
	[dreg:$0x0] =	wrdreg $0x0  }
0xa8: {  	s4 =	sshll.u32 s28, $0x1;
	[dreg:$0x2] =	wrdreg s2  }
0xa9: {  	[dreg:$0x3] =	wrdreg s4  }
0xaa: {  	[dreg:$0x4] =	wrdreg $0xC0  }
0xab: {  	_ =	task [dreg:s6], $0x5FFFF  }
0xac: {  	[dreg:$0x1] =	wrdreg $0xFFFFFFFF  }
0xad: {  	[dreg:$0x0] =	wrdreg $0x60  }
0xae: {  	[dreg:$0x2] =	wrdreg s24  }
0xaf: {  	[dreg:$0x3] =	wrdreg $0x32000  }
0xb0: {  	[dreg:$0x4] =	wrdreg $0x0  }
0xb1: {  	[dreg:$0x5] =	wrdreg $0x19000  }
0xb2: {  	[dreg:$0x6] =	wrdreg $0x9  }
0xb3: {  	_ =	task.clear_ibuf [dreg:s6], $0x7FFFF;
	_ =	strace $0x9000004C  }
0xb4: {  	s29 =	simm.s32 $0x9;
	_ =	strace $0x8000004E  }
0xb5: {  	_ =	swait.ge [sflag:s29], $0x1  }
0xb6: {  	[sflag:s29] =	ssyncadd.s32 $0xFFFFFFFF  }
0xb7: {  	_ =	strace $0x9000004E  }
0xb8: {  	_ =	sfence  }
0xb9: {  	s30 =	sld [smem:$0x0];
	_ =	sdelay $0x2  }
0xba: {  	s31 =	sshll.u32 s1, $0xD;
	s1 =	sshrl.u32 s1, $0x2  }
0xbb: {  	s3 =	sand.u32 $0x4000, s31;
	s1 =	sadd.s32 s1, s30  }
0xbc: {  	s0 =	sor.u32 s3, s0;
	s1 =	sshll.u32 s1, $0x11  }
0xbd: {  	s0 =	sor.u32 s1, s0  }
0xbe: {  	s0 =	sadd.s32 $0x8F2B, s0  }
0xbf: {  	[sflag:s0] =	ssyncadd.remote.s32 $0x1  }
0xc0: {  	_ =	sfence.sel $0xFFFF  }
0xc1: {  	[dreg:$0x0] =	wrdreg $0xFFFFFFFF;
	(pc) =	sbr.abs _section_cstart, $3  }
0xc2: {  	[dreg:$0x1] =	wrdreg $0xFFFFFFFF  }
0xc3: {  	_ =	task.clear_ibuf [dreg:s6], $0x2FFFF;
	_ =	strace $0x9FFFFFFF  }
0xc4: {  	(tm) =	ssettm $0x7FFFFFFF  }
0xc5: {  	_ =	shalt  }
tec
execute0_lowered:
.L_overlay_start_1:
0x0: {  	(tag) =	ssettag $0x1  }
0x1: {  	s0 =	rddreg [dreg:$0x0]  }
0x2: {  	s1 =	rddreg [dreg:$0x1]  }
0x3: {  	s2 =	rddreg [dreg:$0x2]  }
0x4: {  	s3 =	rddreg [dreg:$0x3]  }
0x5: {  	s5 =	simm.s32 $0x0;
	s13 =	stileid.u32;
	s4 =	srdreg.scid  }
0x6: {  	s29 =	simm.s32 $0x7;
	s30 =	simm.s32 $0x4B00;
	s31 =	simm.s32 $0x8300  }
0x7: {  	[smem:$0x7FF] =	sst s5;
	s6 =	smul.u32 $0x1900, s13;
	s4 =	sand.u32 $0x1, s4  }
0x8: {  	s7 =	sshll.u32 s13, $0x1;
	s8 =	sadd.s32 $0x3BA00, s0;
	s11 =	sadd.s32 $0x1400, s0  }
0x9: {  	s23 =	smul.u32 $0x640, s13;
	s24 =	sshll.u32 s13, $0x6;
	s13 =	simm.s32 $0xBB00  }
0xa: {  	s9 =	smul.u32 $0x6400, s4;
	s7 =	sor.u32 s4, s7;
	s4 =	ssub.s32 $0x2, s4  }
0xb: {  	s10 =	sshrl.u32 s6, $0x3;
	s7 =	smul.u32 $0xC400, s7;
	s12 =	sshrl.u32 s4, $0x1  }
0xc: {  	_ =	strace $0x8000004D;
	s10 =	sadd.s32 s10, s0;
	s4 =	ssub.s32 s4, s12  }
0xd: {  	s0 =	sadd.s32 s9, s0;
	s7 =	sshrl.u32 s7, $0x3;
	s4 =	smax.u32 s4, $0x1  }
0xe: {  	s0 =	sadd.s32 $0x6CA00, s0;
	s25 =	sadd.s32 s8, s7;
	[dreg:$0x16] =	wrdreg s4  }
0xf: {  	s26 =	sadd.s32 s11, s7;
	s28 =	sadd.s32 $0x380, s7;
	[dreg:$0x5] =	wrdreg s25  }
0x10: {  	s15 =	sadd.s32 $0x700, s7;
	[dreg:$0x6] =	wrdreg s26;
	s14 =	sadd.s32 s8, s28  }
0x11: {  	s17 =	sadd.s32 $0xA80, s7;
	s9 =	sadd.s32 s11, s28;
	[dreg:$0x7] =	wrdreg s14  }
0x12: {  	s19 =	sadd.s32 $0xE00, s7;
	s16 =	sadd.s32 s8, s15;
	[dreg:$0x8] =	wrdreg s9  }
0x13: {  	s21 =	sadd.s32 $0x1180, s7;
	s18 =	sadd.s32 s8, s17;
	[dreg:$0x9] =	wrdreg s16  }
0x14: {  	s7 =	sadd.s32 $0x1500, s7;
	s20 =	sadd.s32 s8, s19;
	[dreg:$0xb] =	wrdreg s18  }
0x15: {  	s4 =	simm.s32 $0x1C00;
	s22 =	sadd.s32 s8, s21;
	[dreg:$0xd] =	wrdreg s20  }
0x16: {  	s8 =	sadd.s32 s8, s7;
	s7 =	sadd.s32 s11, s7;
	[dreg:$0xf] =	wrdreg s22  }
0x17: {  	s25 =	sadd.s32 $0x35600, s10;
	s26 =	sadd.s32 s6, s1;
	[dreg:$0x11] =	wrdreg s8  }
0x18: {  	s28 =	sadd.s32 s6, s2;
	s6 =	sadd.s32 s6, s3;
	[dreg:$0x12] =	wrdreg s7  }
0x19: {  	s9 =	sadd.s32 s11, s15;
	s20 =	sadd.s32 s23, s0;
	[dreg:$0x13] =	wrdreg s25  }
0x1a: {  	s22 =	sor.u32 $0x1C07, s24;
	s23 =	sadd.s32 $0x32400, s10;
	[dreg:$0x14] =	wrdreg s28  }
0x1b: {  	[dreg:$0x15] =	wrdreg s6;
	s0 =	sshrl.u32 s26, $0x3;
	s6 =	simm.s32 $0xD700  }
0x1c: {  	s7 =	simm.s32 $0x6700;
	s8 =	simm.s32 $0x9F00;
	s10 =	simm.s32 $0x10F00  }
0x1d: {  	s14 =	simm.s32 $0x12B00;
	s15 =	simm.s32 $0x16300;
	s16 =	simm.s32 $0x3  }
0x1e: {  	s18 =	simm.s32 $0x4;
	s25 =	simm.s32 $0x0;
	[dreg:$0xa] =	wrdreg s9  }
0x1f: {  	s9 =	sadd.s32 s11, s17;
	[dreg:$0x17] =	wrdreg s0;
	s0 =	simm.s32 $0x1  }
0x20: {  	s17 =	simm.s32 $0x5;
	[dreg:$0xc] =	wrdreg s9;
	s9 =	sadd.s32 s11, s19  }
0x21: {  	s19 =	simm.s32 $0x6;
	[dreg:$0xe] =	wrdreg s9;
	s9 =	sadd.s32 s11, s21  }
0x22: {  	s11 =	simm.s32 $0x14700;
	[dreg:$0x10] =	wrdreg s9;
	s9 =	simm.s32 $0x2  }
.LBB2_1:
0x23: {  	s12 =	rddreg [dreg:$0x13]  }
0x24: {  	s21 =	rddreg [dreg:$0x17]  }
0x25: {  	[spmem:s21], [sflag:s22] =	dma.local [hbm:s12], $0x320  }
0x26: {  	_ =	swait.ge [sflag:s29], $0x320  }
0x27: {  	[sflag:s29] =	ssyncset.done $0x0;
	s21 =	rddreg [dreg:$0x14]  }
0x28: {  	[sflag:s29] =	ssyncadd.s32 $0xFFFFFCE0;
	s26 =	sshrl.u32 s21, $0x3  }
0x29: {  	[spmem:s26], [sflag:s22] =	dma.local [hbm:s23], $0x320  }
0x2a: {  	_ =	swait.ge [sflag:s29], $0x320  }
0x2b: {  	[sflag:s29] =	ssyncset.done $0x0;
	s24 =	rddreg [dreg:$0x15]  }
0x2c: {  	[sflag:s29] =	ssyncadd.s32 $0xFFFFFCE0;
	s28 =	sshrl.u32 s24, $0x3  }
0x2d: {  	[spmem:s28], [sflag:s22] =	dma.local [hbm:s23], $0x320  }
0x2e: {  	_ =	swait.ge [sflag:s29], $0x320  }
0x2f: {  	[sflag:s29] =	ssyncset.done $0x0  }
0x30: {  	[sflag:s29] =	ssyncadd.s32 $0xFFFFFCE0  }
0x31: {  	[bflag:$0x0] =	sbarrier.arrive $0xFFFF  }
0x32: {  	s21 =	rddreg [dreg:$0x5]  }
0x33: {  	[tilespmem:s30], [sflag:$0x1] =	stream.linear.gather [hbm4b:s21+s5], $0x1C00, $0x38;
	[tilespmem:$0x17F00] =	vst v63  }
0x34: {  	s24 =	rddreg [dreg:$0x6]  }
0x35: {  	[tilespmem:s31], [sflag:$0x1] =	stream.linear.gather [hbm4b:s24+s5], $0x1C00, $0x38;
	[tilespmem:$0x17F00] =	vst v63  }
0x36: {  	_ =	swait.ge [sflag:s0], $0x1C00  }
0x37: {  	[sflag:s0] =	ssyncset.done $0x0  }
0x38: {  	[sflag:s0] =	ssyncadd.s32 $0xFFFFE400  }
0x39: {  	_ =	swait.ge [sflag:s0], $0x1C00  }
0x3a: {  	[sflag:s0] =	ssyncset.done $0x0  }
0x3b: {  	[sflag:s0] =	ssyncadd.s32 $0xFFFFE400  }
0x3c: {  	[tilespmem:s6], [sflag:$0x2] =	stream.indirect.gather [spmem:s1], $0x1, s30, s4, $0xb8;
	[tilespmem:$0x17F00] =	vst v63  }
0x3d: {  	s21 =	rddreg [dreg:$0x7]  }
0x3e: {  	[tilespmem:s7], [sflag:$0x1] =	stream.linear.gather [hbm4b:s21+s5], $0x1C00, $0x38;
	[tilespmem:$0x17F00] =	vst v63  }
0x3f: {  	s24 =	rddreg [dreg:$0x8]  }
0x40: {  	[tilespmem:s8], [sflag:$0x1] =	stream.linear.gather [hbm4b:s24+s5], $0x1C00, $0x38;
	[tilespmem:$0x17F00] =	vst v63  }
0x41: {  	_ =	swait.ge [sflag:s9], $0x1C00  }
0x42: {  	[sflag:s9] =	ssyncset.done $0x0  }
0x43: {  	s21 =	simm.s32 $0x0;
	[sflag:s9] =	ssyncadd.s32 $0xFFFFE400  }
0x44: {  	v0 =	vld [tilespmem:s21+$0xD700]  }
0x45: {  	s24 =	simm.s32 $0x40  }
.LBB2_2:
0x46: {  	p0 =	sne.s32 s24, $0x6FC0  }
.Ltmp0:
0x47: {  	_ = 	snop;
	(pc) =	sbr.rel @p0 .LBB2_2-.Ltmp0, $4  }
0x48: {  	_ = 	snop  }
0x49: {  	s12 =	sshra.s32 s24, $0x2;
	s24 =	sadd.s32 $0x40, s24;
	v1 =	vand.u32 $0xFFFF0000, v0;
	v2 =	vshll.u32 v0, $0x10  }
0x4a: {  	v0 =	vld [tilespmem:s12+$0xD700];
	[tilespmem:s21+$0x14700] =	vst v2  }
0x4b: {  	[tilespmem:s21+$0x10F00] =	vst v1;
	s21 =	smov.u32 s12  }
0x4c: {  	_ =	sdelay $0x2  }
0x4d: {  	v1 =	vshll.u32 v0, $0x10  }
0x4e: {  	v0 =	vand.u32 $0xFFFF0000, v0;
	[tilespmem:s21+$0x14700] =	vst v1  }
0x4f: {  	[tilespmem:s21+$0x10F00] =	vst v0  }
0x50: {  	[spmem:s2] =	stream.indirect.scatter.add.f32 [tilespmem:s10], [sflag:$0x3], $0x1, s31, s4, $0xb8;
	[tilespmem:$0x17F00] =	vst v63  }
0x51: {  	_ = 	snop  }
0x52: {  	[spmem:s3] =	stream.indirect.scatter.add.f32 [tilespmem:s11], [sflag:$0x5], $0x1, s31, s4, $0xb8;
	[tilespmem:$0x17F00] =	vst v63  }
0x53: {  	_ =	swait.ge [sflag:s0], $0x1C00  }
0x54: {  	[sflag:s0] =	ssyncset.done $0x0  }
0x55: {  	[sflag:s0] =	ssyncadd.s32 $0xFFFFE400  }
0x56: {  	_ =	swait.ge [sflag:s0], $0x1C00  }
0x57: {  	[sflag:s0] =	ssyncset.done $0x0  }
0x58: {  	s12 =	simm.s32 $0xF300;
	[sflag:s0] =	ssyncadd.s32 $0xFFFFE400  }
0x59: {  	[tilespmem:s12], [sflag:$0x2] =	stream.indirect.gather [spmem:s1], $0x1, s7, s4, $0xb8;
	[tilespmem:$0x17F00] =	vst v63  }
0x5a: {  	s24 =	rddreg [dreg:$0x9];
	s12 =	simm.s32 $0x0  }
0x5b: {  	[tilespmem:s30], [sflag:$0x1] =	stream.linear.gather [hbm4b:s24+s12], $0x1C00, $0x38;
	[tilespmem:$0x17F00] =	vst v63  }
0x5c: {  	s24 =	rddreg [dreg:$0xa]  }
0x5d: {  	[tilespmem:s13], [sflag:$0x1] =	stream.linear.gather [hbm4b:s24+s12], $0x1C00, $0x38;
	[tilespmem:$0x17F00] =	vst v63  }
0x5e: {  	_ =	swait.ge [sflag:s9], $0x1C00  }
0x5f: {  	[sflag:s9] =	ssyncset.done $0x0  }
0x60: {  	s21 =	simm.s32 $0x0;
	[sflag:s9] =	ssyncadd.s32 $0xFFFFE400  }
0x61: {  	v0 =	vld [tilespmem:s21+$0xF300]  }
0x62: {  	s24 =	simm.s32 $0x40  }
.LBB2_4:
0x63: {  	p0 =	sne.s32 s24, $0x6FC0  }
.Ltmp1:
0x64: {  	_ = 	snop;
	(pc) =	sbr.rel @p0 .LBB2_4-.Ltmp1, $4  }
0x65: {  	_ = 	snop  }
0x66: {  	s12 =	sshra.s32 s24, $0x2;
	s24 =	sadd.s32 $0x40, s24;
	v1 =	vand.u32 $0xFFFF0000, v0;
	v2 =	vshll.u32 v0, $0x10  }
0x67: {  	v0 =	vld [tilespmem:s12+$0xF300];
	[tilespmem:s21+$0x16300] =	vst v2  }
0x68: {  	[tilespmem:s21+$0x12B00] =	vst v1;
	s21 =	smov.u32 s12  }
0x69: {  	_ =	sdelay $0x2  }
0x6a: {  	v1 =	vshll.u32 v0, $0x10  }
0x6b: {  	v0 =	vand.u32 $0xFFFF0000, v0;
	[tilespmem:s21+$0x16300] =	vst v1  }
0x6c: {  	[tilespmem:s21+$0x12B00] =	vst v0  }
0x6d: {  	[spmem:s2] =	stream.indirect.scatter.add.f32 [tilespmem:s14], [sflag:$0x4], $0x1, s8, s4, $0xb8;
	[tilespmem:$0x17F00] =	vst v63  }
0x6e: {  	_ = 	snop  }
0x6f: {  	[spmem:s3] =	stream.indirect.scatter.add.f32 [tilespmem:s15], [sflag:$0x6], $0x1, s8, s4, $0xb8;
	[tilespmem:$0x17F00] =	vst v63  }
0x70: {  	_ =	swait.ge [sflag:s0], $0x1C00  }
0x71: {  	[sflag:s0] =	ssyncset.done $0x0  }
0x72: {  	[sflag:s0] =	ssyncadd.s32 $0xFFFFE400  }
0x73: {  	_ =	swait.ge [sflag:s0], $0x1C00  }
0x74: {  	[sflag:s0] =	ssyncset.done $0x0  }
0x75: {  	[sflag:s0] =	ssyncadd.s32 $0xFFFFE400  }
0x76: {  	_ =	swait.ge [sflag:s16], $0x1C00  }
0x77: {  	[sflag:s16] =	ssyncset.done $0x0  }
0x78: {  	[sflag:s16] =	ssyncadd.s32 $0xFFFFE400  }
0x79: {  	_ =	swait.ge [sflag:s17], $0x1C00  }
0x7a: {  	[sflag:s17] =	ssyncset.done $0x0  }
0x7b: {  	[sflag:s17] =	ssyncadd.s32 $0xFFFFE400  }
0x7c: {  	[tilespmem:s6], [sflag:$0x2] =	stream.indirect.gather [spmem:s1], $0x1, s30, s4, $0xb8;
	[tilespmem:$0x17F00] =	vst v63  }
0x7d: {  	s12 =	simm.s32 $0x0;
	s24 =	rddreg [dreg:$0xb]  }
0x7e: {  	[tilespmem:s7], [sflag:$0x1] =	stream.linear.gather [hbm4b:s24+s12], $0x1C00, $0x38;
	[tilespmem:$0x17F00] =	vst v63  }
0x7f: {  	s24 =	rddreg [dreg:$0xc]  }
0x80: {  	[tilespmem:s31], [sflag:$0x1] =	stream.linear.gather [hbm4b:s24+s12], $0x1C00, $0x38;
	[tilespmem:$0x17F00] =	vst v63  }
0x81: {  	_ =	swait.ge [sflag:s9], $0x1C00  }
0x82: {  	[sflag:s9] =	ssyncset.done $0x0  }
0x83: {  	s21 =	simm.s32 $0x0;
	[sflag:s9] =	ssyncadd.s32 $0xFFFFE400  }
0x84: {  	v0 =	vld [tilespmem:s21+$0xD700]  }
0x85: {  	s24 =	simm.s32 $0x40  }
.LBB2_6:
0x86: {  	p0 =	sne.s32 s24, $0x6FC0  }
.Ltmp2:
0x87: {  	_ = 	snop;
	(pc) =	sbr.rel @p0 .LBB2_6-.Ltmp2, $4  }
0x88: {  	_ = 	snop  }
0x89: {  	s12 =	sshra.s32 s24, $0x2;
	s24 =	sadd.s32 $0x40, s24;
	v1 =	vand.u32 $0xFFFF0000, v0;
	v2 =	vshll.u32 v0, $0x10  }
0x8a: {  	v0 =	vld [tilespmem:s12+$0xD700];
	[tilespmem:s21+$0x14700] =	vst v2  }
0x8b: {  	[tilespmem:s21+$0x10F00] =	vst v1;
	s21 =	smov.u32 s12  }
0x8c: {  	_ =	sdelay $0x2  }
0x8d: {  	v1 =	vshll.u32 v0, $0x10  }
0x8e: {  	v0 =	vand.u32 $0xFFFF0000, v0;
	[tilespmem:s21+$0x14700] =	vst v1  }
0x8f: {  	[tilespmem:s21+$0x10F00] =	vst v0  }
0x90: {  	[spmem:s2] =	stream.indirect.scatter.add.f32 [tilespmem:s10], [sflag:$0x3], $0x1, s13, s4, $0xb8;
	[tilespmem:$0x17F00] =	vst v63  }
0x91: {  	_ = 	snop  }
0x92: {  	[spmem:s3] =	stream.indirect.scatter.add.f32 [tilespmem:s11], [sflag:$0x5], $0x1, s13, s4, $0xb8;
	[tilespmem:$0x17F00] =	vst v63  }
0x93: {  	_ =	swait.ge [sflag:s0], $0x1C00  }
0x94: {  	[sflag:s0] =	ssyncset.done $0x0  }
0x95: {  	[sflag:s0] =	ssyncadd.s32 $0xFFFFE400  }
0x96: {  	_ =	swait.ge [sflag:s0], $0x1C00  }
0x97: {  	[sflag:s0] =	ssyncset.done $0x0  }
0x98: {  	[sflag:s0] =	ssyncadd.s32 $0xFFFFE400  }
0x99: {  	_ =	swait.ge [sflag:s18], $0x1C00  }
0x9a: {  	[sflag:s18] =	ssyncset.done $0x0  }
0x9b: {  	[sflag:s18] =	ssyncadd.s32 $0xFFFFE400  }
0x9c: {  	_ =	swait.ge [sflag:s19], $0x1C00  }
0x9d: {  	[sflag:s19] =	ssyncset.done $0x0  }
0x9e: {  	s12 =	simm.s32 $0xF300;
	[sflag:s19] =	ssyncadd.s32 $0xFFFFE400  }
0x9f: {  	[tilespmem:s12], [sflag:$0x2] =	stream.indirect.gather [spmem:s1], $0x1, s7, s4, $0xb8;
	[tilespmem:$0x17F00] =	vst v63  }
0xa0: {  	s24 =	rddreg [dreg:$0xd];
	s12 =	simm.s32 $0x0  }
0xa1: {  	[tilespmem:s30], [sflag:$0x1] =	stream.linear.gather [hbm4b:s24+s12], $0x1C00, $0x38;
	[tilespmem:$0x17F00] =	vst v63  }
0xa2: {  	s24 =	rddreg [dreg:$0xe]  }
0xa3: {  	[tilespmem:s8], [sflag:$0x1] =	stream.linear.gather [hbm4b:s24+s12], $0x1C00, $0x38;
	[tilespmem:$0x17F00] =	vst v63  }
0xa4: {  	_ =	swait.ge [sflag:s9], $0x1C00  }
0xa5: {  	[sflag:s9] =	ssyncset.done $0x0  }
0xa6: {  	s21 =	simm.s32 $0x0;
	[sflag:s9] =	ssyncadd.s32 $0xFFFFE400  }
0xa7: {  	v0 =	vld [tilespmem:s21+$0xF300]  }
0xa8: {  	s24 =	simm.s32 $0x40  }
.LBB2_8:
0xa9: {  	p0 =	sne.s32 s24, $0x6FC0  }
.Ltmp3:
0xaa: {  	_ = 	snop;
	(pc) =	sbr.rel @p0 .LBB2_8-.Ltmp3, $4  }
0xab: {  	_ = 	snop  }
0xac: {  	s12 =	sshra.s32 s24, $0x2;
	s24 =	sadd.s32 $0x40, s24;
	v1 =	vand.u32 $0xFFFF0000, v0;
	v2 =	vshll.u32 v0, $0x10  }
0xad: {  	v0 =	vld [tilespmem:s12+$0xF300];
	[tilespmem:s21+$0x16300] =	vst v2  }
0xae: {  	[tilespmem:s21+$0x12B00] =	vst v1;
	s21 =	smov.u32 s12  }
0xaf: {  	_ =	sdelay $0x2  }
0xb0: {  	v1 =	vshll.u32 v0, $0x10  }
0xb1: {  	v0 =	vand.u32 $0xFFFF0000, v0;
	[tilespmem:s21+$0x16300] =	vst v1  }
0xb2: {  	[tilespmem:s21+$0x12B00] =	vst v0  }
0xb3: {  	[spmem:s2] =	stream.indirect.scatter.add.f32 [tilespmem:s14], [sflag:$0x4], $0x1, s31, s4, $0xb8;
	[tilespmem:$0x17F00] =	vst v63  }
0xb4: {  	_ = 	snop  }
0xb5: {  	[spmem:s3] =	stream.indirect.scatter.add.f32 [tilespmem:s15], [sflag:$0x6], $0x1, s31, s4, $0xb8;
	[tilespmem:$0x17F00] =	vst v63  }
0xb6: {  	_ =	swait.ge [sflag:s0], $0x1C00  }
0xb7: {  	[sflag:s0] =	ssyncset.done $0x0  }
0xb8: {  	[sflag:s0] =	ssyncadd.s32 $0xFFFFE400  }
0xb9: {  	_ =	swait.ge [sflag:s0], $0x1C00  }
0xba: {  	[sflag:s0] =	ssyncset.done $0x0  }
0xbb: {  	[sflag:s0] =	ssyncadd.s32 $0xFFFFE400  }
0xbc: {  	_ =	swait.ge [sflag:s16], $0x1C00  }
0xbd: {  	[sflag:s16] =	ssyncset.done $0x0  }
0xbe: {  	[sflag:s16] =	ssyncadd.s32 $0xFFFFE400  }
0xbf: {  	_ =	swait.ge [sflag:s17], $0x1C00  }
0xc0: {  	[sflag:s17] =	ssyncset.done $0x0  }
0xc1: {  	[sflag:s17] =	ssyncadd.s32 $0xFFFFE400  }
0xc2: {  	[tilespmem:s6], [sflag:$0x2] =	stream.indirect.gather [spmem:s1], $0x1, s30, s4, $0xb8;
	[tilespmem:$0x17F00] =	vst v63  }
0xc3: {  	s12 =	simm.s32 $0x0;
	s24 =	rddreg [dreg:$0xf]  }
0xc4: {  	[tilespmem:s7], [sflag:$0x1] =	stream.linear.gather [hbm4b:s24+s12], $0x1C00, $0x38;
	[tilespmem:$0x17F00] =	vst v63  }
0xc5: {  	s24 =	rddreg [dreg:$0x10]  }
0xc6: {  	[tilespmem:s13], [sflag:$0x1] =	stream.linear.gather [hbm4b:s24+s12], $0x1C00, $0x38;
	[tilespmem:$0x17F00] =	vst v63  }
0xc7: {  	_ =	swait.ge [sflag:s9], $0x1C00  }
0xc8: {  	[sflag:s9] =	ssyncset.done $0x0  }
0xc9: {  	s21 =	simm.s32 $0x0;
	[sflag:s9] =	ssyncadd.s32 $0xFFFFE400  }
0xca: {  	v0 =	vld [tilespmem:s21+$0xD700]  }
0xcb: {  	s24 =	simm.s32 $0x40  }
.LBB2_10:
0xcc: {  	p0 =	sne.s32 s24, $0x6FC0  }
.Ltmp4:
0xcd: {  	_ = 	snop;
	(pc) =	sbr.rel @p0 .LBB2_10-.Ltmp4, $4  }
0xce: {  	_ = 	snop  }
0xcf: {  	s12 =	sshra.s32 s24, $0x2;
	s24 =	sadd.s32 $0x40, s24;
	v1 =	vand.u32 $0xFFFF0000, v0;
	v2 =	vshll.u32 v0, $0x10  }
0xd0: {  	v0 =	vld [tilespmem:s12+$0xD700];
	[tilespmem:s21+$0x14700] =	vst v2  }
0xd1: {  	[tilespmem:s21+$0x10F00] =	vst v1;
	s21 =	smov.u32 s12  }
0xd2: {  	_ =	sdelay $0x2  }
0xd3: {  	v1 =	vshll.u32 v0, $0x10  }
0xd4: {  	v0 =	vand.u32 $0xFFFF0000, v0;
	[tilespmem:s21+$0x14700] =	vst v1  }
0xd5: {  	[tilespmem:s21+$0x10F00] =	vst v0  }
0xd6: {  	[spmem:s2] =	stream.indirect.scatter.add.f32 [tilespmem:s10], [sflag:$0x3], $0x1, s8, s4, $0xb8;
	[tilespmem:$0x17F00] =	vst v63  }
0xd7: {  	_ = 	snop  }
0xd8: {  	[spmem:s3] =	stream.indirect.scatter.add.f32 [tilespmem:s11], [sflag:$0x5], $0x1, s8, s4, $0xb8;
	[tilespmem:$0x17F00] =	vst v63  }
0xd9: {  	_ =	swait.ge [sflag:s0], $0x1C00  }
0xda: {  	[sflag:s0] =	ssyncset.done $0x0  }
0xdb: {  	[sflag:s0] =	ssyncadd.s32 $0xFFFFE400  }
0xdc: {  	_ =	swait.ge [sflag:s0], $0x1C00  }
0xdd: {  	[sflag:s0] =	ssyncset.done $0x0  }
0xde: {  	[sflag:s0] =	ssyncadd.s32 $0xFFFFE400  }
0xdf: {  	_ =	swait.ge [sflag:s18], $0x1C00  }
0xe0: {  	[sflag:s18] =	ssyncset.done $0x0  }
0xe1: {  	[sflag:s18] =	ssyncadd.s32 $0xFFFFE400  }
0xe2: {  	_ =	swait.ge [sflag:s19], $0x1C00  }
0xe3: {  	[sflag:s19] =	ssyncset.done $0x0  }
0xe4: {  	s12 =	simm.s32 $0xF300;
	[sflag:s19] =	ssyncadd.s32 $0xFFFFE400  }
0xe5: {  	[tilespmem:s12], [sflag:$0x2] =	stream.indirect.gather [spmem:s1], $0x1, s7, s4, $0xb8;
	[tilespmem:$0x17F00] =	vst v63  }
0xe6: {  	s24 =	rddreg [dreg:$0x11];
	s12 =	simm.s32 $0x0  }
0xe7: {  	[tilespmem:s30], [sflag:$0x1] =	stream.linear.gather [hbm4b:s24+s12], $0x1C00, $0x38;
	[tilespmem:$0x17F00] =	vst v63  }
0xe8: {  	s24 =	rddreg [dreg:$0x12]  }
0xe9: {  	[tilespmem:s31], [sflag:$0x1] =	stream.linear.gather [hbm4b:s24+s12], $0x1C00, $0x38;
	[tilespmem:$0x17F00] =	vst v63  }
0xea: {  	_ =	swait.ge [sflag:s9], $0x1C00  }
0xeb: {  	[sflag:s9] =	ssyncset.done $0x0  }
0xec: {  	s21 =	simm.s32 $0x0;
	[sflag:s9] =	ssyncadd.s32 $0xFFFFE400  }
0xed: {  	v0 =	vld [tilespmem:s21+$0xF300]  }
0xee: {  	s24 =	simm.s32 $0x40  }
.LBB2_12:
0xef: {  	p0 =	sne.s32 s24, $0x6FC0  }
.Ltmp5:
0xf0: {  	_ = 	snop;
	(pc) =	sbr.rel @p0 .LBB2_12-.Ltmp5, $4  }
0xf1: {  	_ = 	snop  }
0xf2: {  	s12 =	sshra.s32 s24, $0x2;
	s24 =	sadd.s32 $0x40, s24;
	v1 =	vand.u32 $0xFFFF0000, v0;
	v2 =	vshll.u32 v0, $0x10  }
0xf3: {  	v0 =	vld [tilespmem:s12+$0xF300];
	[tilespmem:s21+$0x16300] =	vst v2  }
0xf4: {  	[tilespmem:s21+$0x12B00] =	vst v1;
	s21 =	smov.u32 s12  }
0xf5: {  	_ =	sdelay $0x2  }
0xf6: {  	v1 =	vshll.u32 v0, $0x10  }
0xf7: {  	v0 =	vand.u32 $0xFFFF0000, v0;
	[tilespmem:s21+$0x16300] =	vst v1  }
0xf8: {  	[tilespmem:s21+$0x12B00] =	vst v0  }
0xf9: {  	[spmem:s2] =	stream.indirect.scatter.add.f32 [tilespmem:s14], [sflag:$0x4], $0x1, s13, s4, $0xb8;
	[tilespmem:$0x17F00] =	vst v63  }
0xfa: {  	_ = 	snop  }
0xfb: {  	[spmem:s3] =	stream.indirect.scatter.add.f32 [tilespmem:s15], [sflag:$0x6], $0x1, s13, s4, $0xb8;
	[tilespmem:$0x17F00] =	vst v63  }
0xfc: {  	_ =	swait.ge [sflag:s0], $0x1C00  }
0xfd: {  	[sflag:s0] =	ssyncset.done $0x0  }
0xfe: {  	[sflag:s0] =	ssyncadd.s32 $0xFFFFE400  }
0xff: {  	_ =	swait.ge [sflag:s0], $0x1C00  }
0x100: {  	[sflag:s0] =	ssyncset.done $0x0  }
0x101: {  	[sflag:s0] =	ssyncadd.s32 $0xFFFFE400  }
0x102: {  	_ =	swait.ge [sflag:s16], $0x1C00  }
0x103: {  	[sflag:s16] =	ssyncset.done $0x0  }
0x104: {  	[sflag:s16] =	ssyncadd.s32 $0xFFFFE400  }
0x105: {  	_ =	swait.ge [sflag:s17], $0x1C00  }
0x106: {  	[sflag:s17] =	ssyncset.done $0x0  }
0x107: {  	[sflag:s17] =	ssyncadd.s32 $0xFFFFE400  }
0x108: {  	[tilespmem:s6], [sflag:$0x2] =	stream.indirect.gather [spmem:s1], $0x1, s30, s4, $0xb8;
	[tilespmem:$0x17F00] =	vst v63  }
0x109: {  	_ =	swait.ge [sflag:s9], $0x1C00  }
0x10a: {  	[sflag:s9] =	ssyncset.done $0x0  }
0x10b: {  	s21 =	simm.s32 $0x0;
	[sflag:s9] =	ssyncadd.s32 $0xFFFFE400  }
0x10c: {  	v0 =	vld [tilespmem:s21+$0xD700]  }
0x10d: {  	s24 =	simm.s32 $0x40  }
.LBB2_14:
0x10e: {  	p0 =	sne.s32 s24, $0x6FC0  }
.Ltmp6:
0x10f: {  	_ = 	snop;
	(pc) =	sbr.rel @p0 .LBB2_14-.Ltmp6, $4  }
0x110: {  	_ = 	snop  }
0x111: {  	s12 =	sshra.s32 s24, $0x2;
	s24 =	sadd.s32 $0x40, s24;
	v1 =	vand.u32 $0xFFFF0000, v0;
	v2 =	vshll.u32 v0, $0x10  }
0x112: {  	v0 =	vld [tilespmem:s12+$0xD700];
	[tilespmem:s21+$0x14700] =	vst v2  }
0x113: {  	[tilespmem:s21+$0x10F00] =	vst v1;
	s21 =	smov.u32 s12  }
0x114: {  	_ =	sdelay $0x2  }
0x115: {  	v1 =	vshll.u32 v0, $0x10  }
0x116: {  	v63 =	vand.u32 $0xFFFF0000, v0;
	[tilespmem:s21+$0x14700] =	vst v1  }
0x117: {  	[tilespmem:s21+$0x10F00] =	vst v63  }
0x118: {  	[spmem:s2] =	stream.indirect.scatter.add.f32 [tilespmem:s10], [sflag:$0x3], $0x1, s31, s4, $0xb8;
	[tilespmem:$0x17F00] =	vst v63  }
0x119: {  	_ = 	snop  }
0x11a: {  	[spmem:s3] =	stream.indirect.scatter.add.f32 [tilespmem:s11], [sflag:$0x5], $0x1, s31, s4, $0xb8;
	[tilespmem:$0x17F00] =	vst v63  }
0x11b: {  	_ =	swait.ge [sflag:s18], $0x1C00  }
0x11c: {  	[sflag:s18] =	ssyncset.done $0x0  }
0x11d: {  	[sflag:s18] =	ssyncadd.s32 $0xFFFFE400  }
0x11e: {  	_ =	swait.ge [sflag:s19], $0x1C00  }
0x11f: {  	[sflag:s19] =	ssyncset.done $0x0  }
0x120: {  	[sflag:s19] =	ssyncadd.s32 $0xFFFFE400  }
0x121: {  	_ =	swait.ge [sflag:s16], $0x1C00  }
0x122: {  	[sflag:s16] =	ssyncset.done $0x0  }
0x123: {  	[sflag:s16] =	ssyncadd.s32 $0xFFFFE400  }
0x124: {  	_ =	swait.ge [sflag:s17], $0x1C00  }
0x125: {  	[sflag:s17] =	ssyncset.done $0x0  }
0x126: {  	[sflag:s17] =	ssyncadd.s32 $0xFFFFE400  }
0x127: {  	s24 =	simm.s32 $0x10;
	s21 =	simm.s32 $0x20;
	[bflag:$0x0] =	sbarrier.arrive $0xFFFF  }
0x128: {  	[hbm:s20@s21], [sflag:s22] =	dma.strided [spmem:s26@s24], $0x320, s0, $0x10   }
0x129: {  	_ =	swait.ge [sflag:s29], $0x320  }
0x12a: {  	[sflag:s29] =	ssyncset.done $0x0  }
0x12b: {  	s12 =	sadd.s32 $0x10, s20;
	[sflag:s29] =	ssyncadd.s32 $0xFFFFFCE0  }
0x12c: {  	[hbm:s12@s21], [sflag:s22] =	dma.strided [spmem:s28@s24], $0x320, s0, $0x10   }
0x12d: {  	_ =	swait.ge [sflag:s29], $0x320  }
0x12e: {  	s25 =	sadd.s32 $0x1, s25;
	s28 =	rddreg [dreg:$0x16]  }
0x12f: {  	p0 =	sne.s32 s25, s28  }
.Ltmp7:
0x130: {  	_ = 	snop;
	(pc) =	sbr.rel @p0 .LBB2_1-.Ltmp7, $3  }
0x131: {  	_ =	sdelay $0x1  }
0x132: {  	[sflag:s29] =	ssyncset.done $0x0  }
0x133: {  	[sflag:s29] =	ssyncadd.s32 $0xFFFFFCE0  }
0x134: {  	_ =	sfence.sel $0x180000  }
0x135: {  	[bflag:$0x0] =	sbarrier.arrive $0xFFFF  }
0x136: {  	_ =	strace $0x9000004D  }
0x137: {  	s0 =	stileid.u32;
	[bflag:$0x2] =	sbarrier.arrive $0xFFFF  }
0x138: {  	p0 =	sne.s32 s0, $0x0;
	s0 =	rddreg [dreg:$0x4]  }
0x139: {  	s0 =	sadd.s32 @!p0 $0x100000, s0  }
0x13a: {  	[sflag:s0] =	ssyncadd.tile.s32 @!p0 $0x1;
	_ =	shalt  }
.Lfunc_end2:
_tile_overlayer_lowered:
.L_overlay_start_2:
0x13b: {  	(tag) =	ssettag $0x2  }
0x13c: {  	s0 =	rddreg [dreg:$0x0];
	s2 =	stileid.u32  }
0x13d: {  	s1 =	rddreg [dreg:$0x1];
	p0 =	sne.s32 s2, $0x0  }
0x13e: {  	s3 =	rddreg [dreg:$0x2];
	[bflag:$0x3] =	sbarrier.arrive $0xFFFF;
	s2 =	simm.s32 @!p0 $0x1C07  }
0x13f: {  	[timem:s3], [sflag:s2] =	dma.local @!p0 [hbm:s0], s1  }
0x140: {  	s0 =	simm.s32 @!p0 $0x7  }
0x141: {  	_ =	swait.ge @!p0 [sflag:s0], s1  }
0x142: {  	s1 =	ssub.s32 @!p0 $0x0, s1;
	[sflag:s0] =	ssyncset.done @!p0 $0x0  }
0x143: {  	[sflag:s0] =	ssyncadd.s32 @!p0 s1  }
0x144: {  	[bflag:$0x3] =	sbarrier.arrive $0xFFFF  }
0x145: {  	_ =	shalt  }

// kernel: kernel.8.cloned.1.call-start
scs
__scs_entry_jumppad:
0x0: {  	(pc) =	sbr.rel $0x88, $3  }
0x1: {  	(tag) =	ssettag $0x0;
	lr =	simm.s32 $0x1  }
0x2: {  	[smem:$0x3F99] =	sst lr;
	_ =	strace $0xD0000000  }
0x3: {  	_ = 	snop  }
0x4: {  	_ = 	snop  }
0x5: {  	_ = 	snop  }
0x6: {  	_ = 	snop  }
0x7: {  	_ = 	snop  }
__scs_overlays_trampoline_lowered:
0x8: {  	[smem:$0x3FA8] =	sst s0  }
0x9: {  	[smem:$0x3FA9] =	sst s1  }
0xa: {  	[smem:$0x3FAA] =	sst s2  }
0xb: {  	[smem:$0x3FAB] =	sst s3  }
0xc: {  	[smem:$0x3FAC] =	sst s4  }
0xd: {  	[smem:$0x3FAD] =	sst s5  }
0xe: {  	[smem:$0x3FAE] =	sst s6  }
0xf: {  	[smem:$0x3FAF] =	sst s7  }
0x10: {  	[smem:$0x3FB0] =	sst s8  }
0x11: {  	[smem:$0x3FB1] =	sst s9;
	s0 =	simm.s32 @!p0 $0x0  }
0x12: {  	s1 =	sld [smem:$0x3F97];
	s0 =	simm.s32 @p0 $0x1  }
0x13: {  	[smem:$0x3FB2] =	sst s0;
	s0 =	simm.s32 @!p1 $0x0  }
0x14: {  	s2 =	sld [smem:$0x3F96];
	s0 =	simm.s32 @p1 $0x1  }
0x15: {  	[smem:$0x3FB3] =	sst s0;
	s0 =	simm.s32 @!p2 $0x0  }
0x16: {  	s3 =	sld [smem:$0x3FDB];
	s0 =	simm.s32 @p2 $0x1  }
0x17: {  	s4 =	simm.s32 $0x1BF5;
	[smem:$0x3FB5] =	sst s0  }
0x18: {  	s0 =	sld [smem:$0x3F98];
	_ =	swait.ge [sflag:s4], $0x0  }
0x19: {  	s7 =	sld [smem:$0x3F99]  }
0x1a: {  	s8 =	sadd.s32 $0xFFFFE003, lr  }
0x1b: {  	s9 =	sadd.s32 $0xFFFFFEF7, lr;
	s5 =	simm.s32 $0xFFFFFFFF;
	p2 =	slt.u32 s8, $0xFFFFF086  }
0x1c: {  	p1 =	slt.u32 s9, $0xF7A;
	s5 =	simm.s32 @!p2 $0x0  }
0x1d: {  	s5 =	simm.s32 @p1 $0x1;
	p0 =	seq.s32 s7, s2  }
0x1e: {  	s7 =	smul.u32 @!p0 $0xF7A, s2;
	p2 =	seq.s32 @!p0 s5, $0x0  }
0x1f: {  	s9 =	smul.u32 $0xF7A, s1;
	s8 =	simm.s32 @!p0 $0x1BF5;
	p2 =	por !p2, p0  }
0x20: {  	[sflag:s8] =	ssyncset.s32 @!p0 $0xFFFFF086;
	s6 =	sadd.s32 @!p0 s3, s7;
	s7 =	simm.s32 @!p0 $0x108  }
0x21: {  	s3 =	sadd.s32 s3, s9;
	s6 =	sadd.s32 @!p0 $0x88, s6;
	s7 =	simm.s32 @p2 $0x1082  }
0x22: {  	[simem:s7], [sflag:s8] =	dma.local @!p0 [hbm:s6], $0xF7A  }
0x23: {  	s9 =	sor.u32 $0xD0000000, s2;
	s6 =	simm.s32 $0x108;
	_ =	swait.ge @!p0 [sflag:s8], $0x0  }
0x24: {  	s3 =	sadd.s32 $0x88, s3;
	s6 =	simm.s32 @!p1 $0x1082;
	[sflag:s4] =	ssyncset.s32 $0xFFFFF086  }
0x25: {  	[simem:s6], [sflag:s4] =	dma.local [hbm:s3], $0xF7A  }
0x26: {  	[smem:$0x3F99] =	sst s1;
	(tag) =	ssettag s2;
	_ =	strace s9  }
0x27: {  	s1 =	sld [smem:$0x3FA9]  }
0x28: {  	s2 =	sld [smem:$0x3FAA]  }
0x29: {  	s4 =	sld [smem:$0x3FAC]  }
0x2a: {  	p0 =	seq.s32 s5, $0x0;
	s5 =	sld [smem:$0x3FAD]  }
0x2b: {  	s6 =	sld [smem:$0x3FAE]  }
0x2c: {  	s7 =	sld [smem:$0x3FAF]  }
0x2d: {  	s3 =	simm.s32 $0x108;
	s8 =	sld [smem:$0x3FB0]  }
0x2e: {  	s3 =	simm.s32 @!p0 $0x1082;
	s9 =	sld [smem:$0x3FB1]  }
0x2f: {  	lr =	sadd.s32 s0, s3;
	s0 =	sld [smem:$0x3FA8]  }
0x30: {  	s3 =	sld [smem:$0x3FAB]  }
0x31: {  	[smem:$0x3FB4] =	sst s10  }
0x32: {  	s10 =	sld [smem:$0x3FB2];
	_ =	sdelay $0x3  }
0x33: {  	p0 =	seq.s32 s10, $0x1;
	s10 =	sld [smem:$0x3FB4];
	_ =	sdelay $0x3  }
0x34: {  	[smem:$0x3FB4] =	sst s10  }
0x35: {  	s10 =	sld [smem:$0x3FB3];
	_ =	sdelay $0x3  }
0x36: {  	p1 =	seq.s32 s10, $0x1;
	s10 =	sld [smem:$0x3FB4];
	_ =	sdelay $0x3  }
0x37: {  	[smem:$0x3FB4] =	sst s10  }
0x38: {  	s10 =	sld [smem:$0x3FB5]  }
0x39: {  	_ = 	snop;
	(pc) =	sbr.ind lr, $3  }
0x3a: {  	_ = 	snop  }
0x3b: {  	_ = 	snop  }
0x3c: {  	p2 =	seq.s32 s10, $0x1;
	s10 =	sld [smem:$0x3FB4]  }
0x3d: {  	_ =	shalt  }
0x3e: {  	_ =	shalt  }
0x3f: {  	_ =	shalt  }
0x40: {  	_ =	shalt  }
0x41: {  	_ =	shalt  }
0x42: {  	_ =	shalt  }
0x43: {  	_ =	shalt  }
0x44: {  	_ =	shalt  }
0x45: {  	_ =	shalt  }
0x46: {  	_ =	shalt  }
0x47: {  	_ =	shalt  }
0x48: {  	_ =	shalt  }
0x49: {  	_ =	shalt  }
0x4a: {  	_ =	shalt  }
0x4b: {  	_ =	shalt  }
0x4c: {  	_ =	shalt  }
0x4d: {  	_ =	shalt  }
0x4e: {  	_ =	shalt  }
0x4f: {  	_ =	shalt  }
0x50: {  	_ =	shalt  }
0x51: {  	_ =	shalt  }
0x52: {  	_ =	shalt  }
0x53: {  	_ =	shalt  }
0x54: {  	_ =	shalt  }
0x55: {  	_ =	shalt  }
0x56: {  	_ =	shalt  }
0x57: {  	_ =	shalt  }
0x58: {  	_ =	shalt  }
0x59: {  	_ =	shalt  }
0x5a: {  	_ =	shalt  }
0x5b: {  	_ =	shalt  }
0x5c: {  	_ =	shalt  }
0x5d: {  	_ =	shalt  }
0x5e: {  	_ =	shalt  }
0x5f: {  	_ =	shalt  }
0x60: {  	_ =	shalt  }
0x61: {  	_ =	shalt  }
0x62: {  	_ =	shalt  }
0x63: {  	_ =	shalt  }
0x64: {  	_ =	shalt  }
0x65: {  	_ =	shalt  }
0x66: {  	_ =	shalt  }
0x67: {  	_ =	shalt  }
0x68: {  	_ =	shalt  }
0x69: {  	_ =	shalt  }
0x6a: {  	_ =	shalt  }
0x6b: {  	_ =	shalt  }
0x6c: {  	_ =	shalt  }
0x6d: {  	_ =	shalt  }
0x6e: {  	_ =	shalt  }
0x6f: {  	_ =	shalt  }
0x70: {  	_ =	shalt  }
0x71: {  	_ =	shalt  }
0x72: {  	_ =	shalt  }
0x73: {  	_ =	shalt  }
0x74: {  	_ =	shalt  }
0x75: {  	_ =	shalt  }
0x76: {  	_ =	shalt  }
0x77: {  	_ =	shalt  }
0x78: {  	_ =	shalt  }
0x79: {  	_ =	shalt  }
0x7a: {  	_ =	shalt  }
0x7b: {  	_ =	shalt  }
0x7c: {  	_ =	shalt  }
0x7d: {  	_ =	shalt  }
0x7e: {  	_ =	shalt  }
0x7f: {  	_ =	shalt  }
0x80: {  	_ =	shalt  }
0x81: {  	_ =	shalt  }
0x82: {  	_ =	shalt  }
0x83: {  	_ =	shalt  }
0x84: {  	_ =	shalt  }
0x85: {  	_ =	shalt  }
0x86: {  	_ =	shalt  }
0x87: {  	_ =	shalt  }
.Lfunc_end0:
.L_simem_size_0:
called_computation_lowered:
.L_overlay_start_0:
0x88: {  	s2 =	sld [smem:$0x3FD9]  }
0x89: {  	s3 =	sld [smem:$0x3FFE];
	_ =	sdelay $0x1  }
0x8a: {  	s1 =	srdreg.scid  }
0x8b: {  	s0 =	sand.u32 $0x1, s1  }
0x8c: {  	s16 =	sshll.u32 s0, $0xA;
	s2 =	sadd.s32 s3, s2  }
0x8d: {  	s2 =	sadd.s32 s2, s16  }
0x8e: {  	[smem:$0x3FC0] =	sst s2  }
0x8f: {  	_ = 	snop  }
0x90: {  	(tm) =	ssettm $0x1  }
0x91: {  	s17 =	sld [smem:$0x3FFB];
	_ =	sdelay $0x3  }
0x92: {  	_ =	strace s17  }
0x93: {  	s2 =	sld [smem:$0x3FFC];
	_ =	sdelay $0x3  }
0x94: {  	_ =	strace s2  }
0x95: {  	s2 =	sld [smem:$0x3FFD];
	_ =	sdelay $0x3  }
0x96: {  	_ =	strace s2  }
0x97: {  	_ =	strace $0x8FFFFFFF  }
0x98: {  	s18 =	sld [smem:$0x3FDB];
	_ =	sdelay $0x1  }
0x99: {  	s19 =	simm.s32 $_scs_section_size  }
0x9a: {  	s4 =	simm.s32 $_size__tile_overlayer_lowered;
	s5 =	simm.s32 $_tile_overlayer_lowered  }
0x9b: {  	s22 =	simm.s32 $0x1BFF;
	s21 =	sshll.u32 s5, $0x1;
	s2 =	sadd.s32 s19, s18  }
0x9c: {  	s6 =	simm.s32 $0x0;
	s20 =	sshll.u32 s4, $0x1;
	s4 =	sadd.s32 s21, s2  }
0x9d: {  	[timem:s6], [sflag:s22] =	dma.local [hbm:s4], s20  }
0x9e: {  	_ =	swait.ge [sflag:s22], s20  }
0x9f: {  	s3 =	ssub.s32 $0x0, s20;
	[sflag:s22] =	ssyncset.done $0x0  }
0xa0: {  	[sflag:s22] =	ssyncadd.s32 s3;
	_ =	sdelay $0x1  }
0xa1: {  	s23 =	simm.s32 $0x1B8B  }
0xa2: {  	_ =	swait.ge [sflag:s23], $0x1  }
0xa3: {  	[sflag:s23] =	ssyncset.done $0x0  }
0xa4: {  	s25 =	simm.s32 $0x1B8E;
	s24 =	sld [smem:$0x3FFE];
	[sflag:s23] =	ssyncadd.s32 $0xFFFFFFFF  }
0xa5: {  	s26 =	simm.s32 $execute0_lowered;
	[smem:$0x3FD2] =	sst s25  }
0xa6: {  	s4 =	sshll.u32 s26, $0x1;
	_ =	strace $0x80000046;
	[dreg:$0x1] =	wrdreg $0xFFFFFFFF  }
0xa7: {  	s28 =	simm.s32 $_size_execute0_lowered;
	s2 =	sadd.s32 s2, s4;
	[dreg:$0x0] =	wrdreg $0x0  }
0xa8: {  	s4 =	sshll.u32 s28, $0x1;
	[dreg:$0x2] =	wrdreg s2  }
0xa9: {  	[dreg:$0x3] =	wrdreg s4  }
0xaa: {  	[dreg:$0x4] =	wrdreg $0xC0  }
0xab: {  	_ =	task [dreg:s6], $0x5FFFF  }
0xac: {  	[dreg:$0x1] =	wrdreg $0xFFFFFFFF  }
0xad: {  	[dreg:$0x0] =	wrdreg $0x60  }
0xae: {  	[dreg:$0x2] =	wrdreg s24  }
0xaf: {  	[dreg:$0x3] =	wrdreg $0x0  }
0xb0: {  	[dreg:$0x4] =	wrdreg $0x9  }
0xb1: {  	_ =	task.clear_ibuf [dreg:s6], $0x5FFFF;
	_ =	strace $0x90000046  }
0xb2: {  	s29 =	simm.s32 $0x9;
	_ =	strace $0x80000048  }
0xb3: {  	_ =	swait.ge [sflag:s29], $0x1  }
0xb4: {  	[sflag:s29] =	ssyncadd.s32 $0xFFFFFFFF  }
0xb5: {  	_ =	strace $0x90000048  }
0xb6: {  	_ =	sfence  }
0xb7: {  	s30 =	sld [smem:$0x0];
	_ =	sdelay $0x2  }
0xb8: {  	s31 =	sshll.u32 s1, $0xD;
	s1 =	sshrl.u32 s1, $0x2  }
0xb9: {  	s3 =	sand.u32 $0x4000, s31;
	s1 =	sadd.s32 s1, s30  }
0xba: {  	s0 =	sor.u32 s3, s0;
	s1 =	sshll.u32 s1, $0x11  }
0xbb: {  	s0 =	sor.u32 s1, s0  }
0xbc: {  	s0 =	sadd.s32 $0x8F2B, s0  }
0xbd: {  	[sflag:s0] =	ssyncadd.remote.s32 $0x1  }
0xbe: {  	_ =	sfence.sel $0xFFFF  }
0xbf: {  	[dreg:$0x0] =	wrdreg $0xFFFFFFFF;
	(pc) =	sbr.abs _section_cstart, $3  }
0xc0: {  	[dreg:$0x1] =	wrdreg $0xFFFFFFFF  }
0xc1: {  	_ =	task.clear_ibuf [dreg:s6], $0x2FFFF;
	_ =	strace $0x9FFFFFFF  }
0xc2: {  	(tm) =	ssettm $0x7FFFFFFF  }
0xc3: {  	_ =	shalt  }
tec
execute0_lowered:
.L_overlay_start_1:
0x0: {  	(tag) =	ssettag $0x1  }
0x1: {  	s1 =	srdreg.scid  }
0x2: {  	s0 =	stileid.u32;
	s5 =	rddreg [dreg:$0x0]  }
0x3: {  	s2 =	rddreg [dreg:$0x1];
	s3 =	simm.s32 $0x0;
	s15 =	simm.s32 $0x4  }
0x4: {  	s16 =	simm.s32 $0x1900;
	s17 =	simm.s32 $0x1;
	s18 =	simm.s32 $0x3500  }
0x5: {  	s19 =	simm.s32 $0x1C00;
	s20 =	simm.s32 $0x6D00;
	s21 =	simm.s32 $0x5100  }
0x6: {  	s22 =	simm.s32 $0x2;
	s23 =	simm.s32 $0x3;
	s26 =	simm.s32 $0x100  }
0x7: {  	s28 =	simm.s32 $0x0;
	s4 =	sand.u32 $0x1, s1;
	s7 =	smul.u32 $0x1900, s0  }
0x8: {  	s29 =	sshll.u32 s0, $0x1;
	[smem:$0x7FF] =	sst s3;
	s25 =	smul.u32 $0x640, s0  }
0x9: {  	s1 =	sor.u32 s4, s29;
	s8 =	sshll.u32 s4, $0x4;
	s4 =	ssub.s32 $0x2, s4  }
0xa: {  	s6 =	smul.u32 $0xC400, s1;
	s1 =	rddreg [dreg:$0x2];
	_ =	strace $0x80000047  }
0xb: {  	s30 =	sshrl.u32 s7, $0x3;
	s13 =	sadd.s32 s8, s5;
	s31 =	sshrl.u32 s4, $0x1  }
0xc: {  	s14 =	ssub.s32 s4, s31;
	s24 =	sadd.s32 $0x35600, s13;
	s6 =	sshrl.u32 s6, $0x3  }
0xd: {  	s13 =	smax.u32 s14, $0x1;
	s14 =	simm.s32 $0x8900;
	s24 =	sadd.s32 s25, s24  }
0xe: {  	s25 =	simm.s32 $0x80;
	s12 =	sadd.s32 s6, s5;
	s6 =	sadd.s32 s30, s5  }
0xf: {  	s5 =	sadd.s32 s7, s2;
	s4 =	sadd.s32 $0x32400, s6;
	s6 =	sadd.s32 $0x1400, s12  }
0x10: {  	s7 =	sadd.s32 $0x1780, s12;
	s8 =	sadd.s32 $0x1B00, s12;
	s9 =	sadd.s32 $0x1E80, s12  }
0x11: {  	v0 =	vimm.f32 $1.000000000e+00;
	s10 =	sadd.s32 $0x2200, s12;
	s11 =	sadd.s32 $0x2580, s12;
	s12 =	sadd.s32 $0x2900, s12  }
.LBB2_1:
0x12: {  	s29 =	simm.s32 $0x40;
	s30 =	simm.s32 $0x0  }
.LBB2_2:
0x13: {  	p0 =	sne.s32 s29, $0x6FC0;
	[tilespmem:s30+$0x6D00] =	vst v0;
	s30 =	smov.u32 s29;
	s29 =	sadd.s32 $0x40, s29  }
.Ltmp0:
0x14: {  	(pc) =	sbr.rel @p0 .LBB2_2-.Ltmp0, $2  }
0x15: {  	_ =	sdelay $0x2  }
0x16: {  	s30 =	sshra.s32 s30, $0x2  }
0x17: {  	[tilespmem:s30+$0x6D00] =	vst v0  }
0x18: {  	[tilespmem:s14], [sflag:$0x4] =	stream.linear.gather [hbm4b:s4+s3], $0x1900, $0x38;
	[tilespmem:$0xA200] =	vst v63  }
0x19: {  	_ =	swait.ge [sflag:s15], $0x1900  }
0x1a: {  	[sflag:s15] =	ssyncset.done $0x0  }
0x1b: {  	[sflag:s15] =	ssyncadd.s32 $0xFFFFE700  }
0x1c: {  	[spmem:s5] =	stream.linear.scatter [tilespmem:s14], [sflag:$0x4], $0x1900, $0x38;
	[tilespmem:$0xA200] =	vst v63  }
0x1d: {  	_ =	swait.ge [sflag:s15], $0x1900  }
0x1e: {  	[sflag:s15] =	ssyncset.done $0x0  }
0x1f: {  	[sflag:s15] =	ssyncadd.s32 $0xFFFFE700  }
0x20: {  	[bflag:$0x0] =	sbarrier.arrive $0xFFFF  }
0x21: {  	[tilespmem:s16], [sflag:$0x1] =	stream.linear.gather [hbm4b:s6+s3], $0x1C00, $0x38;
	[tilespmem:$0xA200] =	vst v63  }
0x22: {  	_ =	swait.ge [sflag:s17], $0x1C00  }
0x23: {  	[sflag:s17] =	ssyncset.done $0x0  }
0x24: {  	[sflag:s17] =	ssyncadd.s32 $0xFFFFE400  }
0x25: {  	[tilespmem:s18], [sflag:$0x1] =	stream.linear.gather [hbm4b:s7+s3], $0x1C00, $0x38;
	[tilespmem:$0xA200] =	vst v63  }
0x26: {  	_ = 	snop  }
0x27: {  	[spmem:s2] =	stream.indirect.scatter.add.f32 [tilespmem:s20], [sflag:$0x2], $0x1, s16, s19, $0xb8;
	[tilespmem:$0xA200] =	vst v63  }
0x28: {  	_ =	swait.ge [sflag:s17], $0x1C00  }
0x29: {  	[sflag:s17] =	ssyncset.done $0x0  }
0x2a: {  	[sflag:s17] =	ssyncadd.s32 $0xFFFFE400  }
0x2b: {  	[tilespmem:s21], [sflag:$0x1] =	stream.linear.gather [hbm4b:s8+s3], $0x1C00, $0x38;
	[tilespmem:$0xA200] =	vst v63  }
0x2c: {  	_ = 	snop  }
0x2d: {  	[spmem:s2] =	stream.indirect.scatter.add.f32 [tilespmem:s20], [sflag:$0x3], $0x1, s18, s19, $0xb8;
	[tilespmem:$0xA200] =	vst v63  }
0x2e: {  	_ =	swait.ge [sflag:s17], $0x1C00  }
0x2f: {  	[sflag:s17] =	ssyncset.done $0x0  }
0x30: {  	[sflag:s17] =	ssyncadd.s32 $0xFFFFE400  }
0x31: {  	_ =	swait.ge [sflag:s22], $0x1C00  }
0x32: {  	[sflag:s22] =	ssyncset.done $0x0  }
0x33: {  	[sflag:s22] =	ssyncadd.s32 $0xFFFFE400  }
0x34: {  	[tilespmem:s16], [sflag:$0x1] =	stream.linear.gather [hbm4b:s9+s3], $0x1C00, $0x38;
	[tilespmem:$0xA200] =	vst v63  }
0x35: {  	_ = 	snop  }
0x36: {  	[spmem:s2] =	stream.indirect.scatter.add.f32 [tilespmem:s20], [sflag:$0x2], $0x1, s21, s19, $0xb8;
	[tilespmem:$0xA200] =	vst v63  }
0x37: {  	_ =	swait.ge [sflag:s17], $0x1C00  }
0x38: {  	[sflag:s17] =	ssyncset.done $0x0  }
0x39: {  	[sflag:s17] =	ssyncadd.s32 $0xFFFFE400  }
0x3a: {  	_ =	swait.ge [sflag:s23], $0x1C00  }
0x3b: {  	[sflag:s23] =	ssyncset.done $0x0  }
0x3c: {  	[sflag:s23] =	ssyncadd.s32 $0xFFFFE400  }
0x3d: {  	[tilespmem:s18], [sflag:$0x1] =	stream.linear.gather [hbm4b:s10+s3], $0x1C00, $0x38;
	[tilespmem:$0xA200] =	vst v63  }
0x3e: {  	_ = 	snop  }
0x3f: {  	[spmem:s2] =	stream.indirect.scatter.add.f32 [tilespmem:s20], [sflag:$0x3], $0x1, s16, s19, $0xb8;
	[tilespmem:$0xA200] =	vst v63  }
0x40: {  	_ =	swait.ge [sflag:s17], $0x1C00  }
0x41: {  	[sflag:s17] =	ssyncset.done $0x0  }
0x42: {  	[sflag:s17] =	ssyncadd.s32 $0xFFFFE400  }
0x43: {  	_ =	swait.ge [sflag:s22], $0x1C00  }
0x44: {  	[sflag:s22] =	ssyncset.done $0x0  }
0x45: {  	[sflag:s22] =	ssyncadd.s32 $0xFFFFE400  }
0x46: {  	[tilespmem:s21], [sflag:$0x1] =	stream.linear.gather [hbm4b:s11+s3], $0x1C00, $0x38;
	[tilespmem:$0xA200] =	vst v63  }
0x47: {  	_ = 	snop  }
0x48: {  	[spmem:s2] =	stream.indirect.scatter.add.f32 [tilespmem:s20], [sflag:$0x2], $0x1, s18, s19, $0xb8;
	[tilespmem:$0xA200] =	vst v63  }
0x49: {  	_ =	swait.ge [sflag:s17], $0x1C00  }
0x4a: {  	[sflag:s17] =	ssyncset.done $0x0  }
0x4b: {  	[sflag:s17] =	ssyncadd.s32 $0xFFFFE400  }
0x4c: {  	_ =	swait.ge [sflag:s23], $0x1C00  }
0x4d: {  	[sflag:s23] =	ssyncset.done $0x0  }
0x4e: {  	[sflag:s23] =	ssyncadd.s32 $0xFFFFE400  }
0x4f: {  	[tilespmem:s16], [sflag:$0x1] =	stream.linear.gather [hbm4b:s12+s3], $0x1C00, $0x38;
	[tilespmem:$0xA200] =	vst v63  }
0x50: {  	_ = 	snop  }
0x51: {  	[spmem:s2] =	stream.indirect.scatter.add.f32 [tilespmem:s20], [sflag:$0x3], $0x1, s21, s19, $0xb8;
	[tilespmem:$0xA200] =	vst v63  }
0x52: {  	_ =	swait.ge [sflag:s17], $0x1C00  }
0x53: {  	[sflag:s17] =	ssyncset.done $0x0  }
0x54: {  	[sflag:s17] =	ssyncadd.s32 $0xFFFFE400  }
0x55: {  	_ =	swait.ge [sflag:s22], $0x1C00  }
0x56: {  	[sflag:s22] =	ssyncset.done $0x0  }
0x57: {  	[sflag:s22] =	ssyncadd.s32 $0xFFFFE400  }
0x58: {  	[spmem:s2] =	stream.indirect.scatter.add.f32 [tilespmem:s20], [sflag:$0x2], $0x1, s16, s19, $0xb8;
	[tilespmem:$0xA200] =	vst v63  }
0x59: {  	_ =	swait.ge [sflag:s23], $0x1C00  }
0x5a: {  	[sflag:s23] =	ssyncset.done $0x0  }
0x5b: {  	[sflag:s23] =	ssyncadd.s32 $0xFFFFE400  }
0x5c: {  	_ =	swait.ge [sflag:s22], $0x1C00  }
0x5d: {  	[sflag:s22] =	ssyncset.done $0x0  }
0x5e: {  	[sflag:s22] =	ssyncadd.s32 $0xFFFFE400  }
0x5f: {  	[bflag:$0x0] =	sbarrier.arrive $0xFFFF  }
0x60: {  	[tilespmem:s14], [sflag:$0x4] =	stream.linear.gather [spmem:s5], $0x1900, $0x38;
	[tilespmem:$0xA200] =	vst v63  }
0x61: {  	s28 =	sadd.s32 $0x1, s28;
	_ =	swait.ge [sflag:s15], $0x1900  }
0x62: {  	p0 =	sne.s32 s28, s13;
	[sflag:s15] =	ssyncset.done $0x0  }
.Ltmp1:
0x63: {  	[sflag:s15] =	ssyncadd.s32 $0xFFFFE700;
	(pc) =	sbr.rel @p0 .LBB2_1-.Ltmp1, $4  }
0x64: {  	[hbm4b:s24+s25] =	stream.strided.scatter [tilespmem:s14], [sflag:$0x4], $0x1900, s26, s25, $0x38;
	[tilespmem:$0xA200] =	vst v63  }
0x65: {  	_ =	swait.ge [sflag:s15], $0x1900  }
0x66: {  	[sflag:s15] =	ssyncset.done $0x0  }
0x67: {  	[sflag:s15] =	ssyncadd.s32 $0xFFFFE700  }
0x68: {  	_ =	sfence.sel $0x180000  }
0x69: {  	[bflag:$0x0] =	sbarrier.arrive $0xFFFF  }
0x6a: {  	p0 =	sne.s32 s0, $0x0;
	_ =	strace $0x90000047  }
0x6b: {  	s0 =	sadd.s32 @!p0 $0x100000, s1;
	[bflag:$0x2] =	sbarrier.arrive $0xFFFF  }
0x6c: {  	[sflag:s0] =	ssyncadd.tile.s32 @!p0 $0x1;
	_ =	shalt  }
.Lfunc_end2:
_tile_overlayer_lowered:
.L_overlay_start_2:
0x6d: {  	(tag) =	ssettag $0x2  }
0x6e: {  	s0 =	rddreg [dreg:$0x0];
	s2 =	stileid.u32  }
0x6f: {  	s1 =	rddreg [dreg:$0x1];
	p0 =	sne.s32 s2, $0x0  }
0x70: {  	s3 =	rddreg [dreg:$0x2];
	[bflag:$0x3] =	sbarrier.arrive $0xFFFF;
	s2 =	simm.s32 @!p0 $0x1C04  }
0x71: {  	[timem:s3], [sflag:s2] =	dma.local @!p0 [hbm:s0], s1  }
0x72: {  	s0 =	simm.s32 @!p0 $0x4  }
0x73: {  	_ =	swait.ge @!p0 [sflag:s0], s1  }
0x74: {  	s1 =	ssub.s32 @!p0 $0x0, s1;
	[sflag:s0] =	ssyncset.done @!p0 $0x0  }
0x75: {  	[sflag:s0] =	ssyncadd.s32 @!p0 s1  }
0x76: {  	[bflag:$0x3] =	sbarrier.arrive $0xFFFF  }
0x77: {  	_ =	shalt  }

</sc_bundles>
